<compile_context>
chip_gen: v7x
topology: tpu7x:2x2x1
jax: 0.10.2.dev20260603
libtpu: 0.0.44.dev20260713+nightly
codegen_flags: <defaults>
</compile_context>

<pallas_src>
import math

import jax
import jax.numpy as jnp
from jax import lax
from jax.experimental import pallas as pl
from jax.experimental.pallas import tpu as pltpu
from jax.experimental.pallas import tpu_sc as plsc

_CUTOFF = 0.5
_E_PARENT = 6_400_000
_E_FILTER = 3_200_000

_K = 2560
_NCHUNKS = _E_FILTER // _K
_NW = 32
_JMAX = -(-_NCHUNKS // _NW)
_JPAIRS = (_JMAX + 1) // 2

_S3 = -1.0 / 6.0
_S5 = 1.0 / 120.0
_S7 = -1.0 / 5040.0
_S9 = 1.0 / 362880.0


def _sweep(prefetch_idx, fire, finish, drain_writes, sets):
    prefetch_idx(0, sets[0])
    prefetch_idx(1, sets[1])
    fire(0, sets[0], False)
    fire(1, sets[1], False)
    finish(0, sets[0])
    fire(2, sets[0], True)
    finish(1, sets[1])

    def pair_body(jj, carry):
        j0 = 2 * jj
        fire(j0 + 1, sets[1], True)
        finish(j0, sets[0])
        fire(j0 + 2, sets[0], True)
        finish(j0 + 1, sets[1])
        return carry

    lax.fori_loop(1, _JPAIRS, pair_body, 0)
    drain_writes(sets[0])
    drain_writes(sets[1])


def _dist_body(dist_hbm, idx_hbm,
               distf_hbm, sw_hbm, mask_hbm,
               idx_v0, dist_v0, sw_v0, mask_v0,
               idx_v1, dist_v1, sw_v1, mask_v1,
               sem_d0, sem_w0, sem_i0,
               sem_d1, sem_w1, sem_i1):
    wid = lax.axis_index("s") * 2 + lax.axis_index("c")
    ones_i = jnp.ones((16,), jnp.int32)
    zeros_i = jnp.zeros((16,), jnp.int32)

    sets = (
        (idx_v0, dist_v0, sw_v0, mask_v0, sem_d0, sem_w0, sem_i0),
        (idx_v1, dist_v1, sw_v1, mask_v1, sem_d1, sem_w1, sem_i1),
    )

    def prefetch_idx(j, s):
        idx_v, *_rest, sem_i = s
        c = wid + _NW * j

        @pl.when(c < _NCHUNKS)
        def _():
            pltpu.async_copy(idx_hbm.at[pl.ds(c * _K, _K)], idx_v, sem_i)

    def drain_writes(s):
        (_idx, dist_v, sw_v, mask_v, _d, sem_w, _i) = s
        z = pl.ds(0, _K)
        pltpu.make_async_copy(dist_v, distf_hbm.at[z], sem_w).wait()
        pltpu.make_async_copy(sw_v, sw_hbm.at[z], sem_w).wait()
        pltpu.make_async_copy(mask_v, mask_hbm.at[z], sem_w).wait()

    def fire(j, s, drain):
        (idx_v, dist_v, _sw, _mk, sem_d, _w, sem_i) = s
        c = wid + _NW * j

        @pl.when(c < _NCHUNKS)
        def _():
            if drain:
                drain_writes(s)
            pltpu.make_async_copy(
                idx_hbm.at[pl.ds(c * _K, _K)], idx_v, sem_i).wait()
            pltpu.async_copy(dist_hbm.at[idx_v], dist_v, sem_d)

    def finish(j, s):
        (idx_v, dist_v, sw_v, mask_v, sem_d, sem_w, _i) = s
        c = wid + _NW * j

        @pl.when(c < _NCHUNKS)
        def _():
            base = c * _K
            pltpu.make_async_copy(dist_hbm.at[idx_v], dist_v, sem_d).wait()
            prefetch_idx(j + 2, s)

            def group(g, carry):
                o = g * 16
                d = dist_v[pl.ds(o, 16)]
                m = d < _CUTOFF
                z = d * (math.pi / _CUTOFF) - (math.pi / 2.0)
                z2 = z * z
                s_ = z * (1.0 + z2 * (_S3 + z2 * (_S5 + z2 * (_S7 + z2 * _S9))))
                sw_v[pl.ds(o, 16)] = jnp.where(m, 0.5 - 0.5 * s_, 0.0)
                mask_v[pl.ds(o, 16)] = jnp.where(m, ones_i, zeros_i)
                return carry

            lax.fori_loop(0, _K // 16, group, 0, unroll=4)

            pltpu.async_copy(dist_v, distf_hbm.at[pl.ds(base, _K)], sem_w)
            pltpu.async_copy(sw_v, sw_hbm.at[pl.ds(base, _K)], sem_w)
            pltpu.async_copy(mask_v, mask_hbm.at[pl.ds(base, _K)], sem_w)

    _sweep(prefetch_idx, fire, finish, drain_writes, sets)


def _vec_body(vx_hbm, vy_hbm, vz_hbm, idx_hbm,
              ox_hbm, oy_hbm, oz_hbm,
              idx_v0, px_v0, py_v0, pz_v0,
              idx_v1, px_v1, py_v1, pz_v1,
              sem_v0, sem_w0, sem_i0,
              sem_v1, sem_w1, sem_i1):
    wid = lax.axis_index("s") * 2 + lax.axis_index("c")

    sets = (
        (idx_v0, px_v0, py_v0, pz_v0, sem_v0, sem_w0, sem_i0),
        (idx_v1, px_v1, py_v1, pz_v1, sem_v1, sem_w1, sem_i1),
    )

    def prefetch_idx(j, s):
        idx_v, *_rest, sem_i = s
        c = wid + _NW * j

        @pl.when(c < _NCHUNKS)
        def _():
            pltpu.async_copy(idx_hbm.at[pl.ds(c * _K, _K)], idx_v, sem_i)

    def drain_writes(s):
        (_idx, px_v, py_v, pz_v, _v, sem_w, _i) = s
        z = pl.ds(0, _K)
        pltpu.make_async_copy(px_v, ox_hbm.at[z], sem_w).wait()
        pltpu.make_async_copy(py_v, oy_hbm.at[z], sem_w).wait()
        pltpu.make_async_copy(pz_v, oz_hbm.at[z], sem_w).wait()

    def fire(j, s, drain):
        (idx_v, px_v, py_v, pz_v, sem_v, _w, sem_i) = s
        c = wid + _NW * j

        @pl.when(c < _NCHUNKS)
        def _():
            if drain:
                drain_writes(s)
            pltpu.make_async_copy(
                idx_hbm.at[pl.ds(c * _K, _K)], idx_v, sem_i).wait()
            pltpu.async_copy(vx_hbm.at[idx_v], px_v, sem_v)
            pltpu.async_copy(vy_hbm.at[idx_v], py_v, sem_v)
            pltpu.async_copy(vz_hbm.at[idx_v], pz_v, sem_v)

    def finish(j, s):
        (idx_v, px_v, py_v, pz_v, sem_v, sem_w, _i) = s
        c = wid + _NW * j

        @pl.when(c < _NCHUNKS)
        def _():
            base = c * _K
            pltpu.make_async_copy(vx_hbm.at[idx_v], px_v, sem_v).wait()
            pltpu.make_async_copy(vy_hbm.at[idx_v], py_v, sem_v).wait()
            pltpu.make_async_copy(vz_hbm.at[idx_v], pz_v, sem_v).wait()
            pltpu.async_copy(px_v, ox_hbm.at[pl.ds(base, _K)], sem_w)
            pltpu.async_copy(py_v, oy_hbm.at[pl.ds(base, _K)], sem_w)
            pltpu.async_copy(pz_v, oz_hbm.at[pl.ds(base, _K)], sem_w)
            prefetch_idx(j + 2, s)

    _sweep(prefetch_idx, fire, finish, drain_writes, sets)


@jax.jit
def _run(vec, distances, filter_indices):
    mesh = plsc.VectorSubcoreMesh(core_axis_name="c", subcore_axis_name="s")
    f32 = jnp.float32
    dist_scratch = [
        pltpu.VMEM((_K,), jnp.int32),
        pltpu.VMEM((_K,), f32),
        pltpu.VMEM((_K,), f32),
        pltpu.VMEM((_K,), jnp.int32),
    ]
    vec_scratch = [
        pltpu.VMEM((_K,), jnp.int32),
        pltpu.VMEM((_K,), f32),
        pltpu.VMEM((_K,), f32),
        pltpu.VMEM((_K,), f32),
    ]
    dist_fn = pl.kernel(
        _dist_body,
        out_type=[
            jax.ShapeDtypeStruct((_E_FILTER,), f32),
            jax.ShapeDtypeStruct((_E_FILTER,), f32),
            jax.ShapeDtypeStruct((_E_FILTER,), jnp.int32),
        ],
        mesh=mesh,
        scratch_types=dist_scratch * 2 + [pltpu.SemaphoreType.DMA] * 6,
    )
    vec_fn = pl.kernel(
        _vec_body,
        out_type=[
            jax.ShapeDtypeStruct((_E_FILTER,), f32),
            jax.ShapeDtypeStruct((_E_FILTER,), f32),
            jax.ShapeDtypeStruct((_E_FILTER,), f32),
        ],
        mesh=mesh,
        scratch_types=vec_scratch * 2 + [pltpu.SemaphoreType.DMA] * 6,
    )
    dist_f, switch, mask_i32 = dist_fn(distances, filter_indices)
    ox, oy, oz = vec_fn(vec[:, 0], vec[:, 1], vec[:, 2], filter_indices)
    vec_f = jnp.stack([ox, oy, oz], axis=1)
    return vec_f, dist_f, switch, mask_i32.astype(jnp.bool_)


def kernel(vec, distances, filter_indices):
    return _run(vec, distances, filter_indices)

# --- scband reference (transcript-rebuilt; emitter-appended) ---
"""Pipeline reference for scband-graph-filter-processor-86792699118156 (READ-ONLY COPY).

The authoritative reference and input builder live on the scoring server;
editing this copy changes nothing except your own understanding.
"""

import jax, jax.numpy as jnp
import numpy as np

CUTOFF = 0.5
E_PARENT = 6400000
E_FILTER = 3200000


def setup_inputs(seed: int = 0) -> dict:
    key = jax.random.key(seed)
    k1, k2, k3 = jax.random.split(key, 3)
    vec = jax.random.normal(k1, (E_PARENT, 3), dtype=jnp.float32)
    distances = jax.random.uniform(k2, (E_PARENT,), dtype=jnp.float32)
    filter_indices = jax.random.randint(k3, (E_FILTER,), 0, E_PARENT, dtype=jnp.int32)
    return {"vec": vec, "distances": distances, "filter_indices": filter_indices}


def reference(vec, distances, filter_indices):
    # GraphFilterProcessor forward: gather parent-graph edge quantities into the
    # filtered subgraph (out-of-bounds -> cutoff fill), recompute edge mask and
    # switching function (default FeNNol SwitchFunction = cosine switch).
    cutoff = CUTOFF
    vec_f = vec.at[filter_indices].get(mode='fill', fill_value=cutoff)
    dist_f = distances.at[filter_indices].get(mode='fill', fill_value=cutoff)
    edge_mask = dist_f < cutoff
    x = dist_f / cutoff
    switch = jnp.where(edge_mask, 0.5 * (jnp.cos(jnp.pi * x) + 1.0), 0.0)
    return vec_f, dist_f, switch, edge_mask

if __name__ == "__main__":
    import jax
    _d = setup_inputs()
    print(jax.jit(kernel)(*tuple(_d.values())))

</pallas_src>

<mosaic_0001>
#map = affine_map<(d0, d1) -> (0)>
module attributes {stable_mosaic.version = 14 : i64} {
  func.func @_dist_body(%arg0: i32, %arg1: i32, %arg2: memref<6400000xf32, #tpu.memory_space<hbm>>, %arg3: memref<3200000xi32, #tpu.memory_space<hbm>>, %arg4: memref<3200000xf32, #tpu.memory_space<hbm>>, %arg5: memref<3200000xf32, #tpu.memory_space<hbm>>, %arg6: memref<3200000xi32, #tpu.memory_space<hbm>>, %arg7: memref<2560xi32, #tpu.memory_space<vmem>>, %arg8: memref<2560xf32, #tpu.memory_space<vmem>>, %arg9: memref<2560xf32, #tpu.memory_space<vmem>>, %arg10: memref<2560xi32, #tpu.memory_space<vmem>>, %arg11: memref<2560xi32, #tpu.memory_space<vmem>>, %arg12: memref<2560xf32, #tpu.memory_space<vmem>>, %arg13: memref<2560xf32, #tpu.memory_space<vmem>>, %arg14: memref<2560xi32, #tpu.memory_space<vmem>>, %arg15: memref<!tpu.dma_semaphore, #tpu.memory_space<semaphore_mem>>, %arg16: memref<!tpu.dma_semaphore, #tpu.memory_space<semaphore_mem>>, %arg17: memref<!tpu.dma_semaphore, #tpu.memory_space<semaphore_mem>>, %arg18: memref<!tpu.dma_semaphore, #tpu.memory_space<semaphore_mem>>, %arg19: memref<!tpu.dma_semaphore, #tpu.memory_space<semaphore_mem>>, %arg20: memref<!tpu.dma_semaphore, #tpu.memory_space<semaphore_mem>>) attributes {dimension_semantics = [#tpu.dimension_semantics<core_parallel>, #tpu.dimension_semantics<subcore_parallel>], iteration_bounds = array<i64: 2, 16>, scalar_prefetch = 0 : i64, scratch_operands = 14 : i64, tpu.core_type = #tpu.core_type<sc_vector_subcore>, window_params = [{transform_indices = #map}, {transform_indices = #map}, {transform_indices = #map}, {transform_indices = #map}, {transform_indices = #map}]} {
    %mul3A = arith.constant 2 : i32
    %mul3A_0 = arith.muli %arg1, %mul3A : i32
    %add3A = arith.addi %mul3A_0, %arg0 : i32
    %broadcast_in_dim3A = arith.constant 1 : i32
    %broadcast_in_dim3A_1 = vector.broadcast %broadcast_in_dim3A : i32 to vector<16xi32>
    %broadcast_in_dim3A_2 = arith.constant 0 : i32
    %broadcast_in_dim3A_3 = vector.broadcast %broadcast_in_dim3A_2 : i32 to vector<16xi32>
    %add3A_4 = arith.constant 0 : i32
    %add3A_5 = arith.addi %add3A, %add3A_4 : i32
    %lt3A = arith.constant 1250 : i32
    %lt3A_6 = arith.cmpi slt, %add3A_5, %lt3A : i32
    %convert_element_type3A = arith.extui %lt3A_6 : i1 to i32
    %cond3A = arith.constant 0 : i32
    %cond3A_7 = arith.cmpi ne, %convert_element_type3A, %cond3A : i32
    scf.if %cond3A_7 {
      %mul3A_78 = arith.constant 2560 : i32
      %mul3A_79 = arith.muli %add3A_5, %mul3A_78 : i32
      %dma_start3A = tpu.memref_slice %arg3[%mul3A_79] : memref<3200000xi32, #tpu.memory_space<hbm>> -> memref<2560xi32, #tpu.memory_space<hbm>>
      %dma_start3A_80 = tpu.memref_slice %arg3[%mul3A_79] : memref<3200000xi32, #tpu.memory_space<hbm>> -> memref<2560xi32, #tpu.memory_space<hbm>>
      tpu.enqueue_dma source(%dma_start3A_80 : memref<2560xi32, #tpu.memory_space<hbm>>) target(%arg7 : memref<2560xi32, #tpu.memory_space<vmem>>) target_semaphore(%arg17 : memref<!tpu.dma_semaphore, #tpu.memory_space<semaphore_mem>>)
    } else {
    }
    %add3A_8 = arith.constant 32 : i32
    %add3A_9 = arith.addi %add3A, %add3A_8 : i32
    %lt3A_10 = arith.constant 1250 : i32
    %lt3A_11 = arith.cmpi slt, %add3A_9, %lt3A_10 : i32
    %convert_element_type3A_12 = arith.extui %lt3A_11 : i1 to i32
    %cond3A_13 = arith.constant 0 : i32
    %cond3A_14 = arith.cmpi ne, %convert_element_type3A_12, %cond3A_13 : i32
    scf.if %cond3A_14 {
      %mul3A_78 = arith.constant 2560 : i32
      %mul3A_79 = arith.muli %add3A_9, %mul3A_78 : i32
      %dma_start3A = tpu.memref_slice %arg3[%mul3A_79] : memref<3200000xi32, #tpu.memory_space<hbm>> -> memref<2560xi32, #tpu.memory_space<hbm>>
      %dma_start3A_80 = tpu.memref_slice %arg3[%mul3A_79] : memref<3200000xi32, #tpu.memory_space<hbm>> -> memref<2560xi32, #tpu.memory_space<hbm>>
      tpu.enqueue_dma source(%dma_start3A_80 : memref<2560xi32, #tpu.memory_space<hbm>>) target(%arg11 : memref<2560xi32, #tpu.memory_space<vmem>>) target_semaphore(%arg20 : memref<!tpu.dma_semaphore, #tpu.memory_space<semaphore_mem>>)
    } else {
    }
    %add3A_15 = arith.constant 0 : i32
    %add3A_16 = arith.addi %add3A, %add3A_15 : i32
    %lt3A_17 = arith.constant 1250 : i32
    %lt3A_18 = arith.cmpi slt, %add3A_16, %lt3A_17 : i32
    %convert_element_type3A_19 = arith.extui %lt3A_18 : i1 to i32
    %cond3A_20 = arith.constant 0 : i32
    %cond3A_21 = arith.cmpi ne, %convert_element_type3A_19, %cond3A_20 : i32
    scf.if %cond3A_21 {
      %mul3A_78 = arith.constant 2560 : i32
      %mul3A_79 = arith.muli %add3A_16, %mul3A_78 : i32
      %dma_wait3A_80 = tpu.memref_slice %arg3[%mul3A_79] : memref<3200000xi32, #tpu.memory_space<hbm>> -> memref<2560xi32, #tpu.memory_space<hbm>>
      %dma_wait3A_81 = tpu.memref_slice %arg3[%mul3A_79] : memref<3200000xi32, #tpu.memory_space<hbm>> -> memref<2560xi32, #tpu.memory_space<hbm>>
      tpu.wait_dma2 semaphore(%arg17 : memref<!tpu.dma_semaphore, #tpu.memory_space<semaphore_mem>>) src(%dma_wait3A_81 : memref<2560xi32, #tpu.memory_space<hbm>>) dst(%arg7 : memref<2560xi32, #tpu.memory_space<vmem>>)
      %dma_start3A = arith.constant 0 : i32
      %dma_start3A_82 = tpu.memref_slice %arg2[%dma_start3A] : memref<6400000xf32, #tpu.memory_space<hbm>> -> memref<6400000xf32, #tpu.memory_space<hbm>>
      tpu.enqueue_indirect_dma source(%dma_start3A_82 : memref<6400000xf32, #tpu.memory_space<hbm>>) target(%arg8 : memref<2560xf32, #tpu.memory_space<vmem>>) offsets(%arg7 : memref<2560xi32, #tpu.memory_space<vmem>>) semaphore(%arg15 : memref<!tpu.dma_semaphore, #tpu.memory_space<semaphore_mem>>)
    } else {
    }
    %add3A_22 = arith.constant 32 : i32
    %add3A_23 = arith.addi %add3A, %add3A_22 : i32
    %lt3A_24 = arith.constant 1250 : i32
    %lt3A_25 = arith.cmpi slt, %add3A_23, %lt3A_24 : i32
    %convert_element_type3A_26 = arith.extui %lt3A_25 : i1 to i32
    %cond3A_27 = arith.constant 0 : i32
    %cond3A_28 = arith.cmpi ne, %convert_element_type3A_26, %cond3A_27 : i32
    scf.if %cond3A_28 {
      %mul3A_78 = arith.constant 2560 : i32
      %mul3A_79 = arith.muli %add3A_23, %mul3A_78 : i32
      %dma_wait3A_80 = tpu.memref_slice %arg3[%mul3A_79] : memref<3200000xi32, #tpu.memory_space<hbm>> -> memref<2560xi32, #tpu.memory_space<hbm>>
      %dma_wait3A_81 = tpu.memref_slice %arg3[%mul3A_79] : memref<3200000xi32, #tpu.memory_space<hbm>> -> memref<2560xi32, #tpu.memory_space<hbm>>
      tpu.wait_dma2 semaphore(%arg20 : memref<!tpu.dma_semaphore, #tpu.memory_space<semaphore_mem>>) src(%dma_wait3A_81 : memref<2560xi32, #tpu.memory_space<hbm>>) dst(%arg11 : memref<2560xi32, #tpu.memory_space<vmem>>)
      %dma_start3A = arith.constant 0 : i32
      %dma_start3A_82 = tpu.memref_slice %arg2[%dma_start3A] : memref<6400000xf32, #tpu.memory_space<hbm>> -> memref<6400000xf32, #tpu.memory_space<hbm>>
      tpu.enqueue_indirect_dma source(%dma_start3A_82 : memref<6400000xf32, #tpu.memory_space<hbm>>) target(%arg12 : memref<2560xf32, #tpu.memory_space<vmem>>) offsets(%arg11 : memref<2560xi32, #tpu.memory_space<vmem>>) semaphore(%arg18 : memref<!tpu.dma_semaphore, #tpu.memory_space<semaphore_mem>>)
    } else {
    }
    %add3A_29 = arith.constant 0 : i32
    %add3A_30 = arith.addi %add3A, %add3A_29 : i32
    %lt3A_31 = arith.constant 1250 : i32
    %lt3A_32 = arith.cmpi slt, %add3A_30, %lt3A_31 : i32
    %convert_element_type3A_33 = arith.extui %lt3A_32 : i1 to i32
    %cond3A_34 = arith.constant 0 : i32
    %cond3A_35 = arith.cmpi ne, %convert_element_type3A_33, %cond3A_34 : i32
    scf.if %cond3A_35 {
      %mul3A_78 = arith.constant 2560 : i32
      %mul3A_79 = arith.muli %add3A_30, %mul3A_78 : i32
      %dma_wait3A_80 = arith.constant 0 : i32
      %dma_wait3A_81 = tpu.memref_slice %arg2[%dma_wait3A_80] : memref<6400000xf32, #tpu.memory_space<hbm>> -> memref<6400000xf32, #tpu.memory_space<hbm>>
      tpu.wait_indirect_dma semaphore(%arg15 : memref<!tpu.dma_semaphore, #tpu.memory_space<semaphore_mem>>) src(%dma_wait3A_81 : memref<6400000xf32, #tpu.memory_space<hbm>>) dst(%arg8 : memref<2560xf32, #tpu.memory_space<vmem>>)
      %add3A_82 = arith.constant 64 : i32
      %add3A_83 = arith.addi %add3A, %add3A_82 : i32
      %lt3A_84 = arith.constant 1250 : i32
      %lt3A_85 = arith.cmpi slt, %add3A_83, %lt3A_84 : i32
      %convert_element_type3A_86 = arith.extui %lt3A_85 : i1 to i32
      %cond3A_87 = arith.constant 0 : i32
      %cond3A_88 = arith.cmpi ne, %convert_element_type3A_86, %cond3A_87 : i32
      scf.if %cond3A_88 {
        %mul3A_100 = arith.constant 2560 : i32
        %mul3A_101 = arith.muli %add3A_83, %mul3A_100 : i32
        %dma_start3A_102 = tpu.memref_slice %arg3[%mul3A_101] : memref<3200000xi32, #tpu.memory_space<hbm>> -> memref<2560xi32, #tpu.memory_space<hbm>>
        %dma_start3A_103 = tpu.memref_slice %arg3[%mul3A_101] : memref<3200000xi32, #tpu.memory_space<hbm>> -> memref<2560xi32, #tpu.memory_space<hbm>>
        tpu.enqueue_dma source(%dma_start3A_103 : memref<2560xi32, #tpu.memory_space<hbm>>) target(%arg7 : memref<2560xi32, #tpu.memory_space<vmem>>) target_semaphore(%arg17 : memref<!tpu.dma_semaphore, #tpu.memory_space<semaphore_mem>>)
      } else {
      }
      %scan3A_89 = arith.constant 0 : i32
      %scan3A_90 = arith.constant 0 : i32
      %scan3A_91 = arith.constant 160 : i32
      %scan3A_92 = arith.addi %scan3A_90, %scan3A_91 : i32
      %scan3A_93 = arith.constant 4 : i32
      scf.for %scan3A_100 = %scan3A_90 to %scan3A_92 step %scan3A_93  : i32 {
        %mul3A_101 = arith.constant 16 : i32
        %mul3A_102 = arith.muli %scan3A_100, %mul3A_101 : i32
        %get3A = arith.index_cast %mul3A_102 : i32 to index
        %get3A_103 = tpu.vector_load %arg8[%get3A] {strides = array<i32>} : memref<2560xf32, #tpu.memory_space<vmem>>, vector<16xf32>,
        %get3A_104 = vector.shape_cast %get3A_103 : vector<16xf32> to vector<16xf32>
        %lt3A_105 = arith.constant 5.000000e-01 : f32
        %lt3A_106 = vector.broadcast %lt3A_105 : f32 to vector<16xf32>
        %lt3A_107 = arith.cmpf olt, %get3A_104, %lt3A_106 : vector<16xf32>
        %mul3A_108 = arith.constant 6.28318548 : f32
        %mul3A_109 = vector.broadcast %mul3A_108 : f32 to vector<16xf32>
        %mul3A_110 = arith.mulf %get3A_104, %mul3A_109 : vector<16xf32>
        %sub3A = arith.constant 1.57079637 : f32
        %sub3A_111 = vector.broadcast %sub3A : f32 to vector<16xf32>
        %sub3A_112 = arith.subf %mul3A_110, %sub3A_111 : vector<16xf32>
        %mul3A_113 = arith.mulf %sub3A_112, %sub3A_112 : vector<16xf32>
        %mul3A_114 = arith.constant 2.75573188E-6 : f32
        %mul3A_115 = vector.broadcast %mul3A_114 : f32 to vector<16xf32>
        %mul3A_116 = arith.mulf %mul3A_113, %mul3A_115 : vector<16xf32>
        %add3A_117 = arith.constant -1.98412701E-4 : f32
        %add3A_118 = vector.broadcast %add3A_117 : f32 to vector<16xf32>
        %add3A_119 = arith.addf %add3A_118, %mul3A_116 : vector<16xf32>
        %mul3A_120 = arith.mulf %mul3A_113, %add3A_119 : vector<16xf32>
        %add3A_121 = arith.constant 0.00833333377 : f32
        %add3A_122 = vector.broadcast %add3A_121 : f32 to vector<16xf32>
        %add3A_123 = arith.addf %add3A_122, %mul3A_120 : vector<16xf32>
        %mul3A_124 = arith.mulf %mul3A_113, %add3A_123 : vector<16xf32>
        %add3A_125 = arith.constant -0.166666672 : f32
        %add3A_126 = vector.broadcast %add3A_125 : f32 to vector<16xf32>
        %add3A_127 = arith.addf %add3A_126, %mul3A_124 : vector<16xf32>
        %mul3A_128 = arith.mulf %mul3A_113, %add3A_127 : vector<16xf32>
        %add3A_129 = arith.constant 1.000000e+00 : f32
        %add3A_130 = vector.broadcast %add3A_129 : f32 to vector<16xf32>
        %add3A_131 = arith.addf %add3A_130, %mul3A_128 : vector<16xf32>
        %mul3A_132 = arith.mulf %sub3A_112, %add3A_131 : vector<16xf32>
        %mul3A_133 = arith.constant 5.000000e-01 : f32
        %mul3A_134 = vector.broadcast %mul3A_133 : f32 to vector<16xf32>
        %mul3A_135 = arith.mulf %mul3A_134, %mul3A_132 : vector<16xf32>
        %sub3A_136 = arith.constant 5.000000e-01 : f32
        %sub3A_137 = vector.broadcast %sub3A_136 : f32 to vector<16xf32>
        %sub3A_138 = arith.subf %sub3A_137, %mul3A_135 : vector<16xf32>
        %jit3A = arith.constant 0.000000e+00 : f32
        %broadcast_in_dim3A_139 = vector.broadcast %jit3A : f32 to vector<16xf32>
        %select_n3A = arith.select %lt3A_107, %sub3A_138, %broadcast_in_dim3A_139 : vector<16xi1>, vector<16xf32>
        %swap3A = arith.index_cast %mul3A_102 : i32 to index
        %swap3A_140 = tpu.vector_load %arg9[%swap3A] {strides = array<i32>} : memref<2560xf32, #tpu.memory_space<vmem>>, vector<16xf32>,
        %swap3A_141 = vector.shape_cast %swap3A_140 : vector<16xf32> to vector<16xf32>
        %swap3A_142 = vector.shape_cast %select_n3A : vector<16xf32> to vector<16xf32>
        tpu.vector_store %arg9[%swap3A], %swap3A_142 {strides = array<i32>} : memref<2560xf32, #tpu.memory_space<vmem>>, vector<16xf32>,
        %select_n3A_143 = arith.select %lt3A_107, %broadcast_in_dim3A_1, %broadcast_in_dim3A_3 : vector<16xi1>, vector<16xi32>
        %swap3A_144 = arith.index_cast %mul3A_102 : i32 to index
        %swap3A_145 = tpu.vector_load %arg10[%swap3A_144] {strides = array<i32>} : memref<2560xi32, #tpu.memory_space<vmem>>, vector<16xi32>,
        %swap3A_146 = vector.shape_cast %swap3A_145 : vector<16xi32> to vector<16xi32>
        %swap3A_147 = vector.shape_cast %select_n3A_143 : vector<16xi32> to vector<16xi32>
        tpu.vector_store %arg10[%swap3A_144], %swap3A_147 {strides = array<i32>} : memref<2560xi32, #tpu.memory_space<vmem>>, vector<16xi32>,
        %scan3A_148 = arith.constant 1 : i32
        %scan3A_149 = arith.addi %scan3A_100, %scan3A_148 : i32
        %mul3A_150 = arith.constant 16 : i32
        %mul3A_151 = arith.muli %scan3A_149, %mul3A_150 : i32
        %get3A_152 = arith.index_cast %mul3A_151 : i32 to index
        %get3A_153 = tpu.vector_load %arg8[%get3A_152] {strides = array<i32>} : memref<2560xf32, #tpu.memory_space<vmem>>, vector<16xf32>,
        %get3A_154 = vector.shape_cast %get3A_153 : vector<16xf32> to vector<16xf32>
        %lt3A_155 = arith.constant 5.000000e-01 : f32
        %lt3A_156 = vector.broadcast %lt3A_155 : f32 to vector<16xf32>
        %lt3A_157 = arith.cmpf olt, %get3A_154, %lt3A_156 : vector<16xf32>
        %mul3A_158 = arith.constant 6.28318548 : f32
        %mul3A_159 = vector.broadcast %mul3A_158 : f32 to vector<16xf32>
        %mul3A_160 = arith.mulf %get3A_154, %mul3A_159 : vector<16xf32>
        %sub3A_161 = arith.constant 1.57079637 : f32
        %sub3A_162 = vector.broadcast %sub3A_161 : f32 to vector<16xf32>
        %sub3A_163 = arith.subf %mul3A_160, %sub3A_162 : vector<16xf32>
        %mul3A_164 = arith.mulf %sub3A_163, %sub3A_163 : vector<16xf32>
        %mul3A_165 = arith.constant 2.75573188E-6 : f32
        %mul3A_166 = vector.broadcast %mul3A_165 : f32 to vector<16xf32>
        %mul3A_167 = arith.mulf %mul3A_164, %mul3A_166 : vector<16xf32>
        %add3A_168 = arith.constant -1.98412701E-4 : f32
        %add3A_169 = vector.broadcast %add3A_168 : f32 to vector<16xf32>
        %add3A_170 = arith.addf %add3A_169, %mul3A_167 : vector<16xf32>
        %mul3A_171 = arith.mulf %mul3A_164, %add3A_170 : vector<16xf32>
        %add3A_172 = arith.constant 0.00833333377 : f32
        %add3A_173 = vector.broadcast %add3A_172 : f32 to vector<16xf32>
        %add3A_174 = arith.addf %add3A_173, %mul3A_171 : vector<16xf32>
        %mul3A_175 = arith.mulf %mul3A_164, %add3A_174 : vector<16xf32>
        %add3A_176 = arith.constant -0.166666672 : f32
        %add3A_177 = vector.broadcast %add3A_176 : f32 to vector<16xf32>
        %add3A_178 = arith.addf %add3A_177, %mul3A_175 : vector<16xf32>
        %mul3A_179 = arith.mulf %mul3A_164, %add3A_178 : vector<16xf32>
        %add3A_180 = arith.constant 1.000000e+00 : f32
        %add3A_181 = vector.broadcast %add3A_180 : f32 to vector<16xf32>
        %add3A_182 = arith.addf %add3A_181, %mul3A_179 : vector<16xf32>
        %mul3A_183 = arith.mulf %sub3A_163, %add3A_182 : vector<16xf32>
        %mul3A_184 = arith.constant 5.000000e-01 : f32
        %mul3A_185 = vector.broadcast %mul3A_184 : f32 to vector<16xf32>
        %mul3A_186 = arith.mulf %mul3A_185, %mul3A_183 : vector<16xf32>
        %sub3A_187 = arith.constant 5.000000e-01 : f32
        %sub3A_188 = vector.broadcast %sub3A_187 : f32 to vector<16xf32>
        %sub3A_189 = arith.subf %sub3A_188, %mul3A_186 : vector<16xf32>
        %jit3A_190 = arith.constant 0.000000e+00 : f32
        %broadcast_in_dim3A_191 = vector.broadcast %jit3A_190 : f32 to vector<16xf32>
        %select_n3A_192 = arith.select %lt3A_157, %sub3A_189, %broadcast_in_dim3A_191 : vector<16xi1>, vector<16xf32>
        %swap3A_193 = arith.index_cast %mul3A_151 : i32 to index
        %swap3A_194 = tpu.vector_load %arg9[%swap3A_193] {strides = array<i32>} : memref<2560xf32, #tpu.memory_space<vmem>>, vector<16xf32>,
        %swap3A_195 = vector.shape_cast %swap3A_194 : vector<16xf32> to vector<16xf32>
        %swap3A_196 = vector.shape_cast %select_n3A_192 : vector<16xf32> to vector<16xf32>
        tpu.vector_store %arg9[%swap3A_193], %swap3A_196 {strides = array<i32>} : memref<2560xf32, #tpu.memory_space<vmem>>, vector<16xf32>,
        %select_n3A_197 = arith.select %lt3A_157, %broadcast_in_dim3A_1, %broadcast_in_dim3A_3 : vector<16xi1>, vector<16xi32>
        %swap3A_198 = arith.index_cast %mul3A_151 : i32 to index
        %swap3A_199 = tpu.vector_load %arg10[%swap3A_198] {strides = array<i32>} : memref<2560xi32, #tpu.memory_space<vmem>>, vector<16xi32>,
        %swap3A_200 = vector.shape_cast %swap3A_199 : vector<16xi32> to vector<16xi32>
        %swap3A_201 = vector.shape_cast %select_n3A_197 : vector<16xi32> to vector<16xi32>
        tpu.vector_store %arg10[%swap3A_198], %swap3A_201 {strides = array<i32>} : memref<2560xi32, #tpu.memory_space<vmem>>, vector<16xi32>,
        %scan3A_202 = arith.constant 2 : i32
        %scan3A_203 = arith.addi %scan3A_100, %scan3A_202 : i32
        %mul3A_204 = arith.constant 16 : i32
        %mul3A_205 = arith.muli %scan3A_203, %mul3A_204 : i32
        %get3A_206 = arith.index_cast %mul3A_205 : i32 to index
        %get3A_207 = tpu.vector_load %arg8[%get3A_206] {strides = array<i32>} : memref<2560xf32, #tpu.memory_space<vmem>>, vector<16xf32>,
        %get3A_208 = vector.shape_cast %get3A_207 : vector<16xf32> to vector<16xf32>
        %lt3A_209 = arith.constant 5.000000e-01 : f32
        %lt3A_210 = vector.broadcast %lt3A_209 : f32 to vector<16xf32>
        %lt3A_211 = arith.cmpf olt, %get3A_208, %lt3A_210 : vector<16xf32>
        %mul3A_212 = arith.constant 6.28318548 : f32
        %mul3A_213 = vector.broadcast %mul3A_212 : f32 to vector<16xf32>
        %mul3A_214 = arith.mulf %get3A_208, %mul3A_213 : vector<16xf32>
        %sub3A_215 = arith.constant 1.57079637 : f32
        %sub3A_216 = vector.broadcast %sub3A_215 : f32 to vector<16xf32>
        %sub3A_217 = arith.subf %mul3A_214, %sub3A_216 : vector<16xf32>
        %mul3A_218 = arith.mulf %sub3A_217, %sub3A_217 : vector<16xf32>
        %mul3A_219 = arith.constant 2.75573188E-6 : f32
        %mul3A_220 = vector.broadcast %mul3A_219 : f32 to vector<16xf32>
        %mul3A_221 = arith.mulf %mul3A_218, %mul3A_220 : vector<16xf32>
        %add3A_222 = arith.constant -1.98412701E-4 : f32
        %add3A_223 = vector.broadcast %add3A_222 : f32 to vector<16xf32>
        %add3A_224 = arith.addf %add3A_223, %mul3A_221 : vector<16xf32>
        %mul3A_225 = arith.mulf %mul3A_218, %add3A_224 : vector<16xf32>
        %add3A_226 = arith.constant 0.00833333377 : f32
        %add3A_227 = vector.broadcast %add3A_226 : f32 to vector<16xf32>
        %add3A_228 = arith.addf %add3A_227, %mul3A_225 : vector<16xf32>
        %mul3A_229 = arith.mulf %mul3A_218, %add3A_228 : vector<16xf32>
        %add3A_230 = arith.constant -0.166666672 : f32
        %add3A_231 = vector.broadcast %add3A_230 : f32 to vector<16xf32>
        %add3A_232 = arith.addf %add3A_231, %mul3A_229 : vector<16xf32>
        %mul3A_233 = arith.mulf %mul3A_218, %add3A_232 : vector<16xf32>
        %add3A_234 = arith.constant 1.000000e+00 : f32
        %add3A_235 = vector.broadcast %add3A_234 : f32 to vector<16xf32>
        %add3A_236 = arith.addf %add3A_235, %mul3A_233 : vector<16xf32>
        %mul3A_237 = arith.mulf %sub3A_217, %add3A_236 : vector<16xf32>
        %mul3A_238 = arith.constant 5.000000e-01 : f32
        %mul3A_239 = vector.broadcast %mul3A_238 : f32 to vector<16xf32>
        %mul3A_240 = arith.mulf %mul3A_239, %mul3A_237 : vector<16xf32>
        %sub3A_241 = arith.constant 5.000000e-01 : f32
        %sub3A_242 = vector.broadcast %sub3A_241 : f32 to vector<16xf32>
        %sub3A_243 = arith.subf %sub3A_242, %mul3A_240 : vector<16xf32>
        %jit3A_244 = arith.constant 0.000000e+00 : f32
        %broadcast_in_dim3A_245 = vector.broadcast %jit3A_244 : f32 to vector<16xf32>
        %select_n3A_246 = arith.select %lt3A_211, %sub3A_243, %broadcast_in_dim3A_245 : vector<16xi1>, vector<16xf32>
        %swap3A_247 = arith.index_cast %mul3A_205 : i32 to index
        %swap3A_248 = tpu.vector_load %arg9[%swap3A_247] {strides = array<i32>} : memref<2560xf32, #tpu.memory_space<vmem>>, vector<16xf32>,
        %swap3A_249 = vector.shape_cast %swap3A_248 : vector<16xf32> to vector<16xf32>
        %swap3A_250 = vector.shape_cast %select_n3A_246 : vector<16xf32> to vector<16xf32>
        tpu.vector_store %arg9[%swap3A_247], %swap3A_250 {strides = array<i32>} : memref<2560xf32, #tpu.memory_space<vmem>>, vector<16xf32>,
        %select_n3A_251 = arith.select %lt3A_211, %broadcast_in_dim3A_1, %broadcast_in_dim3A_3 : vector<16xi1>, vector<16xi32>
        %swap3A_252 = arith.index_cast %mul3A_205 : i32 to index
        %swap3A_253 = tpu.vector_load %arg10[%swap3A_252] {strides = array<i32>} : memref<2560xi32, #tpu.memory_space<vmem>>, vector<16xi32>,
        %swap3A_254 = vector.shape_cast %swap3A_253 : vector<16xi32> to vector<16xi32>
        %swap3A_255 = vector.shape_cast %select_n3A_251 : vector<16xi32> to vector<16xi32>
        tpu.vector_store %arg10[%swap3A_252], %swap3A_255 {strides = array<i32>} : memref<2560xi32, #tpu.memory_space<vmem>>, vector<16xi32>,
        %scan3A_256 = arith.constant 3 : i32
        %scan3A_257 = arith.addi %scan3A_100, %scan3A_256 : i32
        %mul3A_258 = arith.constant 16 : i32
        %mul3A_259 = arith.muli %scan3A_257, %mul3A_258 : i32
        %get3A_260 = arith.index_cast %mul3A_259 : i32 to index
        %get3A_261 = tpu.vector_load %arg8[%get3A_260] {strides = array<i32>} : memref<2560xf32, #tpu.memory_space<vmem>>, vector<16xf32>,
        %get3A_262 = vector.shape_cast %get3A_261 : vector<16xf32> to vector<16xf32>
        %lt3A_263 = arith.constant 5.000000e-01 : f32
        %lt3A_264 = vector.broadcast %lt3A_263 : f32 to vector<16xf32>
        %lt3A_265 = arith.cmpf olt, %get3A_262, %lt3A_264 : vector<16xf32>
        %mul3A_266 = arith.constant 6.28318548 : f32
        %mul3A_267 = vector.broadcast %mul3A_266 : f32 to vector<16xf32>
        %mul3A_268 = arith.mulf %get3A_262, %mul3A_267 : vector<16xf32>
        %sub3A_269 = arith.constant 1.57079637 : f32
        %sub3A_270 = vector.broadcast %sub3A_269 : f32 to vector<16xf32>
        %sub3A_271 = arith.subf %mul3A_268, %sub3A_270 : vector<16xf32>
        %mul3A_272 = arith.mulf %sub3A_271, %sub3A_271 : vector<16xf32>
        %mul3A_273 = arith.constant 2.75573188E-6 : f32
        %mul3A_274 = vector.broadcast %mul3A_273 : f32 to vector<16xf32>
        %mul3A_275 = arith.mulf %mul3A_272, %mul3A_274 : vector<16xf32>
        %add3A_276 = arith.constant -1.98412701E-4 : f32
        %add3A_277 = vector.broadcast %add3A_276 : f32 to vector<16xf32>
        %add3A_278 = arith.addf %add3A_277, %mul3A_275 : vector<16xf32>
        %mul3A_279 = arith.mulf %mul3A_272, %add3A_278 : vector<16xf32>
        %add3A_280 = arith.constant 0.00833333377 : f32
        %add3A_281 = vector.broadcast %add3A_280 : f32 to vector<16xf32>
        %add3A_282 = arith.addf %add3A_281, %mul3A_279 : vector<16xf32>
        %mul3A_283 = arith.mulf %mul3A_272, %add3A_282 : vector<16xf32>
        %add3A_284 = arith.constant -0.166666672 : f32
        %add3A_285 = vector.broadcast %add3A_284 : f32 to vector<16xf32>
        %add3A_286 = arith.addf %add3A_285, %mul3A_283 : vector<16xf32>
        %mul3A_287 = arith.mulf %mul3A_272, %add3A_286 : vector<16xf32>
        %add3A_288 = arith.constant 1.000000e+00 : f32
        %add3A_289 = vector.broadcast %add3A_288 : f32 to vector<16xf32>
        %add3A_290 = arith.addf %add3A_289, %mul3A_287 : vector<16xf32>
        %mul3A_291 = arith.mulf %sub3A_271, %add3A_290 : vector<16xf32>
        %mul3A_292 = arith.constant 5.000000e-01 : f32
        %mul3A_293 = vector.broadcast %mul3A_292 : f32 to vector<16xf32>
        %mul3A_294 = arith.mulf %mul3A_293, %mul3A_291 : vector<16xf32>
        %sub3A_295 = arith.constant 5.000000e-01 : f32
        %sub3A_296 = vector.broadcast %sub3A_295 : f32 to vector<16xf32>
        %sub3A_297 = arith.subf %sub3A_296, %mul3A_294 : vector<16xf32>
        %jit3A_298 = arith.constant 0.000000e+00 : f32
        %broadcast_in_dim3A_299 = vector.broadcast %jit3A_298 : f32 to vector<16xf32>
        %select_n3A_300 = arith.select %lt3A_265, %sub3A_297, %broadcast_in_dim3A_299 : vector<16xi1>, vector<16xf32>
        %swap3A_301 = arith.index_cast %mul3A_259 : i32 to index
        %swap3A_302 = tpu.vector_load %arg9[%swap3A_301] {strides = array<i32>} : memref<2560xf32, #tpu.memory_space<vmem>>, vector<16xf32>,
        %swap3A_303 = vector.shape_cast %swap3A_302 : vector<16xf32> to vector<16xf32>
        %swap3A_304 = vector.shape_cast %select_n3A_300 : vector<16xf32> to vector<16xf32>
        tpu.vector_store %arg9[%swap3A_301], %swap3A_304 {strides = array<i32>} : memref<2560xf32, #tpu.memory_space<vmem>>, vector<16xf32>,
        %select_n3A_305 = arith.select %lt3A_265, %broadcast_in_dim3A_1, %broadcast_in_dim3A_3 : vector<16xi1>, vector<16xi32>
        %swap3A_306 = arith.index_cast %mul3A_259 : i32 to index
        %swap3A_307 = tpu.vector_load %arg10[%swap3A_306] {strides = array<i32>} : memref<2560xi32, #tpu.memory_space<vmem>>, vector<16xi32>,
        %swap3A_308 = vector.shape_cast %swap3A_307 : vector<16xi32> to vector<16xi32>
        %swap3A_309 = vector.shape_cast %select_n3A_305 : vector<16xi32> to vector<16xi32>
        tpu.vector_store %arg10[%swap3A_306], %swap3A_309 {strides = array<i32>} : memref<2560xi32, #tpu.memory_space<vmem>>, vector<16xi32>,
      }
      %scan3A_94 = arith.constant 160 : i32
      %dma_start3A = tpu.memref_slice %arg4[%mul3A_79] : memref<3200000xf32, #tpu.memory_space<hbm>> -> memref<2560xf32, #tpu.memory_space<hbm>>
      %dma_start3A_95 = tpu.memref_slice %arg4[%mul3A_79] : memref<3200000xf32, #tpu.memory_space<hbm>> -> memref<2560xf32, #tpu.memory_space<hbm>>
      tpu.enqueue_dma source(%arg8 : memref<2560xf32, #tpu.memory_space<vmem>>) target(%dma_start3A_95 : memref<2560xf32, #tpu.memory_space<hbm>>) target_semaphore(%arg16 : memref<!tpu.dma_semaphore, #tpu.memory_space<semaphore_mem>>)
      %dma_start3A_96 = tpu.memref_slice %arg5[%mul3A_79] : memref<3200000xf32, #tpu.memory_space<hbm>> -> memref<2560xf32, #tpu.memory_space<hbm>>
      %dma_start3A_97 = tpu.memref_slice %arg5[%mul3A_79] : memref<3200000xf32, #tpu.memory_space<hbm>> -> memref<2560xf32, #tpu.memory_space<hbm>>
      tpu.enqueue_dma source(%arg9 : memref<2560xf32, #tpu.memory_space<vmem>>) target(%dma_start3A_97 : memref<2560xf32, #tpu.memory_space<hbm>>) target_semaphore(%arg16 : memref<!tpu.dma_semaphore, #tpu.memory_space<semaphore_mem>>)
      %dma_start3A_98 = tpu.memref_slice %arg6[%mul3A_79] : memref<3200000xi32, #tpu.memory_space<hbm>> -> memref<2560xi32, #tpu.memory_space<hbm>>
      %dma_start3A_99 = tpu.memref_slice %arg6[%mul3A_79] : memref<3200000xi32, #tpu.memory_space<hbm>> -> memref<2560xi32, #tpu.memory_space<hbm>>
      tpu.enqueue_dma source(%arg10 : memref<2560xi32, #tpu.memory_space<vmem>>) target(%dma_start3A_99 : memref<2560xi32, #tpu.memory_space<hbm>>) target_semaphore(%arg16 : memref<!tpu.dma_semaphore, #tpu.memory_space<semaphore_mem>>)
    } else {
    }
    %add3A_36 = arith.constant 64 : i32
    %add3A_37 = arith.addi %add3A, %add3A_36 : i32
    %lt3A_38 = arith.constant 1250 : i32
    %lt3A_39 = arith.cmpi slt, %add3A_37, %lt3A_38 : i32
    %convert_element_type3A_40 = arith.extui %lt3A_39 : i1 to i32
    %cond3A_41 = arith.constant 0 : i32
    %cond3A_42 = arith.cmpi ne, %convert_element_type3A_40, %cond3A_41 : i32
    scf.if %cond3A_42 {
      %dma_wait3A_78 = arith.constant 0 : i32
      %dma_wait3A_79 = tpu.memref_slice %arg4[%dma_wait3A_78] : memref<3200000xf32, #tpu.memory_space<hbm>> -> memref<2560xf32, #tpu.memory_space<hbm>>
      %dma_wait3A_80 = arith.constant 0 : i32
      %dma_wait3A_81 = tpu.memref_slice %arg4[%dma_wait3A_80] : memref<3200000xf32, #tpu.memory_space<hbm>> -> memref<2560xf32, #tpu.memory_space<hbm>>
      tpu.wait_dma2 semaphore(%arg16 : memref<!tpu.dma_semaphore, #tpu.memory_space<semaphore_mem>>) src(%arg8 : memref<2560xf32, #tpu.memory_space<vmem>>) dst(%dma_wait3A_81 : memref<2560xf32, #tpu.memory_space<hbm>>)
      %dma_wait3A_82 = arith.constant 0 : i32
      %dma_wait3A_83 = tpu.memref_slice %arg5[%dma_wait3A_82] : memref<3200000xf32, #tpu.memory_space<hbm>> -> memref<2560xf32, #tpu.memory_space<hbm>>
      %dma_wait3A_84 = arith.constant 0 : i32
      %dma_wait3A_85 = tpu.memref_slice %arg5[%dma_wait3A_84] : memref<3200000xf32, #tpu.memory_space<hbm>> -> memref<2560xf32, #tpu.memory_space<hbm>>
      tpu.wait_dma2 semaphore(%arg16 : memref<!tpu.dma_semaphore, #tpu.memory_space<semaphore_mem>>) src(%arg9 : memref<2560xf32, #tpu.memory_space<vmem>>) dst(%dma_wait3A_85 : memref<2560xf32, #tpu.memory_space<hbm>>)
      %dma_wait3A_86 = arith.constant 0 : i32
      %dma_wait3A_87 = tpu.memref_slice %arg6[%dma_wait3A_86] : memref<3200000xi32, #tpu.memory_space<hbm>> -> memref<2560xi32, #tpu.memory_space<hbm>>
      %dma_wait3A_88 = arith.constant 0 : i32
      %dma_wait3A_89 = tpu.memref_slice %arg6[%dma_wait3A_88] : memref<3200000xi32, #tpu.memory_space<hbm>> -> memref<2560xi32, #tpu.memory_space<hbm>>
      tpu.wait_dma2 semaphore(%arg16 : memref<!tpu.dma_semaphore, #tpu.memory_space<semaphore_mem>>) src(%arg10 : memref<2560xi32, #tpu.memory_space<vmem>>) dst(%dma_wait3A_89 : memref<2560xi32, #tpu.memory_space<hbm>>)
      %mul3A_90 = arith.constant 2560 : i32
      %mul3A_91 = arith.muli %add3A_37, %mul3A_90 : i32
      %dma_wait3A_92 = tpu.memref_slice %arg3[%mul3A_91] : memref<3200000xi32, #tpu.memory_space<hbm>> -> memref<2560xi32, #tpu.memory_space<hbm>>
      %dma_wait3A_93 = tpu.memref_slice %arg3[%mul3A_91] : memref<3200000xi32, #tpu.memory_space<hbm>> -> memref<2560xi32, #tpu.memory_space<hbm>>
      tpu.wait_dma2 semaphore(%arg17 : memref<!tpu.dma_semaphore, #tpu.memory_space<semaphore_mem>>) src(%dma_wait3A_93 : memref<2560xi32, #tpu.memory_space<hbm>>) dst(%arg7 : memref<2560xi32, #tpu.memory_space<vmem>>)
      %dma_start3A = arith.constant 0 : i32
      %dma_start3A_94 = tpu.memref_slice %arg2[%dma_start3A] : memref<6400000xf32, #tpu.memory_space<hbm>> -> memref<6400000xf32, #tpu.memory_space<hbm>>
      tpu.enqueue_indirect_dma source(%dma_start3A_94 : memref<6400000xf32, #tpu.memory_space<hbm>>) target(%arg8 : memref<2560xf32, #tpu.memory_space<vmem>>) offsets(%arg7 : memref<2560xi32, #tpu.memory_space<vmem>>) semaphore(%arg15 : memref<!tpu.dma_semaphore, #tpu.memory_space<semaphore_mem>>)
    } else {
    }
    %add3A_43 = arith.constant 32 : i32
    %add3A_44 = arith.addi %add3A, %add3A_43 : i32
    %lt3A_45 = arith.constant 1250 : i32
    %lt3A_46 = arith.cmpi slt, %add3A_44, %lt3A_45 : i32
    %convert_element_type3A_47 = arith.extui %lt3A_46 : i1 to i32
    %cond3A_48 = arith.constant 0 : i32
    %cond3A_49 = arith.cmpi ne, %convert_element_type3A_47, %cond3A_48 : i32
    scf.if %cond3A_49 {
      %mul3A_78 = arith.constant 2560 : i32
      %mul3A_79 = arith.muli %add3A_44, %mul3A_78 : i32
      %dma_wait3A_80 = arith.constant 0 : i32
      %dma_wait3A_81 = tpu.memref_slice %arg2[%dma_wait3A_80] : memref<6400000xf32, #tpu.memory_space<hbm>> -> memref<6400000xf32, #tpu.memory_space<hbm>>
      tpu.wait_indirect_dma semaphore(%arg18 : memref<!tpu.dma_semaphore, #tpu.memory_space<semaphore_mem>>) src(%dma_wait3A_81 : memref<6400000xf32, #tpu.memory_space<hbm>>) dst(%arg12 : memref<2560xf32, #tpu.memory_space<vmem>>)
      %add3A_82 = arith.constant 96 : i32
      %add3A_83 = arith.addi %add3A, %add3A_82 : i32
      %lt3A_84 = arith.constant 1250 : i32
      %lt3A_85 = arith.cmpi slt, %add3A_83, %lt3A_84 : i32
      %convert_element_type3A_86 = arith.extui %lt3A_85 : i1 to i32
      %cond3A_87 = arith.constant 0 : i32
      %cond3A_88 = arith.cmpi ne, %convert_element_type3A_86, %cond3A_87 : i32
      scf.if %cond3A_88 {
        %mul3A_100 = arith.constant 2560 : i32
        %mul3A_101 = arith.muli %add3A_83, %mul3A_100 : i32
        %dma_start3A_102 = tpu.memref_slice %arg3[%mul3A_101] : memref<3200000xi32, #tpu.memory_space<hbm>> -> memref<2560xi32, #tpu.memory_space<hbm>>
        %dma_start3A_103 = tpu.memref_slice %arg3[%mul3A_101] : memref<3200000xi32, #tpu.memory_space<hbm>> -> memref<2560xi32, #tpu.memory_space<hbm>>
        tpu.enqueue_dma source(%dma_start3A_103 : memref<2560xi32, #tpu.memory_space<hbm>>) target(%arg11 : memref<2560xi32, #tpu.memory_space<vmem>>) target_semaphore(%arg20 : memref<!tpu.dma_semaphore, #tpu.memory_space<semaphore_mem>>)
      } else {
      }
      %scan3A_89 = arith.constant 0 : i32
      %scan3A_90 = arith.constant 0 : i32
      %scan3A_91 = arith.constant 160 : i32
      %scan3A_92 = arith.addi %scan3A_90, %scan3A_91 : i32
      %scan3A_93 = arith.constant 4 : i32
      scf.for %scan3A_100 = %scan3A_90 to %scan3A_92 step %scan3A_93  : i32 {
        %mul3A_101 = arith.constant 16 : i32
        %mul3A_102 = arith.muli %scan3A_100, %mul3A_101 : i32
        %get3A = arith.index_cast %mul3A_102 : i32 to index
        %get3A_103 = tpu.vector_load %arg12[%get3A] {strides = array<i32>} : memref<2560xf32, #tpu.memory_space<vmem>>, vector<16xf32>,
        %get3A_104 = vector.shape_cast %get3A_103 : vector<16xf32> to vector<16xf32>
        %lt3A_105 = arith.constant 5.000000e-01 : f32
        %lt3A_106 = vector.broadcast %lt3A_105 : f32 to vector<16xf32>
        %lt3A_107 = arith.cmpf olt, %get3A_104, %lt3A_106 : vector<16xf32>
        %mul3A_108 = arith.constant 6.28318548 : f32
        %mul3A_109 = vector.broadcast %mul3A_108 : f32 to vector<16xf32>
        %mul3A_110 = arith.mulf %get3A_104, %mul3A_109 : vector<16xf32>
        %sub3A = arith.constant 1.57079637 : f32
        %sub3A_111 = vector.broadcast %sub3A : f32 to vector<16xf32>
        %sub3A_112 = arith.subf %mul3A_110, %sub3A_111 : vector<16xf32>
        %mul3A_113 = arith.mulf %sub3A_112, %sub3A_112 : vector<16xf32>
        %mul3A_114 = arith.constant 2.75573188E-6 : f32
        %mul3A_115 = vector.broadcast %mul3A_114 : f32 to vector<16xf32>
        %mul3A_116 = arith.mulf %mul3A_113, %mul3A_115 : vector<16xf32>
        %add3A_117 = arith.constant -1.98412701E-4 : f32
        %add3A_118 = vector.broadcast %add3A_117 : f32 to vector<16xf32>
        %add3A_119 = arith.addf %add3A_118, %mul3A_116 : vector<16xf32>
        %mul3A_120 = arith.mulf %mul3A_113, %add3A_119 : vector<16xf32>
        %add3A_121 = arith.constant 0.00833333377 : f32
        %add3A_122 = vector.broadcast %add3A_121 : f32 to vector<16xf32>
        %add3A_123 = arith.addf %add3A_122, %mul3A_120 : vector<16xf32>
        %mul3A_124 = arith.mulf %mul3A_113, %add3A_123 : vector<16xf32>
        %add3A_125 = arith.constant -0.166666672 : f32
        %add3A_126 = vector.broadcast %add3A_125 : f32 to vector<16xf32>
        %add3A_127 = arith.addf %add3A_126, %mul3A_124 : vector<16xf32>
        %mul3A_128 = arith.mulf %mul3A_113, %add3A_127 : vector<16xf32>
        %add3A_129 = arith.constant 1.000000e+00 : f32
        %add3A_130 = vector.broadcast %add3A_129 : f32 to vector<16xf32>
        %add3A_131 = arith.addf %add3A_130, %mul3A_128 : vector<16xf32>
        %mul3A_132 = arith.mulf %sub3A_112, %add3A_131 : vector<16xf32>
        %mul3A_133 = arith.constant 5.000000e-01 : f32
        %mul3A_134 = vector.broadcast %mul3A_133 : f32 to vector<16xf32>
        %mul3A_135 = arith.mulf %mul3A_134, %mul3A_132 : vector<16xf32>
        %sub3A_136 = arith.constant 5.000000e-01 : f32
        %sub3A_137 = vector.broadcast %sub3A_136 : f32 to vector<16xf32>
        %sub3A_138 = arith.subf %sub3A_137, %mul3A_135 : vector<16xf32>
        %jit3A = arith.constant 0.000000e+00 : f32
        %broadcast_in_dim3A_139 = vector.broadcast %jit3A : f32 to vector<16xf32>
        %select_n3A = arith.select %lt3A_107, %sub3A_138, %broadcast_in_dim3A_139 : vector<16xi1>, vector<16xf32>
        %swap3A = arith.index_cast %mul3A_102 : i32 to index
        %swap3A_140 = tpu.vector_load %arg13[%swap3A] {strides = array<i32>} : memref<2560xf32, #tpu.memory_space<vmem>>, vector<16xf32>,
        %swap3A_141 = vector.shape_cast %swap3A_140 : vector<16xf32> to vector<16xf32>
        %swap3A_142 = vector.shape_cast %select_n3A : vector<16xf32> to vector<16xf32>
        tpu.vector_store %arg13[%swap3A], %swap3A_142 {strides = array<i32>} : memref<2560xf32, #tpu.memory_space<vmem>>, vector<16xf32>,
        %select_n3A_143 = arith.select %lt3A_107, %broadcast_in_dim3A_1, %broadcast_in_dim3A_3 : vector<16xi1>, vector<16xi32>
        %swap3A_144 = arith.index_cast %mul3A_102 : i32 to index
        %swap3A_145 = tpu.vector_load %arg14[%swap3A_144] {strides = array<i32>} : memref<2560xi32, #tpu.memory_space<vmem>>, vector<16xi32>,
        %swap3A_146 = vector.shape_cast %swap3A_145 : vector<16xi32> to vector<16xi32>
        %swap3A_147 = vector.shape_cast %select_n3A_143 : vector<16xi32> to vector<16xi32>
        tpu.vector_store %arg14[%swap3A_144], %swap3A_147 {strides = array<i32>} : memref<2560xi32, #tpu.memory_space<vmem>>, vector<16xi32>,
        %scan3A_148 = arith.constant 1 : i32
        %scan3A_149 = arith.addi %scan3A_100, %scan3A_148 : i32
        %mul3A_150 = arith.constant 16 : i32
        %mul3A_151 = arith.muli %scan3A_149, %mul3A_150 : i32
        %get3A_152 = arith.index_cast %mul3A_151 : i32 to index
        %get3A_153 = tpu.vector_load %arg12[%get3A_152] {strides = array<i32>} : memref<2560xf32, #tpu.memory_space<vmem>>, vector<16xf32>,
        %get3A_154 = vector.shape_cast %get3A_153 : vector<16xf32> to vector<16xf32>
        %lt3A_155 = arith.constant 5.000000e-01 : f32
        %lt3A_156 = vector.broadcast %lt3A_155 : f32 to vector<16xf32>
        %lt3A_157 = arith.cmpf olt, %get3A_154, %lt3A_156 : vector<16xf32>
        %mul3A_158 = arith.constant 6.28318548 : f32
        %mul3A_159 = vector.broadcast %mul3A_158 : f32 to vector<16xf32>
        %mul3A_160 = arith.mulf %get3A_154, %mul3A_159 : vector<16xf32>
        %sub3A_161 = arith.constant 1.57079637 : f32
        %sub3A_162 = vector.broadcast %sub3A_161 : f32 to vector<16xf32>
        %sub3A_163 = arith.subf %mul3A_160, %sub3A_162 : vector<16xf32>
        %mul3A_164 = arith.mulf %sub3A_163, %sub3A_163 : vector<16xf32>
        %mul3A_165 = arith.constant 2.75573188E-6 : f32
        %mul3A_166 = vector.broadcast %mul3A_165 : f32 to vector<16xf32>
        %mul3A_167 = arith.mulf %mul3A_164, %mul3A_166 : vector<16xf32>
        %add3A_168 = arith.constant -1.98412701E-4 : f32
        %add3A_169 = vector.broadcast %add3A_168 : f32 to vector<16xf32>
        %add3A_170 = arith.addf %add3A_169, %mul3A_167 : vector<16xf32>
        %mul3A_171 = arith.mulf %mul3A_164, %add3A_170 : vector<16xf32>
        %add3A_172 = arith.constant 0.00833333377 : f32
        %add3A_173 = vector.broadcast %add3A_172 : f32 to vector<16xf32>
        %add3A_174 = arith.addf %add3A_173, %mul3A_171 : vector<16xf32>
        %mul3A_175 = arith.mulf %mul3A_164, %add3A_174 : vector<16xf32>
        %add3A_176 = arith.constant -0.166666672 : f32
        %add3A_177 = vector.broadcast %add3A_176 : f32 to vector<16xf32>
        %add3A_178 = arith.addf %add3A_177, %mul3A_175 : vector<16xf32>
        %mul3A_179 = arith.mulf %mul3A_164, %add3A_178 : vector<16xf32>
        %add3A_180 = arith.constant 1.000000e+00 : f32
        %add3A_181 = vector.broadcast %add3A_180 : f32 to vector<16xf32>
        %add3A_182 = arith.addf %add3A_181, %mul3A_179 : vector<16xf32>
        %mul3A_183 = arith.mulf %sub3A_163, %add3A_182 : vector<16xf32>
        %mul3A_184 = arith.constant 5.000000e-01 : f32
        %mul3A_185 = vector.broadcast %mul3A_184 : f32 to vector<16xf32>
        %mul3A_186 = arith.mulf %mul3A_185, %mul3A_183 : vector<16xf32>
        %sub3A_187 = arith.constant 5.000000e-01 : f32
        %sub3A_188 = vector.broadcast %sub3A_187 : f32 to vector<16xf32>
        %sub3A_189 = arith.subf %sub3A_188, %mul3A_186 : vector<16xf32>
        %jit3A_190 = arith.constant 0.000000e+00 : f32
        %broadcast_in_dim3A_191 = vector.broadcast %jit3A_190 : f32 to vector<16xf32>
        %select_n3A_192 = arith.select %lt3A_157, %sub3A_189, %broadcast_in_dim3A_191 : vector<16xi1>, vector<16xf32>
        %swap3A_193 = arith.index_cast %mul3A_151 : i32 to index
        %swap3A_194 = tpu.vector_load %arg13[%swap3A_193] {strides = array<i32>} : memref<2560xf32, #tpu.memory_space<vmem>>, vector<16xf32>,
        %swap3A_195 = vector.shape_cast %swap3A_194 : vector<16xf32> to vector<16xf32>
        %swap3A_196 = vector.shape_cast %select_n3A_192 : vector<16xf32> to vector<16xf32>
        tpu.vector_store %arg13[%swap3A_193], %swap3A_196 {strides = array<i32>} : memref<2560xf32, #tpu.memory_space<vmem>>, vector<16xf32>,
        %select_n3A_197 = arith.select %lt3A_157, %broadcast_in_dim3A_1, %broadcast_in_dim3A_3 : vector<16xi1>, vector<16xi32>
        %swap3A_198 = arith.index_cast %mul3A_151 : i32 to index
        %swap3A_199 = tpu.vector_load %arg14[%swap3A_198] {strides = array<i32>} : memref<2560xi32, #tpu.memory_space<vmem>>, vector<16xi32>,
        %swap3A_200 = vector.shape_cast %swap3A_199 : vector<16xi32> to vector<16xi32>
        %swap3A_201 = vector.shape_cast %select_n3A_197 : vector<16xi32> to vector<16xi32>
        tpu.vector_store %arg14[%swap3A_198], %swap3A_201 {strides = array<i32>} : memref<2560xi32, #tpu.memory_space<vmem>>, vector<16xi32>,
        %scan3A_202 = arith.constant 2 : i32
        %scan3A_203 = arith.addi %scan3A_100, %scan3A_202 : i32
        %mul3A_204 = arith.constant 16 : i32
        %mul3A_205 = arith.muli %scan3A_203, %mul3A_204 : i32
        %get3A_206 = arith.index_cast %mul3A_205 : i32 to index
        %get3A_207 = tpu.vector_load %arg12[%get3A_206] {strides = array<i32>} : memref<2560xf32, #tpu.memory_space<vmem>>, vector<16xf32>,
        %get3A_208 = vector.shape_cast %get3A_207 : vector<16xf32> to vector<16xf32>
        %lt3A_209 = arith.constant 5.000000e-01 : f32
        %lt3A_210 = vector.broadcast %lt3A_209 : f32 to vector<16xf32>
        %lt3A_211 = arith.cmpf olt, %get3A_208, %lt3A_210 : vector<16xf32>
        %mul3A_212 = arith.constant 6.28318548 : f32
        %mul3A_213 = vector.broadcast %mul3A_212 : f32 to vector<16xf32>
        %mul3A_214 = arith.mulf %get3A_208, %mul3A_213 : vector<16xf32>
        %sub3A_215 = arith.constant 1.57079637 : f32
        %sub3A_216 = vector.broadcast %sub3A_215 : f32 to vector<16xf32>
        %sub3A_217 = arith.subf %mul3A_214, %sub3A_216 : vector<16xf32>
        %mul3A_218 = arith.mulf %sub3A_217, %sub3A_217 : vector<16xf32>
        %mul3A_219 = arith.constant 2.75573188E-6 : f32
        %mul3A_220 = vector.broadcast %mul3A_219 : f32 to vector<16xf32>
        %mul3A_221 = arith.mulf %mul3A_218, %mul3A_220 : vector<16xf32>
        %add3A_222 = arith.constant -1.98412701E-4 : f32
        %add3A_223 = vector.broadcast %add3A_222 : f32 to vector<16xf32>
        %add3A_224 = arith.addf %add3A_223, %mul3A_221 : vector<16xf32>
        %mul3A_225 = arith.mulf %mul3A_218, %add3A_224 : vector<16xf32>
        %add3A_226 = arith.constant 0.00833333377 : f32
        %add3A_227 = vector.broadcast %add3A_226 : f32 to vector<16xf32>
        %add3A_228 = arith.addf %add3A_227, %mul3A_225 : vector<16xf32>
        %mul3A_229 = arith.mulf %mul3A_218, %add3A_228 : vector<16xf32>
        %add3A_230 = arith.constant -0.166666672 : f32
        %add3A_231 = vector.broadcast %add3A_230 : f32 to vector<16xf32>
        %add3A_232 = arith.addf %add3A_231, %mul3A_229 : vector<16xf32>
        %mul3A_233 = arith.mulf %mul3A_218, %add3A_232 : vector<16xf32>
        %add3A_234 = arith.constant 1.000000e+00 : f32
        %add3A_235 = vector.broadcast %add3A_234 : f32 to vector<16xf32>
        %add3A_236 = arith.addf %add3A_235, %mul3A_233 : vector<16xf32>
        %mul3A_237 = arith.mulf %sub3A_217, %add3A_236 : vector<16xf32>
        %mul3A_238 = arith.constant 5.000000e-01 : f32
        %mul3A_239 = vector.broadcast %mul3A_238 : f32 to vector<16xf32>
        %mul3A_240 = arith.mulf %mul3A_239, %mul3A_237 : vector<16xf32>
        %sub3A_241 = arith.constant 5.000000e-01 : f32
        %sub3A_242 = vector.broadcast %sub3A_241 : f32 to vector<16xf32>
        %sub3A_243 = arith.subf %sub3A_242, %mul3A_240 : vector<16xf32>
        %jit3A_244 = arith.constant 0.000000e+00 : f32
        %broadcast_in_dim3A_245 = vector.broadcast %jit3A_244 : f32 to vector<16xf32>
        %select_n3A_246 = arith.select %lt3A_211, %sub3A_243, %broadcast_in_dim3A_245 : vector<16xi1>, vector<16xf32>
        %swap3A_247 = arith.index_cast %mul3A_205 : i32 to index
        %swap3A_248 = tpu.vector_load %arg13[%swap3A_247] {strides = array<i32>} : memref<2560xf32, #tpu.memory_space<vmem>>, vector<16xf32>,
        %swap3A_249 = vector.shape_cast %swap3A_248 : vector<16xf32> to vector<16xf32>
        %swap3A_250 = vector.shape_cast %select_n3A_246 : vector<16xf32> to vector<16xf32>
        tpu.vector_store %arg13[%swap3A_247], %swap3A_250 {strides = array<i32>} : memref<2560xf32, #tpu.memory_space<vmem>>, vector<16xf32>,
        %select_n3A_251 = arith.select %lt3A_211, %broadcast_in_dim3A_1, %broadcast_in_dim3A_3 : vector<16xi1>, vector<16xi32>
        %swap3A_252 = arith.index_cast %mul3A_205 : i32 to index
        %swap3A_253 = tpu.vector_load %arg14[%swap3A_252] {strides = array<i32>} : memref<2560xi32, #tpu.memory_space<vmem>>, vector<16xi32>,
        %swap3A_254 = vector.shape_cast %swap3A_253 : vector<16xi32> to vector<16xi32>
        %swap3A_255 = vector.shape_cast %select_n3A_251 : vector<16xi32> to vector<16xi32>
        tpu.vector_store %arg14[%swap3A_252], %swap3A_255 {strides = array<i32>} : memref<2560xi32, #tpu.memory_space<vmem>>, vector<16xi32>,
        %scan3A_256 = arith.constant 3 : i32
        %scan3A_257 = arith.addi %scan3A_100, %scan3A_256 : i32
        %mul3A_258 = arith.constant 16 : i32
        %mul3A_259 = arith.muli %scan3A_257, %mul3A_258 : i32
        %get3A_260 = arith.index_cast %mul3A_259 : i32 to index
        %get3A_261 = tpu.vector_load %arg12[%get3A_260] {strides = array<i32>} : memref<2560xf32, #tpu.memory_space<vmem>>, vector<16xf32>,
        %get3A_262 = vector.shape_cast %get3A_261 : vector<16xf32> to vector<16xf32>
        %lt3A_263 = arith.constant 5.000000e-01 : f32
        %lt3A_264 = vector.broadcast %lt3A_263 : f32 to vector<16xf32>
        %lt3A_265 = arith.cmpf olt, %get3A_262, %lt3A_264 : vector<16xf32>
        %mul3A_266 = arith.constant 6.28318548 : f32
        %mul3A_267 = vector.broadcast %mul3A_266 : f32 to vector<16xf32>
        %mul3A_268 = arith.mulf %get3A_262, %mul3A_267 : vector<16xf32>
        %sub3A_269 = arith.constant 1.57079637 : f32
        %sub3A_270 = vector.broadcast %sub3A_269 : f32 to vector<16xf32>
        %sub3A_271 = arith.subf %mul3A_268, %sub3A_270 : vector<16xf32>
        %mul3A_272 = arith.mulf %sub3A_271, %sub3A_271 : vector<16xf32>
        %mul3A_273 = arith.constant 2.75573188E-6 : f32
        %mul3A_274 = vector.broadcast %mul3A_273 : f32 to vector<16xf32>
        %mul3A_275 = arith.mulf %mul3A_272, %mul3A_274 : vector<16xf32>
        %add3A_276 = arith.constant -1.98412701E-4 : f32
        %add3A_277 = vector.broadcast %add3A_276 : f32 to vector<16xf32>
        %add3A_278 = arith.addf %add3A_277, %mul3A_275 : vector<16xf32>
        %mul3A_279 = arith.mulf %mul3A_272, %add3A_278 : vector<16xf32>
        %add3A_280 = arith.constant 0.00833333377 : f32
        %add3A_281 = vector.broadcast %add3A_280 : f32 to vector<16xf32>
        %add3A_282 = arith.addf %add3A_281, %mul3A_279 : vector<16xf32>
        %mul3A_283 = arith.mulf %mul3A_272, %add3A_282 : vector<16xf32>
        %add3A_284 = arith.constant -0.166666672 : f32
        %add3A_285 = vector.broadcast %add3A_284 : f32 to vector<16xf32>
        %add3A_286 = arith.addf %add3A_285, %mul3A_283 : vector<16xf32>
        %mul3A_287 = arith.mulf %mul3A_272, %add3A_286 : vector<16xf32>
        %add3A_288 = arith.constant 1.000000e+00 : f32
        %add3A_289 = vector.broadcast %add3A_288 : f32 to vector<16xf32>
        %add3A_290 = arith.addf %add3A_289, %mul3A_287 : vector<16xf32>
        %mul3A_291 = arith.mulf %sub3A_271, %add3A_290 : vector<16xf32>
        %mul3A_292 = arith.constant 5.000000e-01 : f32
        %mul3A_293 = vector.broadcast %mul3A_292 : f32 to vector<16xf32>
        %mul3A_294 = arith.mulf %mul3A_293, %mul3A_291 : vector<16xf32>
        %sub3A_295 = arith.constant 5.000000e-01 : f32
        %sub3A_296 = vector.broadcast %sub3A_295 : f32 to vector<16xf32>
        %sub3A_297 = arith.subf %sub3A_296, %mul3A_294 : vector<16xf32>
        %jit3A_298 = arith.constant 0.000000e+00 : f32
        %broadcast_in_dim3A_299 = vector.broadcast %jit3A_298 : f32 to vector<16xf32>
        %select_n3A_300 = arith.select %lt3A_265, %sub3A_297, %broadcast_in_dim3A_299 : vector<16xi1>, vector<16xf32>
        %swap3A_301 = arith.index_cast %mul3A_259 : i32 to index
        %swap3A_302 = tpu.vector_load %arg13[%swap3A_301] {strides = array<i32>} : memref<2560xf32, #tpu.memory_space<vmem>>, vector<16xf32>,
        %swap3A_303 = vector.shape_cast %swap3A_302 : vector<16xf32> to vector<16xf32>
        %swap3A_304 = vector.shape_cast %select_n3A_300 : vector<16xf32> to vector<16xf32>
        tpu.vector_store %arg13[%swap3A_301], %swap3A_304 {strides = array<i32>} : memref<2560xf32, #tpu.memory_space<vmem>>, vector<16xf32>,
        %select_n3A_305 = arith.select %lt3A_265, %broadcast_in_dim3A_1, %broadcast_in_dim3A_3 : vector<16xi1>, vector<16xi32>
        %swap3A_306 = arith.index_cast %mul3A_259 : i32 to index
        %swap3A_307 = tpu.vector_load %arg14[%swap3A_306] {strides = array<i32>} : memref<2560xi32, #tpu.memory_space<vmem>>, vector<16xi32>,
        %swap3A_308 = vector.shape_cast %swap3A_307 : vector<16xi32> to vector<16xi32>
        %swap3A_309 = vector.shape_cast %select_n3A_305 : vector<16xi32> to vector<16xi32>
        tpu.vector_store %arg14[%swap3A_306], %swap3A_309 {strides = array<i32>} : memref<2560xi32, #tpu.memory_space<vmem>>, vector<16xi32>,
      }
      %scan3A_94 = arith.constant 160 : i32
      %dma_start3A = tpu.memref_slice %arg4[%mul3A_79] : memref<3200000xf32, #tpu.memory_space<hbm>> -> memref<2560xf32, #tpu.memory_space<hbm>>
      %dma_start3A_95 = tpu.memref_slice %arg4[%mul3A_79] : memref<3200000xf32, #tpu.memory_space<hbm>> -> memref<2560xf32, #tpu.memory_space<hbm>>
      tpu.enqueue_dma source(%arg12 : memref<2560xf32, #tpu.memory_space<vmem>>) target(%dma_start3A_95 : memref<2560xf32, #tpu.memory_space<hbm>>) target_semaphore(%arg19 : memref<!tpu.dma_semaphore, #tpu.memory_space<semaphore_mem>>)
      %dma_start3A_96 = tpu.memref_slice %arg5[%mul3A_79] : memref<3200000xf32, #tpu.memory_space<hbm>> -> memref<2560xf32, #tpu.memory_space<hbm>>
      %dma_start3A_97 = tpu.memref_slice %arg5[%mul3A_79] : memref<3200000xf32, #tpu.memory_space<hbm>> -> memref<2560xf32, #tpu.memory_space<hbm>>
      tpu.enqueue_dma source(%arg13 : memref<2560xf32, #tpu.memory_space<vmem>>) target(%dma_start3A_97 : memref<2560xf32, #tpu.memory_space<hbm>>) target_semaphore(%arg19 : memref<!tpu.dma_semaphore, #tpu.memory_space<semaphore_mem>>)
      %dma_start3A_98 = tpu.memref_slice %arg6[%mul3A_79] : memref<3200000xi32, #tpu.memory_space<hbm>> -> memref<2560xi32, #tpu.memory_space<hbm>>
      %dma_start3A_99 = tpu.memref_slice %arg6[%mul3A_79] : memref<3200000xi32, #tpu.memory_space<hbm>> -> memref<2560xi32, #tpu.memory_space<hbm>>
      tpu.enqueue_dma source(%arg14 : memref<2560xi32, #tpu.memory_space<vmem>>) target(%dma_start3A_99 : memref<2560xi32, #tpu.memory_space<hbm>>) target_semaphore(%arg19 : memref<!tpu.dma_semaphore, #tpu.memory_space<semaphore_mem>>)
    } else {
    }
    %scan3A = arith.constant 0 : i32
    %scan3A_50 = arith.constant 1 : i32
    %scan3A_51 = arith.constant 19 : i32
    %scan3A_52 = arith.addi %scan3A_50, %scan3A_51 : i32
    %scan3A_53 = arith.constant 1 : i32
    scf.for %scan3A_78 = %scan3A_50 to %scan3A_52 step %scan3A_53  : i32 {
      %mul3A_79 = arith.constant 2 : i32
      %mul3A_80 = arith.muli %mul3A_79, %scan3A_78 : i32
      %add3A_81 = arith.constant 1 : i32
      %add3A_82 = arith.addi %mul3A_80, %add3A_81 : i32
      %mul3A_83 = arith.constant 32 : i32
      %mul3A_84 = arith.muli %mul3A_83, %add3A_82 : i32
      %add3A_85 = arith.addi %add3A, %mul3A_84 : i32
      %lt3A_86 = arith.constant 1250 : i32
      %lt3A_87 = arith.cmpi slt, %add3A_85, %lt3A_86 : i32
      %convert_element_type3A_88 = arith.extui %lt3A_87 : i1 to i32
      %cond3A_89 = arith.constant 0 : i32
      %cond3A_90 = arith.cmpi ne, %convert_element_type3A_88, %cond3A_89 : i32
      scf.if %cond3A_90 {
        %dma_wait3A_119 = arith.constant 0 : i32
        %dma_wait3A_120 = tpu.memref_slice %arg4[%dma_wait3A_119] : memref<3200000xf32, #tpu.memory_space<hbm>> -> memref<2560xf32, #tpu.memory_space<hbm>>
        %dma_wait3A_121 = arith.constant 0 : i32
        %dma_wait3A_122 = tpu.memref_slice %arg4[%dma_wait3A_121] : memref<3200000xf32, #tpu.memory_space<hbm>> -> memref<2560xf32, #tpu.memory_space<hbm>>
        tpu.wait_dma2 semaphore(%arg19 : memref<!tpu.dma_semaphore, #tpu.memory_space<semaphore_mem>>) src(%arg12 : memref<2560xf32, #tpu.memory_space<vmem>>) dst(%dma_wait3A_122 : memref<2560xf32, #tpu.memory_space<hbm>>)
        %dma_wait3A_123 = arith.constant 0 : i32
        %dma_wait3A_124 = tpu.memref_slice %arg5[%dma_wait3A_123] : memref<3200000xf32, #tpu.memory_space<hbm>> -> memref<2560xf32, #tpu.memory_space<hbm>>
        %dma_wait3A_125 = arith.constant 0 : i32
        %dma_wait3A_126 = tpu.memref_slice %arg5[%dma_wait3A_125] : memref<3200000xf32, #tpu.memory_space<hbm>> -> memref<2560xf32, #tpu.memory_space<hbm>>
        tpu.wait_dma2 semaphore(%arg19 : memref<!tpu.dma_semaphore, #tpu.memory_space<semaphore_mem>>) src(%arg13 : memref<2560xf32, #tpu.memory_space<vmem>>) dst(%dma_wait3A_126 : memref<2560xf32, #tpu.memory_space<hbm>>)
        %dma_wait3A_127 = arith.constant 0 : i32
        %dma_wait3A_128 = tpu.memref_slice %arg6[%dma_wait3A_127] : memref<3200000xi32, #tpu.memory_space<hbm>> -> memref<2560xi32, #tpu.memory_space<hbm>>
        %dma_wait3A_129 = arith.constant 0 : i32
        %dma_wait3A_130 = tpu.memref_slice %arg6[%dma_wait3A_129] : memref<3200000xi32, #tpu.memory_space<hbm>> -> memref<2560xi32, #tpu.memory_space<hbm>>
        tpu.wait_dma2 semaphore(%arg19 : memref<!tpu.dma_semaphore, #tpu.memory_space<semaphore_mem>>) src(%arg14 : memref<2560xi32, #tpu.memory_space<vmem>>) dst(%dma_wait3A_130 : memref<2560xi32, #tpu.memory_space<hbm>>)
        %mul3A_131 = arith.constant 2560 : i32
        %mul3A_132 = arith.muli %add3A_85, %mul3A_131 : i32
        %dma_wait3A_133 = tpu.memref_slice %arg3[%mul3A_132] : memref<3200000xi32, #tpu.memory_space<hbm>> -> memref<2560xi32, #tpu.memory_space<hbm>>
        %dma_wait3A_134 = tpu.memref_slice %arg3[%mul3A_132] : memref<3200000xi32, #tpu.memory_space<hbm>> -> memref<2560xi32, #tpu.memory_space<hbm>>
        tpu.wait_dma2 semaphore(%arg20 : memref<!tpu.dma_semaphore, #tpu.memory_space<semaphore_mem>>) src(%dma_wait3A_134 : memref<2560xi32, #tpu.memory_space<hbm>>) dst(%arg11 : memref<2560xi32, #tpu.memory_space<vmem>>)
        %dma_start3A = arith.constant 0 : i32
        %dma_start3A_135 = tpu.memref_slice %arg2[%dma_start3A] : memref<6400000xf32, #tpu.memory_space<hbm>> -> memref<6400000xf32, #tpu.memory_space<hbm>>
        tpu.enqueue_indirect_dma source(%dma_start3A_135 : memref<6400000xf32, #tpu.memory_space<hbm>>) target(%arg12 : memref<2560xf32, #tpu.memory_space<vmem>>) offsets(%arg11 : memref<2560xi32, #tpu.memory_space<vmem>>) semaphore(%arg18 : memref<!tpu.dma_semaphore, #tpu.memory_space<semaphore_mem>>)
      } else {
      }
      %mul3A_91 = arith.constant 32 : i32
      %mul3A_92 = arith.muli %mul3A_91, %mul3A_80 : i32
      %add3A_93 = arith.addi %add3A, %mul3A_92 : i32
      %lt3A_94 = arith.constant 1250 : i32
      %lt3A_95 = arith.cmpi slt, %add3A_93, %lt3A_94 : i32
      %convert_element_type3A_96 = arith.extui %lt3A_95 : i1 to i32
      %cond3A_97 = arith.constant 0 : i32
      %cond3A_98 = arith.cmpi ne, %convert_element_type3A_96, %cond3A_97 : i32
      scf.if %cond3A_98 {
        %mul3A_119 = arith.constant 2560 : i32
        %mul3A_120 = arith.muli %add3A_93, %mul3A_119 : i32
        %dma_wait3A_121 = arith.constant 0 : i32
        %dma_wait3A_122 = tpu.memref_slice %arg2[%dma_wait3A_121] : memref<6400000xf32, #tpu.memory_space<hbm>> -> memref<6400000xf32, #tpu.memory_space<hbm>>
        tpu.wait_indirect_dma semaphore(%arg15 : memref<!tpu.dma_semaphore, #tpu.memory_space<semaphore_mem>>) src(%dma_wait3A_122 : memref<6400000xf32, #tpu.memory_space<hbm>>) dst(%arg8 : memref<2560xf32, #tpu.memory_space<vmem>>)
        %add3A_123 = arith.constant 2 : i32
        %add3A_124 = arith.addi %mul3A_80, %add3A_123 : i32
        %mul3A_125 = arith.constant 32 : i32
        %mul3A_126 = arith.muli %mul3A_125, %add3A_124 : i32
        %add3A_127 = arith.addi %add3A, %mul3A_126 : i32
        %lt3A_128 = arith.constant 1250 : i32
        %lt3A_129 = arith.cmpi slt, %add3A_127, %lt3A_128 : i32
        %convert_element_type3A_130 = arith.extui %lt3A_129 : i1 to i32
        %cond3A_131 = arith.constant 0 : i32
        %cond3A_132 = arith.cmpi ne, %convert_element_type3A_130, %cond3A_131 : i32
        scf.if %cond3A_132 {
          %mul3A_144 = arith.constant 2560 : i32
          %mul3A_145 = arith.muli %add3A_127, %mul3A_144 : i32
          %dma_start3A_146 = tpu.memref_slice %arg3[%mul3A_145] : memref<3200000xi32, #tpu.memory_space<hbm>> -> memref<2560xi32, #tpu.memory_space<hbm>>
          %dma_start3A_147 = tpu.memref_slice %arg3[%mul3A_145] : memref<3200000xi32, #tpu.memory_space<hbm>> -> memref<2560xi32, #tpu.memory_space<hbm>>
          tpu.enqueue_dma source(%dma_start3A_147 : memref<2560xi32, #tpu.memory_space<hbm>>) target(%arg7 : memref<2560xi32, #tpu.memory_space<vmem>>) target_semaphore(%arg17 : memref<!tpu.dma_semaphore, #tpu.memory_space<semaphore_mem>>)
        } else {
        }
        %scan3A_133 = arith.constant 0 : i32
        %scan3A_134 = arith.constant 0 : i32
        %scan3A_135 = arith.constant 160 : i32
        %scan3A_136 = arith.addi %scan3A_134, %scan3A_135 : i32
        %scan3A_137 = arith.constant 4 : i32
        scf.for %scan3A_144 = %scan3A_134 to %scan3A_136 step %scan3A_137  : i32 {
          %mul3A_145 = arith.constant 16 : i32
          %mul3A_146 = arith.muli %scan3A_144, %mul3A_145 : i32
          %get3A = arith.index_cast %mul3A_146 : i32 to index
          %get3A_147 = tpu.vector_load %arg8[%get3A] {strides = array<i32>} : memref<2560xf32, #tpu.memory_space<vmem>>, vector<16xf32>,
          %get3A_148 = vector.shape_cast %get3A_147 : vector<16xf32> to vector<16xf32>
          %lt3A_149 = arith.constant 5.000000e-01 : f32
          %lt3A_150 = vector.broadcast %lt3A_149 : f32 to vector<16xf32>
          %lt3A_151 = arith.cmpf olt, %get3A_148, %lt3A_150 : vector<16xf32>
          %mul3A_152 = arith.constant 6.28318548 : f32
          %mul3A_153 = vector.broadcast %mul3A_152 : f32 to vector<16xf32>
          %mul3A_154 = arith.mulf %get3A_148, %mul3A_153 : vector<16xf32>
          %sub3A = arith.constant 1.57079637 : f32
          %sub3A_155 = vector.broadcast %sub3A : f32 to vector<16xf32>
          %sub3A_156 = arith.subf %mul3A_154, %sub3A_155 : vector<16xf32>
          %mul3A_157 = arith.mulf %sub3A_156, %sub3A_156 : vector<16xf32>
          %mul3A_158 = arith.constant 2.75573188E-6 : f32
          %mul3A_159 = vector.broadcast %mul3A_158 : f32 to vector<16xf32>
          %mul3A_160 = arith.mulf %mul3A_157, %mul3A_159 : vector<16xf32>
          %add3A_161 = arith.constant -1.98412701E-4 : f32
          %add3A_162 = vector.broadcast %add3A_161 : f32 to vector<16xf32>
          %add3A_163 = arith.addf %add3A_162, %mul3A_160 : vector<16xf32>
          %mul3A_164 = arith.mulf %mul3A_157, %add3A_163 : vector<16xf32>
          %add3A_165 = arith.constant 0.00833333377 : f32
          %add3A_166 = vector.broadcast %add3A_165 : f32 to vector<16xf32>
          %add3A_167 = arith.addf %add3A_166, %mul3A_164 : vector<16xf32>
          %mul3A_168 = arith.mulf %mul3A_157, %add3A_167 : vector<16xf32>
          %add3A_169 = arith.constant -0.166666672 : f32
          %add3A_170 = vector.broadcast %add3A_169 : f32 to vector<16xf32>
          %add3A_171 = arith.addf %add3A_170, %mul3A_168 : vector<16xf32>
          %mul3A_172 = arith.mulf %mul3A_157, %add3A_171 : vector<16xf32>
          %add3A_173 = arith.constant 1.000000e+00 : f32
          %add3A_174 = vector.broadcast %add3A_173 : f32 to vector<16xf32>
          %add3A_175 = arith.addf %add3A_174, %mul3A_172 : vector<16xf32>
          %mul3A_176 = arith.mulf %sub3A_156, %add3A_175 : vector<16xf32>
          %mul3A_177 = arith.constant 5.000000e-01 : f32
          %mul3A_178 = vector.broadcast %mul3A_177 : f32 to vector<16xf32>
          %mul3A_179 = arith.mulf %mul3A_178, %mul3A_176 : vector<16xf32>
          %sub3A_180 = arith.constant 5.000000e-01 : f32
          %sub3A_181 = vector.broadcast %sub3A_180 : f32 to vector<16xf32>
          %sub3A_182 = arith.subf %sub3A_181, %mul3A_179 : vector<16xf32>
          %jit3A = arith.constant 0.000000e+00 : f32
          %broadcast_in_dim3A_183 = vector.broadcast %jit3A : f32 to vector<16xf32>
          %select_n3A = arith.select %lt3A_151, %sub3A_182, %broadcast_in_dim3A_183 : vector<16xi1>, vector<16xf32>
          %swap3A = arith.index_cast %mul3A_146 : i32 to index
          %swap3A_184 = tpu.vector_load %arg9[%swap3A] {strides = array<i32>} : memref<2560xf32, #tpu.memory_space<vmem>>, vector<16xf32>,
          %swap3A_185 = vector.shape_cast %swap3A_184 : vector<16xf32> to vector<16xf32>
          %swap3A_186 = vector.shape_cast %select_n3A : vector<16xf32> to vector<16xf32>
          tpu.vector_store %arg9[%swap3A], %swap3A_186 {strides = array<i32>} : memref<2560xf32, #tpu.memory_space<vmem>>, vector<16xf32>,
          %select_n3A_187 = arith.select %lt3A_151, %broadcast_in_dim3A_1, %broadcast_in_dim3A_3 : vector<16xi1>, vector<16xi32>
          %swap3A_188 = arith.index_cast %mul3A_146 : i32 to index
          %swap3A_189 = tpu.vector_load %arg10[%swap3A_188] {strides = array<i32>} : memref<2560xi32, #tpu.memory_space<vmem>>, vector<16xi32>,
          %swap3A_190 = vector.shape_cast %swap3A_189 : vector<16xi32> to vector<16xi32>
          %swap3A_191 = vector.shape_cast %select_n3A_187 : vector<16xi32> to vector<16xi32>
          tpu.vector_store %arg10[%swap3A_188], %swap3A_191 {strides = array<i32>} : memref<2560xi32, #tpu.memory_space<vmem>>, vector<16xi32>,
          %scan3A_192 = arith.constant 1 : i32
          %scan3A_193 = arith.addi %scan3A_144, %scan3A_192 : i32
          %mul3A_194 = arith.constant 16 : i32
          %mul3A_195 = arith.muli %scan3A_193, %mul3A_194 : i32
          %get3A_196 = arith.index_cast %mul3A_195 : i32 to index
          %get3A_197 = tpu.vector_load %arg8[%get3A_196] {strides = array<i32>} : memref<2560xf32, #tpu.memory_space<vmem>>, vector<16xf32>,
          %get3A_198 = vector.shape_cast %get3A_197 : vector<16xf32> to vector<16xf32>
          %lt3A_199 = arith.constant 5.000000e-01 : f32
          %lt3A_200 = vector.broadcast %lt3A_199 : f32 to vector<16xf32>
          %lt3A_201 = arith.cmpf olt, %get3A_198, %lt3A_200 : vector<16xf32>
          %mul3A_202 = arith.constant 6.28318548 : f32
          %mul3A_203 = vector.broadcast %mul3A_202 : f32 to vector<16xf32>
          %mul3A_204 = arith.mulf %get3A_198, %mul3A_203 : vector<16xf32>
          %sub3A_205 = arith.constant 1.57079637 : f32
          %sub3A_206 = vector.broadcast %sub3A_205 : f32 to vector<16xf32>
          %sub3A_207 = arith.subf %mul3A_204, %sub3A_206 : vector<16xf32>
          %mul3A_208 = arith.mulf %sub3A_207, %sub3A_207 : vector<16xf32>
          %mul3A_209 = arith.constant 2.75573188E-6 : f32
          %mul3A_210 = vector.broadcast %mul3A_209 : f32 to vector<16xf32>
          %mul3A_211 = arith.mulf %mul3A_208, %mul3A_210 : vector<16xf32>
          %add3A_212 = arith.constant -1.98412701E-4 : f32
          %add3A_213 = vector.broadcast %add3A_212 : f32 to vector<16xf32>
          %add3A_214 = arith.addf %add3A_213, %mul3A_211 : vector<16xf32>
          %mul3A_215 = arith.mulf %mul3A_208, %add3A_214 : vector<16xf32>
          %add3A_216 = arith.constant 0.00833333377 : f32
          %add3A_217 = vector.broadcast %add3A_216 : f32 to vector<16xf32>
          %add3A_218 = arith.addf %add3A_217, %mul3A_215 : vector<16xf32>
          %mul3A_219 = arith.mulf %mul3A_208, %add3A_218 : vector<16xf32>
          %add3A_220 = arith.constant -0.166666672 : f32
          %add3A_221 = vector.broadcast %add3A_220 : f32 to vector<16xf32>
          %add3A_222 = arith.addf %add3A_221, %mul3A_219 : vector<16xf32>
          %mul3A_223 = arith.mulf %mul3A_208, %add3A_222 : vector<16xf32>
          %add3A_224 = arith.constant 1.000000e+00 : f32
          %add3A_225 = vector.broadcast %add3A_224 : f32 to vector<16xf32>
          %add3A_226 = arith.addf %add3A_225, %mul3A_223 : vector<16xf32>
          %mul3A_227 = arith.mulf %sub3A_207, %add3A_226 : vector<16xf32>
          %mul3A_228 = arith.constant 5.000000e-01 : f32
          %mul3A_229 = vector.broadcast %mul3A_228 : f32 to vector<16xf32>
          %mul3A_230 = arith.mulf %mul3A_229, %mul3A_227 : vector<16xf32>
          %sub3A_231 = arith.constant 5.000000e-01 : f32
          %sub3A_232 = vector.broadcast %sub3A_231 : f32 to vector<16xf32>
          %sub3A_233 = arith.subf %sub3A_232, %mul3A_230 : vector<16xf32>
          %jit3A_234 = arith.constant 0.000000e+00 : f32
          %broadcast_in_dim3A_235 = vector.broadcast %jit3A_234 : f32 to vector<16xf32>
          %select_n3A_236 = arith.select %lt3A_201, %sub3A_233, %broadcast_in_dim3A_235 : vector<16xi1>, vector<16xf32>
          %swap3A_237 = arith.index_cast %mul3A_195 : i32 to index
          %swap3A_238 = tpu.vector_load %arg9[%swap3A_237] {strides = array<i32>} : memref<2560xf32, #tpu.memory_space<vmem>>, vector<16xf32>,
          %swap3A_239 = vector.shape_cast %swap3A_238 : vector<16xf32> to vector<16xf32>
          %swap3A_240 = vector.shape_cast %select_n3A_236 : vector<16xf32> to vector<16xf32>
          tpu.vector_store %arg9[%swap3A_237], %swap3A_240 {strides = array<i32>} : memref<2560xf32, #tpu.memory_space<vmem>>, vector<16xf32>,
          %select_n3A_241 = arith.select %lt3A_201, %broadcast_in_dim3A_1, %broadcast_in_dim3A_3 : vector<16xi1>, vector<16xi32>
          %swap3A_242 = arith.index_cast %mul3A_195 : i32 to index
          %swap3A_243 = tpu.vector_load %arg10[%swap3A_242] {strides = array<i32>} : memref<2560xi32, #tpu.memory_space<vmem>>, vector<16xi32>,
          %swap3A_244 = vector.shape_cast %swap3A_243 : vector<16xi32> to vector<16xi32>
          %swap3A_245 = vector.shape_cast %select_n3A_241 : vector<16xi32> to vector<16xi32>
          tpu.vector_store %arg10[%swap3A_242], %swap3A_245 {strides = array<i32>} : memref<2560xi32, #tpu.memory_space<vmem>>, vector<16xi32>,
          %scan3A_246 = arith.constant 2 : i32
          %scan3A_247 = arith.addi %scan3A_144, %scan3A_246 : i32
          %mul3A_248 = arith.constant 16 : i32
          %mul3A_249 = arith.muli %scan3A_247, %mul3A_248 : i32
          %get3A_250 = arith.index_cast %mul3A_249 : i32 to index
          %get3A_251 = tpu.vector_load %arg8[%get3A_250] {strides = array<i32>} : memref<2560xf32, #tpu.memory_space<vmem>>, vector<16xf32>,
          %get3A_252 = vector.shape_cast %get3A_251 : vector<16xf32> to vector<16xf32>
          %lt3A_253 = arith.constant 5.000000e-01 : f32
          %lt3A_254 = vector.broadcast %lt3A_253 : f32 to vector<16xf32>
          %lt3A_255 = arith.cmpf olt, %get3A_252, %lt3A_254 : vector<16xf32>
          %mul3A_256 = arith.constant 6.28318548 : f32
          %mul3A_257 = vector.broadcast %mul3A_256 : f32 to vector<16xf32>
          %mul3A_258 = arith.mulf %get3A_252, %mul3A_257 : vector<16xf32>
          %sub3A_259 = arith.constant 1.57079637 : f32
          %sub3A_260 = vector.broadcast %sub3A_259 : f32 to vector<16xf32>
          %sub3A_261 = arith.subf %mul3A_258, %sub3A_260 : vector<16xf32>
          %mul3A_262 = arith.mulf %sub3A_261, %sub3A_261 : vector<16xf32>
          %mul3A_263 = arith.constant 2.75573188E-6 : f32
          %mul3A_264 = vector.broadcast %mul3A_263 : f32 to vector<16xf32>
          %mul3A_265 = arith.mulf %mul3A_262, %mul3A_264 : vector<16xf32>
          %add3A_266 = arith.constant -1.98412701E-4 : f32
          %add3A_267 = vector.broadcast %add3A_266 : f32 to vector<16xf32>
          %add3A_268 = arith.addf %add3A_267, %mul3A_265 : vector<16xf32>
          %mul3A_269 = arith.mulf %mul3A_262, %add3A_268 : vector<16xf32>
          %add3A_270 = arith.constant 0.00833333377 : f32
          %add3A_271 = vector.broadcast %add3A_270 : f32 to vector<16xf32>
          %add3A_272 = arith.addf %add3A_271, %mul3A_269 : vector<16xf32>
          %mul3A_273 = arith.mulf %mul3A_262, %add3A_272 : vector<16xf32>
          %add3A_274 = arith.constant -0.166666672 : f32
          %add3A_275 = vector.broadcast %add3A_274 : f32 to vector<16xf32>
          %add3A_276 = arith.addf %add3A_275, %mul3A_273 : vector<16xf32>
          %mul3A_277 = arith.mulf %mul3A_262, %add3A_276 : vector<16xf32>
          %add3A_278 = arith.constant 1.000000e+00 : f32
          %add3A_279 = vector.broadcast %add3A_278 : f32 to vector<16xf32>
          %add3A_280 = arith.addf %add3A_279, %mul3A_277 : vector<16xf32>
          %mul3A_281 = arith.mulf %sub3A_261, %add3A_280 : vector<16xf32>
          %mul3A_282 = arith.constant 5.000000e-01 : f32
          %mul3A_283 = vector.broadcast %mul3A_282 : f32 to vector<16xf32>
          %mul3A_284 = arith.mulf %mul3A_283, %mul3A_281 : vector<16xf32>
          %sub3A_285 = arith.constant 5.000000e-01 : f32
          %sub3A_286 = vector.broadcast %sub3A_285 : f32 to vector<16xf32>
          %sub3A_287 = arith.subf %sub3A_286, %mul3A_284 : vector<16xf32>
          %jit3A_288 = arith.constant 0.000000e+00 : f32
          %broadcast_in_dim3A_289 = vector.broadcast %jit3A_288 : f32 to vector<16xf32>
          %select_n3A_290 = arith.select %lt3A_255, %sub3A_287, %broadcast_in_dim3A_289 : vector<16xi1>, vector<16xf32>
          %swap3A_291 = arith.index_cast %mul3A_249 : i32 to index
          %swap3A_292 = tpu.vector_load %arg9[%swap3A_291] {strides = array<i32>} : memref<2560xf32, #tpu.memory_space<vmem>>, vector<16xf32>,
          %swap3A_293 = vector.shape_cast %swap3A_292 : vector<16xf32> to vector<16xf32>
          %swap3A_294 = vector.shape_cast %select_n3A_290 : vector<16xf32> to vector<16xf32>
          tpu.vector_store %arg9[%swap3A_291], %swap3A_294 {strides = array<i32>} : memref<2560xf32, #tpu.memory_space<vmem>>, vector<16xf32>,
          %select_n3A_295 = arith.select %lt3A_255, %broadcast_in_dim3A_1, %broadcast_in_dim3A_3 : vector<16xi1>, vector<16xi32>
          %swap3A_296 = arith.index_cast %mul3A_249 : i32 to index
          %swap3A_297 = tpu.vector_load %arg10[%swap3A_296] {strides = array<i32>} : memref<2560xi32, #tpu.memory_space<vmem>>, vector<16xi32>,
          %swap3A_298 = vector.shape_cast %swap3A_297 : vector<16xi32> to vector<16xi32>
          %swap3A_299 = vector.shape_cast %select_n3A_295 : vector<16xi32> to vector<16xi32>
          tpu.vector_store %arg10[%swap3A_296], %swap3A_299 {strides = array<i32>} : memref<2560xi32, #tpu.memory_space<vmem>>, vector<16xi32>,
          %scan3A_300 = arith.constant 3 : i32
          %scan3A_301 = arith.addi %scan3A_144, %scan3A_300 : i32
          %mul3A_302 = arith.constant 16 : i32
          %mul3A_303 = arith.muli %scan3A_301, %mul3A_302 : i32
          %get3A_304 = arith.index_cast %mul3A_303 : i32 to index
          %get3A_305 = tpu.vector_load %arg8[%get3A_304] {strides = array<i32>} : memref<2560xf32, #tpu.memory_space<vmem>>, vector<16xf32>,
          %get3A_306 = vector.shape_cast %get3A_305 : vector<16xf32> to vector<16xf32>
          %lt3A_307 = arith.constant 5.000000e-01 : f32
          %lt3A_308 = vector.broadcast %lt3A_307 : f32 to vector<16xf32>
          %lt3A_309 = arith.cmpf olt, %get3A_306, %lt3A_308 : vector<16xf32>
          %mul3A_310 = arith.constant 6.28318548 : f32
          %mul3A_311 = vector.broadcast %mul3A_310 : f32 to vector<16xf32>
          %mul3A_312 = arith.mulf %get3A_306, %mul3A_311 : vector<16xf32>
          %sub3A_313 = arith.constant 1.57079637 : f32
          %sub3A_314 = vector.broadcast %sub3A_313 : f32 to vector<16xf32>
          %sub3A_315 = arith.subf %mul3A_312, %sub3A_314 : vector<16xf32>
          %mul3A_316 = arith.mulf %sub3A_315, %sub3A_315 : vector<16xf32>
          %mul3A_317 = arith.constant 2.75573188E-6 : f32
          %mul3A_318 = vector.broadcast %mul3A_317 : f32 to vector<16xf32>
          %mul3A_319 = arith.mulf %mul3A_316, %mul3A_318 : vector<16xf32>
          %add3A_320 = arith.constant -1.98412701E-4 : f32
          %add3A_321 = vector.broadcast %add3A_320 : f32 to vector<16xf32>
          %add3A_322 = arith.addf %add3A_321, %mul3A_319 : vector<16xf32>
          %mul3A_323 = arith.mulf %mul3A_316, %add3A_322 : vector<16xf32>
          %add3A_324 = arith.constant 0.00833333377 : f32
          %add3A_325 = vector.broadcast %add3A_324 : f32 to vector<16xf32>
          %add3A_326 = arith.addf %add3A_325, %mul3A_323 : vector<16xf32>
          %mul3A_327 = arith.mulf %mul3A_316, %add3A_326 : vector<16xf32>
          %add3A_328 = arith.constant -0.166666672 : f32
          %add3A_329 = vector.broadcast %add3A_328 : f32 to vector<16xf32>
          %add3A_330 = arith.addf %add3A_329, %mul3A_327 : vector<16xf32>
          %mul3A_331 = arith.mulf %mul3A_316, %add3A_330 : vector<16xf32>
          %add3A_332 = arith.constant 1.000000e+00 : f32
          %add3A_333 = vector.broadcast %add3A_332 : f32 to vector<16xf32>
          %add3A_334 = arith.addf %add3A_333, %mul3A_331 : vector<16xf32>
          %mul3A_335 = arith.mulf %sub3A_315, %add3A_334 : vector<16xf32>
          %mul3A_336 = arith.constant 5.000000e-01 : f32
          %mul3A_337 = vector.broadcast %mul3A_336 : f32 to vector<16xf32>
          %mul3A_338 = arith.mulf %mul3A_337, %mul3A_335 : vector<16xf32>
          %sub3A_339 = arith.constant 5.000000e-01 : f32
          %sub3A_340 = vector.broadcast %sub3A_339 : f32 to vector<16xf32>
          %sub3A_341 = arith.subf %sub3A_340, %mul3A_338 : vector<16xf32>
          %jit3A_342 = arith.constant 0.000000e+00 : f32
          %broadcast_in_dim3A_343 = vector.broadcast %jit3A_342 : f32 to vector<16xf32>
          %select_n3A_344 = arith.select %lt3A_309, %sub3A_341, %broadcast_in_dim3A_343 : vector<16xi1>, vector<16xf32>
          %swap3A_345 = arith.index_cast %mul3A_303 : i32 to index
          %swap3A_346 = tpu.vector_load %arg9[%swap3A_345] {strides = array<i32>} : memref<2560xf32, #tpu.memory_space<vmem>>, vector<16xf32>,
          %swap3A_347 = vector.shape_cast %swap3A_346 : vector<16xf32> to vector<16xf32>
          %swap3A_348 = vector.shape_cast %select_n3A_344 : vector<16xf32> to vector<16xf32>
          tpu.vector_store %arg9[%swap3A_345], %swap3A_348 {strides = array<i32>} : memref<2560xf32, #tpu.memory_space<vmem>>, vector<16xf32>,
          %select_n3A_349 = arith.select %lt3A_309, %broadcast_in_dim3A_1, %broadcast_in_dim3A_3 : vector<16xi1>, vector<16xi32>
          %swap3A_350 = arith.index_cast %mul3A_303 : i32 to index
          %swap3A_351 = tpu.vector_load %arg10[%swap3A_350] {strides = array<i32>} : memref<2560xi32, #tpu.memory_space<vmem>>, vector<16xi32>,
          %swap3A_352 = vector.shape_cast %swap3A_351 : vector<16xi32> to vector<16xi32>
          %swap3A_353 = vector.shape_cast %select_n3A_349 : vector<16xi32> to vector<16xi32>
          tpu.vector_store %arg10[%swap3A_350], %swap3A_353 {strides = array<i32>} : memref<2560xi32, #tpu.memory_space<vmem>>, vector<16xi32>,
        }
        %scan3A_138 = arith.constant 160 : i32
        %dma_start3A = tpu.memref_slice %arg4[%mul3A_120] : memref<3200000xf32, #tpu.memory_space<hbm>> -> memref<2560xf32, #tpu.memory_space<hbm>>
        %dma_start3A_139 = tpu.memref_slice %arg4[%mul3A_120] : memref<3200000xf32, #tpu.memory_space<hbm>> -> memref<2560xf32, #tpu.memory_space<hbm>>
        tpu.enqueue_dma source(%arg8 : memref<2560xf32, #tpu.memory_space<vmem>>) target(%dma_start3A_139 : memref<2560xf32, #tpu.memory_space<hbm>>) target_semaphore(%arg16 : memref<!tpu.dma_semaphore, #tpu.memory_space<semaphore_mem>>)
        %dma_start3A_140 = tpu.memref_slice %arg5[%mul3A_120] : memref<3200000xf32, #tpu.memory_space<hbm>> -> memref<2560xf32, #tpu.memory_space<hbm>>
        %dma_start3A_141 = tpu.memref_slice %arg5[%mul3A_120] : memref<3200000xf32, #tpu.memory_space<hbm>> -> memref<2560xf32, #tpu.memory_space<hbm>>
        tpu.enqueue_dma source(%arg9 : memref<2560xf32, #tpu.memory_space<vmem>>) target(%dma_start3A_141 : memref<2560xf32, #tpu.memory_space<hbm>>) target_semaphore(%arg16 : memref<!tpu.dma_semaphore, #tpu.memory_space<semaphore_mem>>)
        %dma_start3A_142 = tpu.memref_slice %arg6[%mul3A_120] : memref<3200000xi32, #tpu.memory_space<hbm>> -> memref<2560xi32, #tpu.memory_space<hbm>>
        %dma_start3A_143 = tpu.memref_slice %arg6[%mul3A_120] : memref<3200000xi32, #tpu.memory_space<hbm>> -> memref<2560xi32, #tpu.memory_space<hbm>>
        tpu.enqueue_dma source(%arg10 : memref<2560xi32, #tpu.memory_space<vmem>>) target(%dma_start3A_143 : memref<2560xi32, #tpu.memory_space<hbm>>) target_semaphore(%arg16 : memref<!tpu.dma_semaphore, #tpu.memory_space<semaphore_mem>>)
      } else {
      }
      %add3A_99 = arith.constant 2 : i32
      %add3A_100 = arith.addi %mul3A_80, %add3A_99 : i32
      %mul3A_101 = arith.constant 32 : i32
      %mul3A_102 = arith.muli %mul3A_101, %add3A_100 : i32
      %add3A_103 = arith.addi %add3A, %mul3A_102 : i32
      %lt3A_104 = arith.constant 1250 : i32
      %lt3A_105 = arith.cmpi slt, %add3A_103, %lt3A_104 : i32
      %convert_element_type3A_106 = arith.extui %lt3A_105 : i1 to i32
      %cond3A_107 = arith.constant 0 : i32
      %cond3A_108 = arith.cmpi ne, %convert_element_type3A_106, %cond3A_107 : i32
      scf.if %cond3A_108 {
        %dma_wait3A_119 = arith.constant 0 : i32
        %dma_wait3A_120 = tpu.memref_slice %arg4[%dma_wait3A_119] : memref<3200000xf32, #tpu.memory_space<hbm>> -> memref<2560xf32, #tpu.memory_space<hbm>>
        %dma_wait3A_121 = arith.constant 0 : i32
        %dma_wait3A_122 = tpu.memref_slice %arg4[%dma_wait3A_121] : memref<3200000xf32, #tpu.memory_space<hbm>> -> memref<2560xf32, #tpu.memory_space<hbm>>
        tpu.wait_dma2 semaphore(%arg16 : memref<!tpu.dma_semaphore, #tpu.memory_space<semaphore_mem>>) src(%arg8 : memref<2560xf32, #tpu.memory_space<vmem>>) dst(%dma_wait3A_122 : memref<2560xf32, #tpu.memory_space<hbm>>)
        %dma_wait3A_123 = arith.constant 0 : i32
        %dma_wait3A_124 = tpu.memref_slice %arg5[%dma_wait3A_123] : memref<3200000xf32, #tpu.memory_space<hbm>> -> memref<2560xf32, #tpu.memory_space<hbm>>
        %dma_wait3A_125 = arith.constant 0 : i32
        %dma_wait3A_126 = tpu.memref_slice %arg5[%dma_wait3A_125] : memref<3200000xf32, #tpu.memory_space<hbm>> -> memref<2560xf32, #tpu.memory_space<hbm>>
        tpu.wait_dma2 semaphore(%arg16 : memref<!tpu.dma_semaphore, #tpu.memory_space<semaphore_mem>>) src(%arg9 : memref<2560xf32, #tpu.memory_space<vmem>>) dst(%dma_wait3A_126 : memref<2560xf32, #tpu.memory_space<hbm>>)
        %dma_wait3A_127 = arith.constant 0 : i32
        %dma_wait3A_128 = tpu.memref_slice %arg6[%dma_wait3A_127] : memref<3200000xi32, #tpu.memory_space<hbm>> -> memref<2560xi32, #tpu.memory_space<hbm>>
        %dma_wait3A_129 = arith.constant 0 : i32
        %dma_wait3A_130 = tpu.memref_slice %arg6[%dma_wait3A_129] : memref<3200000xi32, #tpu.memory_space<hbm>> -> memref<2560xi32, #tpu.memory_space<hbm>>
        tpu.wait_dma2 semaphore(%arg16 : memref<!tpu.dma_semaphore, #tpu.memory_space<semaphore_mem>>) src(%arg10 : memref<2560xi32, #tpu.memory_space<vmem>>) dst(%dma_wait3A_130 : memref<2560xi32, #tpu.memory_space<hbm>>)
        %mul3A_131 = arith.constant 2560 : i32
        %mul3A_132 = arith.muli %add3A_103, %mul3A_131 : i32
        %dma_wait3A_133 = tpu.memref_slice %arg3[%mul3A_132] : memref<3200000xi32, #tpu.memory_space<hbm>> -> memref<2560xi32, #tpu.memory_space<hbm>>
        %dma_wait3A_134 = tpu.memref_slice %arg3[%mul3A_132] : memref<3200000xi32, #tpu.memory_space<hbm>> -> memref<2560xi32, #tpu.memory_space<hbm>>
        tpu.wait_dma2 semaphore(%arg17 : memref<!tpu.dma_semaphore, #tpu.memory_space<semaphore_mem>>) src(%dma_wait3A_134 : memref<2560xi32, #tpu.memory_space<hbm>>) dst(%arg7 : memref<2560xi32, #tpu.memory_space<vmem>>)
        %dma_start3A = arith.constant 0 : i32
        %dma_start3A_135 = tpu.memref_slice %arg2[%dma_start3A] : memref<6400000xf32, #tpu.memory_space<hbm>> -> memref<6400000xf32, #tpu.memory_space<hbm>>
        tpu.enqueue_indirect_dma source(%dma_start3A_135 : memref<6400000xf32, #tpu.memory_space<hbm>>) target(%arg8 : memref<2560xf32, #tpu.memory_space<vmem>>) offsets(%arg7 : memref<2560xi32, #tpu.memory_space<vmem>>) semaphore(%arg15 : memref<!tpu.dma_semaphore, #tpu.memory_space<semaphore_mem>>)
      } else {
      }
      %add3A_109 = arith.constant 1 : i32
      %add3A_110 = arith.addi %mul3A_80, %add3A_109 : i32
      %mul3A_111 = arith.constant 32 : i32
      %mul3A_112 = arith.muli %mul3A_111, %add3A_110 : i32
      %add3A_113 = arith.addi %add3A, %mul3A_112 : i32
      %lt3A_114 = arith.constant 1250 : i32
      %lt3A_115 = arith.cmpi slt, %add3A_113, %lt3A_114 : i32
      %convert_element_type3A_116 = arith.extui %lt3A_115 : i1 to i32
      %cond3A_117 = arith.constant 0 : i32
      %cond3A_118 = arith.cmpi ne, %convert_element_type3A_116, %cond3A_117 : i32
      scf.if %cond3A_118 {
        %mul3A_119 = arith.constant 2560 : i32
        %mul3A_120 = arith.muli %add3A_113, %mul3A_119 : i32
        %dma_wait3A_121 = arith.constant 0 : i32
        %dma_wait3A_122 = tpu.memref_slice %arg2[%dma_wait3A_121] : memref<6400000xf32, #tpu.memory_space<hbm>> -> memref<6400000xf32, #tpu.memory_space<hbm>>
        tpu.wait_indirect_dma semaphore(%arg18 : memref<!tpu.dma_semaphore, #tpu.memory_space<semaphore_mem>>) src(%dma_wait3A_122 : memref<6400000xf32, #tpu.memory_space<hbm>>) dst(%arg12 : memref<2560xf32, #tpu.memory_space<vmem>>)
        %add3A_123 = arith.constant 2 : i32
        %add3A_124 = arith.addi %add3A_110, %add3A_123 : i32
        %mul3A_125 = arith.constant 32 : i32
        %mul3A_126 = arith.muli %mul3A_125, %add3A_124 : i32
        %add3A_127 = arith.addi %add3A, %mul3A_126 : i32
        %lt3A_128 = arith.constant 1250 : i32
        %lt3A_129 = arith.cmpi slt, %add3A_127, %lt3A_128 : i32
        %convert_element_type3A_130 = arith.extui %lt3A_129 : i1 to i32
        %cond3A_131 = arith.constant 0 : i32
        %cond3A_132 = arith.cmpi ne, %convert_element_type3A_130, %cond3A_131 : i32
        scf.if %cond3A_132 {
          %mul3A_144 = arith.constant 2560 : i32
          %mul3A_145 = arith.muli %add3A_127, %mul3A_144 : i32
          %dma_start3A_146 = tpu.memref_slice %arg3[%mul3A_145] : memref<3200000xi32, #tpu.memory_space<hbm>> -> memref<2560xi32, #tpu.memory_space<hbm>>
          %dma_start3A_147 = tpu.memref_slice %arg3[%mul3A_145] : memref<3200000xi32, #tpu.memory_space<hbm>> -> memref<2560xi32, #tpu.memory_space<hbm>>
          tpu.enqueue_dma source(%dma_start3A_147 : memref<2560xi32, #tpu.memory_space<hbm>>) target(%arg11 : memref<2560xi32, #tpu.memory_space<vmem>>) target_semaphore(%arg20 : memref<!tpu.dma_semaphore, #tpu.memory_space<semaphore_mem>>)
        } else {
        }
        %scan3A_133 = arith.constant 0 : i32
        %scan3A_134 = arith.constant 0 : i32
        %scan3A_135 = arith.constant 160 : i32
        %scan3A_136 = arith.addi %scan3A_134, %scan3A_135 : i32
        %scan3A_137 = arith.constant 4 : i32
        scf.for %scan3A_144 = %scan3A_134 to %scan3A_136 step %scan3A_137  : i32 {
          %mul3A_145 = arith.constant 16 : i32
          %mul3A_146 = arith.muli %scan3A_144, %mul3A_145 : i32
          %get3A = arith.index_cast %mul3A_146 : i32 to index
          %get3A_147 = tpu.vector_load %arg12[%get3A] {strides = array<i32>} : memref<2560xf32, #tpu.memory_space<vmem>>, vector<16xf32>,
          %get3A_148 = vector.shape_cast %get3A_147 : vector<16xf32> to vector<16xf32>
          %lt3A_149 = arith.constant 5.000000e-01 : f32
          %lt3A_150 = vector.broadcast %lt3A_149 : f32 to vector<16xf32>
          %lt3A_151 = arith.cmpf olt, %get3A_148, %lt3A_150 : vector<16xf32>
          %mul3A_152 = arith.constant 6.28318548 : f32
          %mul3A_153 = vector.broadcast %mul3A_152 : f32 to vector<16xf32>
          %mul3A_154 = arith.mulf %get3A_148, %mul3A_153 : vector<16xf32>
          %sub3A = arith.constant 1.57079637 : f32
          %sub3A_155 = vector.broadcast %sub3A : f32 to vector<16xf32>
          %sub3A_156 = arith.subf %mul3A_154, %sub3A_155 : vector<16xf32>
          %mul3A_157 = arith.mulf %sub3A_156, %sub3A_156 : vector<16xf32>
          %mul3A_158 = arith.constant 2.75573188E-6 : f32
          %mul3A_159 = vector.broadcast %mul3A_158 : f32 to vector<16xf32>
          %mul3A_160 = arith.mulf %mul3A_157, %mul3A_159 : vector<16xf32>
          %add3A_161 = arith.constant -1.98412701E-4 : f32
          %add3A_162 = vector.broadcast %add3A_161 : f32 to vector<16xf32>
          %add3A_163 = arith.addf %add3A_162, %mul3A_160 : vector<16xf32>
          %mul3A_164 = arith.mulf %mul3A_157, %add3A_163 : vector<16xf32>
          %add3A_165 = arith.constant 0.00833333377 : f32
          %add3A_166 = vector.broadcast %add3A_165 : f32 to vector<16xf32>
          %add3A_167 = arith.addf %add3A_166, %mul3A_164 : vector<16xf32>
          %mul3A_168 = arith.mulf %mul3A_157, %add3A_167 : vector<16xf32>
          %add3A_169 = arith.constant -0.166666672 : f32
          %add3A_170 = vector.broadcast %add3A_169 : f32 to vector<16xf32>
          %add3A_171 = arith.addf %add3A_170, %mul3A_168 : vector<16xf32>
          %mul3A_172 = arith.mulf %mul3A_157, %add3A_171 : vector<16xf32>
          %add3A_173 = arith.constant 1.000000e+00 : f32
          %add3A_174 = vector.broadcast %add3A_173 : f32 to vector<16xf32>
          %add3A_175 = arith.addf %add3A_174, %mul3A_172 : vector<16xf32>
          %mul3A_176 = arith.mulf %sub3A_156, %add3A_175 : vector<16xf32>
          %mul3A_177 = arith.constant 5.000000e-01 : f32
          %mul3A_178 = vector.broadcast %mul3A_177 : f32 to vector<16xf32>
          %mul3A_179 = arith.mulf %mul3A_178, %mul3A_176 : vector<16xf32>
          %sub3A_180 = arith.constant 5.000000e-01 : f32
          %sub3A_181 = vector.broadcast %sub3A_180 : f32 to vector<16xf32>
          %sub3A_182 = arith.subf %sub3A_181, %mul3A_179 : vector<16xf32>
          %jit3A = arith.constant 0.000000e+00 : f32
          %broadcast_in_dim3A_183 = vector.broadcast %jit3A : f32 to vector<16xf32>
          %select_n3A = arith.select %lt3A_151, %sub3A_182, %broadcast_in_dim3A_183 : vector<16xi1>, vector<16xf32>
          %swap3A = arith.index_cast %mul3A_146 : i32 to index
          %swap3A_184 = tpu.vector_load %arg13[%swap3A] {strides = array<i32>} : memref<2560xf32, #tpu.memory_space<vmem>>, vector<16xf32>,
          %swap3A_185 = vector.shape_cast %swap3A_184 : vector<16xf32> to vector<16xf32>
          %swap3A_186 = vector.shape_cast %select_n3A : vector<16xf32> to vector<16xf32>
          tpu.vector_store %arg13[%swap3A], %swap3A_186 {strides = array<i32>} : memref<2560xf32, #tpu.memory_space<vmem>>, vector<16xf32>,
          %select_n3A_187 = arith.select %lt3A_151, %broadcast_in_dim3A_1, %broadcast_in_dim3A_3 : vector<16xi1>, vector<16xi32>
          %swap3A_188 = arith.index_cast %mul3A_146 : i32 to index
          %swap3A_189 = tpu.vector_load %arg14[%swap3A_188] {strides = array<i32>} : memref<2560xi32, #tpu.memory_space<vmem>>, vector<16xi32>,
          %swap3A_190 = vector.shape_cast %swap3A_189 : vector<16xi32> to vector<16xi32>
          %swap3A_191 = vector.shape_cast %select_n3A_187 : vector<16xi32> to vector<16xi32>
          tpu.vector_store %arg14[%swap3A_188], %swap3A_191 {strides = array<i32>} : memref<2560xi32, #tpu.memory_space<vmem>>, vector<16xi32>,
          %scan3A_192 = arith.constant 1 : i32
          %scan3A_193 = arith.addi %scan3A_144, %scan3A_192 : i32
          %mul3A_194 = arith.constant 16 : i32
          %mul3A_195 = arith.muli %scan3A_193, %mul3A_194 : i32
          %get3A_196 = arith.index_cast %mul3A_195 : i32 to index
          %get3A_197 = tpu.vector_load %arg12[%get3A_196] {strides = array<i32>} : memref<2560xf32, #tpu.memory_space<vmem>>, vector<16xf32>,
          %get3A_198 = vector.shape_cast %get3A_197 : vector<16xf32> to vector<16xf32>
          %lt3A_199 = arith.constant 5.000000e-01 : f32
          %lt3A_200 = vector.broadcast %lt3A_199 : f32 to vector<16xf32>
          %lt3A_201 = arith.cmpf olt, %get3A_198, %lt3A_200 : vector<16xf32>
          %mul3A_202 = arith.constant 6.28318548 : f32
          %mul3A_203 = vector.broadcast %mul3A_202 : f32 to vector<16xf32>
          %mul3A_204 = arith.mulf %get3A_198, %mul3A_203 : vector<16xf32>
          %sub3A_205 = arith.constant 1.57079637 : f32
          %sub3A_206 = vector.broadcast %sub3A_205 : f32 to vector<16xf32>
          %sub3A_207 = arith.subf %mul3A_204, %sub3A_206 : vector<16xf32>
          %mul3A_208 = arith.mulf %sub3A_207, %sub3A_207 : vector<16xf32>
          %mul3A_209 = arith.constant 2.75573188E-6 : f32
          %mul3A_210 = vector.broadcast %mul3A_209 : f32 to vector<16xf32>
          %mul3A_211 = arith.mulf %mul3A_208, %mul3A_210 : vector<16xf32>
          %add3A_212 = arith.constant -1.98412701E-4 : f32
          %add3A_213 = vector.broadcast %add3A_212 : f32 to vector<16xf32>
          %add3A_214 = arith.addf %add3A_213, %mul3A_211 : vector<16xf32>
          %mul3A_215 = arith.mulf %mul3A_208, %add3A_214 : vector<16xf32>
          %add3A_216 = arith.constant 0.00833333377 : f32
          %add3A_217 = vector.broadcast %add3A_216 : f32 to vector<16xf32>
          %add3A_218 = arith.addf %add3A_217, %mul3A_215 : vector<16xf32>
          %mul3A_219 = arith.mulf %mul3A_208, %add3A_218 : vector<16xf32>
          %add3A_220 = arith.constant -0.166666672 : f32
          %add3A_221 = vector.broadcast %add3A_220 : f32 to vector<16xf32>
          %add3A_222 = arith.addf %add3A_221, %mul3A_219 : vector<16xf32>
          %mul3A_223 = arith.mulf %mul3A_208, %add3A_222 : vector<16xf32>
          %add3A_224 = arith.constant 1.000000e+00 : f32
          %add3A_225 = vector.broadcast %add3A_224 : f32 to vector<16xf32>
          %add3A_226 = arith.addf %add3A_225, %mul3A_223 : vector<16xf32>
          %mul3A_227 = arith.mulf %sub3A_207, %add3A_226 : vector<16xf32>
          %mul3A_228 = arith.constant 5.000000e-01 : f32
          %mul3A_229 = vector.broadcast %mul3A_228 : f32 to vector<16xf32>
          %mul3A_230 = arith.mulf %mul3A_229, %mul3A_227 : vector<16xf32>
          %sub3A_231 = arith.constant 5.000000e-01 : f32
          %sub3A_232 = vector.broadcast %sub3A_231 : f32 to vector<16xf32>
          %sub3A_233 = arith.subf %sub3A_232, %mul3A_230 : vector<16xf32>
          %jit3A_234 = arith.constant 0.000000e+00 : f32
          %broadcast_in_dim3A_235 = vector.broadcast %jit3A_234 : f32 to vector<16xf32>
          %select_n3A_236 = arith.select %lt3A_201, %sub3A_233, %broadcast_in_dim3A_235 : vector<16xi1>, vector<16xf32>
          %swap3A_237 = arith.index_cast %mul3A_195 : i32 to index
          %swap3A_238 = tpu.vector_load %arg13[%swap3A_237] {strides = array<i32>} : memref<2560xf32, #tpu.memory_space<vmem>>, vector<16xf32>,
          %swap3A_239 = vector.shape_cast %swap3A_238 : vector<16xf32> to vector<16xf32>
          %swap3A_240 = vector.shape_cast %select_n3A_236 : vector<16xf32> to vector<16xf32>
          tpu.vector_store %arg13[%swap3A_237], %swap3A_240 {strides = array<i32>} : memref<2560xf32, #tpu.memory_space<vmem>>, vector<16xf32>,
          %select_n3A_241 = arith.select %lt3A_201, %broadcast_in_dim3A_1, %broadcast_in_dim3A_3 : vector<16xi1>, vector<16xi32>
          %swap3A_242 = arith.index_cast %mul3A_195 : i32 to index
          %swap3A_243 = tpu.vector_load %arg14[%swap3A_242] {strides = array<i32>} : memref<2560xi32, #tpu.memory_space<vmem>>, vector<16xi32>,
          %swap3A_244 = vector.shape_cast %swap3A_243 : vector<16xi32> to vector<16xi32>
          %swap3A_245 = vector.shape_cast %select_n3A_241 : vector<16xi32> to vector<16xi32>
          tpu.vector_store %arg14[%swap3A_242], %swap3A_245 {strides = array<i32>} : memref<2560xi32, #tpu.memory_space<vmem>>, vector<16xi32>,
          %scan3A_246 = arith.constant 2 : i32
          %scan3A_247 = arith.addi %scan3A_144, %scan3A_246 : i32
          %mul3A_248 = arith.constant 16 : i32
          %mul3A_249 = arith.muli %scan3A_247, %mul3A_248 : i32
          %get3A_250 = arith.index_cast %mul3A_249 : i32 to index
          %get3A_251 = tpu.vector_load %arg12[%get3A_250] {strides = array<i32>} : memref<2560xf32, #tpu.memory_space<vmem>>, vector<16xf32>,
          %get3A_252 = vector.shape_cast %get3A_251 : vector<16xf32> to vector<16xf32>
          %lt3A_253 = arith.constant 5.000000e-01 : f32
          %lt3A_254 = vector.broadcast %lt3A_253 : f32 to vector<16xf32>
          %lt3A_255 = arith.cmpf olt, %get3A_252, %lt3A_254 : vector<16xf32>
          %mul3A_256 = arith.constant 6.28318548 : f32
          %mul3A_257 = vector.broadcast %mul3A_256 : f32 to vector<16xf32>
          %mul3A_258 = arith.mulf %get3A_252, %mul3A_257 : vector<16xf32>
          %sub3A_259 = arith.constant 1.57079637 : f32
          %sub3A_260 = vector.broadcast %sub3A_259 : f32 to vector<16xf32>
          %sub3A_261 = arith.subf %mul3A_258, %sub3A_260 : vector<16xf32>
          %mul3A_262 = arith.mulf %sub3A_261, %sub3A_261 : vector<16xf32>
          %mul3A_263 = arith.constant 2.75573188E-6 : f32
          %mul3A_264 = vector.broadcast %mul3A_263 : f32 to vector<16xf32>
          %mul3A_265 = arith.mulf %mul3A_262, %mul3A_264 : vector<16xf32>
          %add3A_266 = arith.constant -1.98412701E-4 : f32
          %add3A_267 = vector.broadcast %add3A_266 : f32 to vector<16xf32>
          %add3A_268 = arith.addf %add3A_267, %mul3A_265 : vector<16xf32>
          %mul3A_269 = arith.mulf %mul3A_262, %add3A_268 : vector<16xf32>
          %add3A_270 = arith.constant 0.00833333377 : f32
          %add3A_271 = vector.broadcast %add3A_270 : f32 to vector<16xf32>
          %add3A_272 = arith.addf %add3A_271, %mul3A_269 : vector<16xf32>
          %mul3A_273 = arith.mulf %mul3A_262, %add3A_272 : vector<16xf32>
          %add3A_274 = arith.constant -0.166666672 : f32
          %add3A_275 = vector.broadcast %add3A_274 : f32 to vector<16xf32>
          %add3A_276 = arith.addf %add3A_275, %mul3A_273 : vector<16xf32>
          %mul3A_277 = arith.mulf %mul3A_262, %add3A_276 : vector<16xf32>
          %add3A_278 = arith.constant 1.000000e+00 : f32
          %add3A_279 = vector.broadcast %add3A_278 : f32 to vector<16xf32>
          %add3A_280 = arith.addf %add3A_279, %mul3A_277 : vector<16xf32>
          %mul3A_281 = arith.mulf %sub3A_261, %add3A_280 : vector<16xf32>
          %mul3A_282 = arith.constant 5.000000e-01 : f32
          %mul3A_283 = vector.broadcast %mul3A_282 : f32 to vector<16xf32>
          %mul3A_284 = arith.mulf %mul3A_283, %mul3A_281 : vector<16xf32>
          %sub3A_285 = arith.constant 5.000000e-01 : f32
          %sub3A_286 = vector.broadcast %sub3A_285 : f32 to vector<16xf32>
          %sub3A_287 = arith.subf %sub3A_286, %mul3A_284 : vector<16xf32>
          %jit3A_288 = arith.constant 0.000000e+00 : f32
          %broadcast_in_dim3A_289 = vector.broadcast %jit3A_288 : f32 to vector<16xf32>
          %select_n3A_290 = arith.select %lt3A_255, %sub3A_287, %broadcast_in_dim3A_289 : vector<16xi1>, vector<16xf32>
          %swap3A_291 = arith.index_cast %mul3A_249 : i32 to index
          %swap3A_292 = tpu.vector_load %arg13[%swap3A_291] {strides = array<i32>} : memref<2560xf32, #tpu.memory_space<vmem>>, vector<16xf32>,
          %swap3A_293 = vector.shape_cast %swap3A_292 : vector<16xf32> to vector<16xf32>
          %swap3A_294 = vector.shape_cast %select_n3A_290 : vector<16xf32> to vector<16xf32>
          tpu.vector_store %arg13[%swap3A_291], %swap3A_294 {strides = array<i32>} : memref<2560xf32, #tpu.memory_space<vmem>>, vector<16xf32>,
          %select_n3A_295 = arith.select %lt3A_255, %broadcast_in_dim3A_1, %broadcast_in_dim3A_3 : vector<16xi1>, vector<16xi32>
          %swap3A_296 = arith.index_cast %mul3A_249 : i32 to index
          %swap3A_297 = tpu.vector_load %arg14[%swap3A_296] {strides = array<i32>} : memref<2560xi32, #tpu.memory_space<vmem>>, vector<16xi32>,
          %swap3A_298 = vector.shape_cast %swap3A_297 : vector<16xi32> to vector<16xi32>
          %swap3A_299 = vector.shape_cast %select_n3A_295 : vector<16xi32> to vector<16xi32>
          tpu.vector_store %arg14[%swap3A_296], %swap3A_299 {strides = array<i32>} : memref<2560xi32, #tpu.memory_space<vmem>>, vector<16xi32>,
          %scan3A_300 = arith.constant 3 : i32
          %scan3A_301 = arith.addi %scan3A_144, %scan3A_300 : i32
          %mul3A_302 = arith.constant 16 : i32
          %mul3A_303 = arith.muli %scan3A_301, %mul3A_302 : i32
          %get3A_304 = arith.index_cast %mul3A_303 : i32 to index
          %get3A_305 = tpu.vector_load %arg12[%get3A_304] {strides = array<i32>} : memref<2560xf32, #tpu.memory_space<vmem>>, vector<16xf32>,
          %get3A_306 = vector.shape_cast %get3A_305 : vector<16xf32> to vector<16xf32>
          %lt3A_307 = arith.constant 5.000000e-01 : f32
          %lt3A_308 = vector.broadcast %lt3A_307 : f32 to vector<16xf32>
          %lt3A_309 = arith.cmpf olt, %get3A_306, %lt3A_308 : vector<16xf32>
          %mul3A_310 = arith.constant 6.28318548 : f32
          %mul3A_311 = vector.broadcast %mul3A_310 : f32 to vector<16xf32>
          %mul3A_312 = arith.mulf %get3A_306, %mul3A_311 : vector<16xf32>
          %sub3A_313 = arith.constant 1.57079637 : f32
          %sub3A_314 = vector.broadcast %sub3A_313 : f32 to vector<16xf32>
          %sub3A_315 = arith.subf %mul3A_312, %sub3A_314 : vector<16xf32>
          %mul3A_316 = arith.mulf %sub3A_315, %sub3A_315 : vector<16xf32>
          %mul3A_317 = arith.constant 2.75573188E-6 : f32
          %mul3A_318 = vector.broadcast %mul3A_317 : f32 to vector<16xf32>
          %mul3A_319 = arith.mulf %mul3A_316, %mul3A_318 : vector<16xf32>
          %add3A_320 = arith.constant -1.98412701E-4 : f32
          %add3A_321 = vector.broadcast %add3A_320 : f32 to vector<16xf32>
          %add3A_322 = arith.addf %add3A_321, %mul3A_319 : vector<16xf32>
          %mul3A_323 = arith.mulf %mul3A_316, %add3A_322 : vector<16xf32>
          %add3A_324 = arith.constant 0.00833333377 : f32
          %add3A_325 = vector.broadcast %add3A_324 : f32 to vector<16xf32>
          %add3A_326 = arith.addf %add3A_325, %mul3A_323 : vector<16xf32>
          %mul3A_327 = arith.mulf %mul3A_316, %add3A_326 : vector<16xf32>
          %add3A_328 = arith.constant -0.166666672 : f32
          %add3A_329 = vector.broadcast %add3A_328 : f32 to vector<16xf32>
          %add3A_330 = arith.addf %add3A_329, %mul3A_327 : vector<16xf32>
          %mul3A_331 = arith.mulf %mul3A_316, %add3A_330 : vector<16xf32>
          %add3A_332 = arith.constant 1.000000e+00 : f32
          %add3A_333 = vector.broadcast %add3A_332 : f32 to vector<16xf32>
          %add3A_334 = arith.addf %add3A_333, %mul3A_331 : vector<16xf32>
          %mul3A_335 = arith.mulf %sub3A_315, %add3A_334 : vector<16xf32>
          %mul3A_336 = arith.constant 5.000000e-01 : f32
          %mul3A_337 = vector.broadcast %mul3A_336 : f32 to vector<16xf32>
          %mul3A_338 = arith.mulf %mul3A_337, %mul3A_335 : vector<16xf32>
          %sub3A_339 = arith.constant 5.000000e-01 : f32
          %sub3A_340 = vector.broadcast %sub3A_339 : f32 to vector<16xf32>
          %sub3A_341 = arith.subf %sub3A_340, %mul3A_338 : vector<16xf32>
          %jit3A_342 = arith.constant 0.000000e+00 : f32
          %broadcast_in_dim3A_343 = vector.broadcast %jit3A_342 : f32 to vector<16xf32>
          %select_n3A_344 = arith.select %lt3A_309, %sub3A_341, %broadcast_in_dim3A_343 : vector<16xi1>, vector<16xf32>
          %swap3A_345 = arith.index_cast %mul3A_303 : i32 to index
          %swap3A_346 = tpu.vector_load %arg13[%swap3A_345] {strides = array<i32>} : memref<2560xf32, #tpu.memory_space<vmem>>, vector<16xf32>,
          %swap3A_347 = vector.shape_cast %swap3A_346 : vector<16xf32> to vector<16xf32>
          %swap3A_348 = vector.shape_cast %select_n3A_344 : vector<16xf32> to vector<16xf32>
          tpu.vector_store %arg13[%swap3A_345], %swap3A_348 {strides = array<i32>} : memref<2560xf32, #tpu.memory_space<vmem>>, vector<16xf32>,
          %select_n3A_349 = arith.select %lt3A_309, %broadcast_in_dim3A_1, %broadcast_in_dim3A_3 : vector<16xi1>, vector<16xi32>
          %swap3A_350 = arith.index_cast %mul3A_303 : i32 to index
          %swap3A_351 = tpu.vector_load %arg14[%swap3A_350] {strides = array<i32>} : memref<2560xi32, #tpu.memory_space<vmem>>, vector<16xi32>,
          %swap3A_352 = vector.shape_cast %swap3A_351 : vector<16xi32> to vector<16xi32>
          %swap3A_353 = vector.shape_cast %select_n3A_349 : vector<16xi32> to vector<16xi32>
          tpu.vector_store %arg14[%swap3A_350], %swap3A_353 {strides = array<i32>} : memref<2560xi32, #tpu.memory_space<vmem>>, vector<16xi32>,
        }
        %scan3A_138 = arith.constant 160 : i32
        %dma_start3A = tpu.memref_slice %arg4[%mul3A_120] : memref<3200000xf32, #tpu.memory_space<hbm>> -> memref<2560xf32, #tpu.memory_space<hbm>>
        %dma_start3A_139 = tpu.memref_slice %arg4[%mul3A_120] : memref<3200000xf32, #tpu.memory_space<hbm>> -> memref<2560xf32, #tpu.memory_space<hbm>>
        tpu.enqueue_dma source(%arg12 : memref<2560xf32, #tpu.memory_space<vmem>>) target(%dma_start3A_139 : memref<2560xf32, #tpu.memory_space<hbm>>) target_semaphore(%arg19 : memref<!tpu.dma_semaphore, #tpu.memory_space<semaphore_mem>>)
        %dma_start3A_140 = tpu.memref_slice %arg5[%mul3A_120] : memref<3200000xf32, #tpu.memory_space<hbm>> -> memref<2560xf32, #tpu.memory_space<hbm>>
        %dma_start3A_141 = tpu.memref_slice %arg5[%mul3A_120] : memref<3200000xf32, #tpu.memory_space<hbm>> -> memref<2560xf32, #tpu.memory_space<hbm>>
        tpu.enqueue_dma source(%arg13 : memref<2560xf32, #tpu.memory_space<vmem>>) target(%dma_start3A_141 : memref<2560xf32, #tpu.memory_space<hbm>>) target_semaphore(%arg19 : memref<!tpu.dma_semaphore, #tpu.memory_space<semaphore_mem>>)
        %dma_start3A_142 = tpu.memref_slice %arg6[%mul3A_120] : memref<3200000xi32, #tpu.memory_space<hbm>> -> memref<2560xi32, #tpu.memory_space<hbm>>
        %dma_start3A_143 = tpu.memref_slice %arg6[%mul3A_120] : memref<3200000xi32, #tpu.memory_space<hbm>> -> memref<2560xi32, #tpu.memory_space<hbm>>
        tpu.enqueue_dma source(%arg14 : memref<2560xi32, #tpu.memory_space<vmem>>) target(%dma_start3A_143 : memref<2560xi32, #tpu.memory_space<hbm>>) target_semaphore(%arg19 : memref<!tpu.dma_semaphore, #tpu.memory_space<semaphore_mem>>)
      } else {
      }
    }
    %scan3A_54 = arith.constant 19 : i32
    %dma_wait3A = arith.constant 0 : i32
    %dma_wait3A_55 = tpu.memref_slice %arg4[%dma_wait3A] : memref<3200000xf32, #tpu.memory_space<hbm>> -> memref<2560xf32, #tpu.memory_space<hbm>>
    %dma_wait3A_56 = arith.constant 0 : i32
    %dma_wait3A_57 = tpu.memref_slice %arg4[%dma_wait3A_56] : memref<3200000xf32, #tpu.memory_space<hbm>> -> memref<2560xf32, #tpu.memory_space<hbm>>
    tpu.wait_dma2 semaphore(%arg16 : memref<!tpu.dma_semaphore, #tpu.memory_space<semaphore_mem>>) src(%arg8 : memref<2560xf32, #tpu.memory_space<vmem>>) dst(%dma_wait3A_57 : memref<2560xf32, #tpu.memory_space<hbm>>)
    %dma_wait3A_58 = arith.constant 0 : i32
    %dma_wait3A_59 = tpu.memref_slice %arg5[%dma_wait3A_58] : memref<3200000xf32, #tpu.memory_space<hbm>> -> memref<2560xf32, #tpu.memory_space<hbm>>
    %dma_wait3A_60 = arith.constant 0 : i32
    %dma_wait3A_61 = tpu.memref_slice %arg5[%dma_wait3A_60] : memref<3200000xf32, #tpu.memory_space<hbm>> -> memref<2560xf32, #tpu.memory_space<hbm>>
    tpu.wait_dma2 semaphore(%arg16 : memref<!tpu.dma_semaphore, #tpu.memory_space<semaphore_mem>>) src(%arg9 : memref<2560xf32, #tpu.memory_space<vmem>>) dst(%dma_wait3A_61 : memref<2560xf32, #tpu.memory_space<hbm>>)
    %dma_wait3A_62 = arith.constant 0 : i32
    %dma_wait3A_63 = tpu.memref_slice %arg6[%dma_wait3A_62] : memref<3200000xi32, #tpu.memory_space<hbm>> -> memref<2560xi32, #tpu.memory_space<hbm>>
    %dma_wait3A_64 = arith.constant 0 : i32
    %dma_wait3A_65 = tpu.memref_slice %arg6[%dma_wait3A_64] : memref<3200000xi32, #tpu.memory_space<hbm>> -> memref<2560xi32, #tpu.memory_space<hbm>>
    tpu.wait_dma2 semaphore(%arg16 : memref<!tpu.dma_semaphore, #tpu.memory_space<semaphore_mem>>) src(%arg10 : memref<2560xi32, #tpu.memory_space<vmem>>) dst(%dma_wait3A_65 : memref<2560xi32, #tpu.memory_space<hbm>>)
    %dma_wait3A_66 = arith.constant 0 : i32
    %dma_wait3A_67 = tpu.memref_slice %arg4[%dma_wait3A_66] : memref<3200000xf32, #tpu.memory_space<hbm>> -> memref<2560xf32, #tpu.memory_space<hbm>>
    %dma_wait3A_68 = arith.constant 0 : i32
    %dma_wait3A_69 = tpu.memref_slice %arg4[%dma_wait3A_68] : memref<3200000xf32, #tpu.memory_space<hbm>> -> memref<2560xf32, #tpu.memory_space<hbm>>
    tpu.wait_dma2 semaphore(%arg19 : memref<!tpu.dma_semaphore, #tpu.memory_space<semaphore_mem>>) src(%arg12 : memref<2560xf32, #tpu.memory_space<vmem>>) dst(%dma_wait3A_69 : memref<2560xf32, #tpu.memory_space<hbm>>)
    %dma_wait3A_70 = arith.constant 0 : i32
    %dma_wait3A_71 = tpu.memref_slice %arg5[%dma_wait3A_70] : memref<3200000xf32, #tpu.memory_space<hbm>> -> memref<2560xf32, #tpu.memory_space<hbm>>
    %dma_wait3A_72 = arith.constant 0 : i32
    %dma_wait3A_73 = tpu.memref_slice %arg5[%dma_wait3A_72] : memref<3200000xf32, #tpu.memory_space<hbm>> -> memref<2560xf32, #tpu.memory_space<hbm>>
    tpu.wait_dma2 semaphore(%arg19 : memref<!tpu.dma_semaphore, #tpu.memory_space<semaphore_mem>>) src(%arg13 : memref<2560xf32, #tpu.memory_space<vmem>>) dst(%dma_wait3A_73 : memref<2560xf32, #tpu.memory_space<hbm>>)
    %dma_wait3A_74 = arith.constant 0 : i32
    %dma_wait3A_75 = tpu.memref_slice %arg6[%dma_wait3A_74] : memref<3200000xi32, #tpu.memory_space<hbm>> -> memref<2560xi32, #tpu.memory_space<hbm>>
    %dma_wait3A_76 = arith.constant 0 : i32
    %dma_wait3A_77 = tpu.memref_slice %arg6[%dma_wait3A_76] : memref<3200000xi32, #tpu.memory_space<hbm>> -> memref<2560xi32, #tpu.memory_space<hbm>>
    tpu.wait_dma2 semaphore(%arg19 : memref<!tpu.dma_semaphore, #tpu.memory_space<semaphore_mem>>) src(%arg14 : memref<2560xi32, #tpu.memory_space<vmem>>) dst(%dma_wait3A_77 : memref<2560xi32, #tpu.memory_space<hbm>>)
    return
  }
}

#map = affine_map<(d0, d1) -> (0)>
module attributes {stable_mosaic.version = 14 : i64} {
  func.func @_vec_body(%arg0: i32, %arg1: i32, %arg2: memref<6400000xf32, #tpu.memory_space<hbm>>, %arg3: memref<6400000xf32, #tpu.memory_space<hbm>>, %arg4: memref<6400000xf32, #tpu.memory_space<hbm>>, %arg5: memref<3200000xi32, #tpu.memory_space<hbm>>, %arg6: memref<3200000xf32, #tpu.memory_space<hbm>>, %arg7: memref<3200000xf32, #tpu.memory_space<hbm>>, %arg8: memref<3200000xf32, #tpu.memory_space<hbm>>, %arg9: memref<2560xi32, #tpu.memory_space<vmem>>, %arg10: memref<2560xf32, #tpu.memory_space<vmem>>, %arg11: memref<2560xf32, #tpu.memory_space<vmem>>, %arg12: memref<2560xf32, #tpu.memory_space<vmem>>, %arg13: memref<2560xi32, #tpu.memory_space<vmem>>, %arg14: memref<2560xf32, #tpu.memory_space<vmem>>, %arg15: memref<2560xf32, #tpu.memory_space<vmem>>, %arg16: memref<2560xf32, #tpu.memory_space<vmem>>, %arg17: memref<!tpu.dma_semaphore, #tpu.memory_space<semaphore_mem>>, %arg18: memref<!tpu.dma_semaphore, #tpu.memory_space<semaphore_mem>>, %arg19: memref<!tpu.dma_semaphore, #tpu.memory_space<semaphore_mem>>, %arg20: memref<!tpu.dma_semaphore, #tpu.memory_space<semaphore_mem>>, %arg21: memref<!tpu.dma_semaphore, #tpu.memory_space<semaphore_mem>>, %arg22: memref<!tpu.dma_semaphore, #tpu.memory_space<semaphore_mem>>) attributes {dimension_semantics = [#tpu.dimension_semantics<core_parallel>, #tpu.dimension_semantics<subcore_parallel>], iteration_bounds = array<i64: 2, 16>, scalar_prefetch = 0 : i64, scratch_operands = 14 : i64, tpu.core_type = #tpu.core_type<sc_vector_subcore>, window_params = [{transform_indices = #map}, {transform_indices = #map}, {transform_indices = #map}, {transform_indices = #map}, {transform_indices = #map}, {transform_indices = #map}, {transform_indices = #map}]} {
    %mul3A = arith.constant 2 : i32
    %mul3A_0 = arith.muli %arg1, %mul3A : i32
    %add3A = arith.addi %mul3A_0, %arg0 : i32
    %add3A_1 = arith.constant 0 : i32
    %add3A_2 = arith.addi %add3A, %add3A_1 : i32
    %lt3A = arith.constant 1250 : i32
    %lt3A_3 = arith.cmpi slt, %add3A_2, %lt3A : i32
    %convert_element_type3A = arith.extui %lt3A_3 : i1 to i32
    %cond3A = arith.constant 0 : i32
    %cond3A_4 = arith.cmpi ne, %convert_element_type3A, %cond3A : i32
    scf.if %cond3A_4 {
      %mul3A_75 = arith.constant 2560 : i32
      %mul3A_76 = arith.muli %add3A_2, %mul3A_75 : i32
      %dma_start3A = tpu.memref_slice %arg5[%mul3A_76] : memref<3200000xi32, #tpu.memory_space<hbm>> -> memref<2560xi32, #tpu.memory_space<hbm>>
      %dma_start3A_77 = tpu.memref_slice %arg5[%mul3A_76] : memref<3200000xi32, #tpu.memory_space<hbm>> -> memref<2560xi32, #tpu.memory_space<hbm>>
      tpu.enqueue_dma source(%dma_start3A_77 : memref<2560xi32, #tpu.memory_space<hbm>>) target(%arg9 : memref<2560xi32, #tpu.memory_space<vmem>>) target_semaphore(%arg19 : memref<!tpu.dma_semaphore, #tpu.memory_space<semaphore_mem>>)
    } else {
    }
    %add3A_5 = arith.constant 32 : i32
    %add3A_6 = arith.addi %add3A, %add3A_5 : i32
    %lt3A_7 = arith.constant 1250 : i32
    %lt3A_8 = arith.cmpi slt, %add3A_6, %lt3A_7 : i32
    %convert_element_type3A_9 = arith.extui %lt3A_8 : i1 to i32
    %cond3A_10 = arith.constant 0 : i32
    %cond3A_11 = arith.cmpi ne, %convert_element_type3A_9, %cond3A_10 : i32
    scf.if %cond3A_11 {
      %mul3A_75 = arith.constant 2560 : i32
      %mul3A_76 = arith.muli %add3A_6, %mul3A_75 : i32
      %dma_start3A = tpu.memref_slice %arg5[%mul3A_76] : memref<3200000xi32, #tpu.memory_space<hbm>> -> memref<2560xi32, #tpu.memory_space<hbm>>
      %dma_start3A_77 = tpu.memref_slice %arg5[%mul3A_76] : memref<3200000xi32, #tpu.memory_space<hbm>> -> memref<2560xi32, #tpu.memory_space<hbm>>
      tpu.enqueue_dma source(%dma_start3A_77 : memref<2560xi32, #tpu.memory_space<hbm>>) target(%arg13 : memref<2560xi32, #tpu.memory_space<vmem>>) target_semaphore(%arg22 : memref<!tpu.dma_semaphore, #tpu.memory_space<semaphore_mem>>)
    } else {
    }
    %add3A_12 = arith.constant 0 : i32
    %add3A_13 = arith.addi %add3A, %add3A_12 : i32
    %lt3A_14 = arith.constant 1250 : i32
    %lt3A_15 = arith.cmpi slt, %add3A_13, %lt3A_14 : i32
    %convert_element_type3A_16 = arith.extui %lt3A_15 : i1 to i32
    %cond3A_17 = arith.constant 0 : i32
    %cond3A_18 = arith.cmpi ne, %convert_element_type3A_16, %cond3A_17 : i32
    scf.if %cond3A_18 {
      %mul3A_75 = arith.constant 2560 : i32
      %mul3A_76 = arith.muli %add3A_13, %mul3A_75 : i32
      %dma_wait3A_77 = tpu.memref_slice %arg5[%mul3A_76] : memref<3200000xi32, #tpu.memory_space<hbm>> -> memref<2560xi32, #tpu.memory_space<hbm>>
      %dma_wait3A_78 = tpu.memref_slice %arg5[%mul3A_76] : memref<3200000xi32, #tpu.memory_space<hbm>> -> memref<2560xi32, #tpu.memory_space<hbm>>
      tpu.wait_dma2 semaphore(%arg19 : memref<!tpu.dma_semaphore, #tpu.memory_space<semaphore_mem>>) src(%dma_wait3A_78 : memref<2560xi32, #tpu.memory_space<hbm>>) dst(%arg9 : memref<2560xi32, #tpu.memory_space<vmem>>)
      %dma_start3A = arith.constant 0 : i32
      %dma_start3A_79 = tpu.memref_slice %arg2[%dma_start3A] : memref<6400000xf32, #tpu.memory_space<hbm>> -> memref<6400000xf32, #tpu.memory_space<hbm>>
      tpu.enqueue_indirect_dma source(%dma_start3A_79 : memref<6400000xf32, #tpu.memory_space<hbm>>) target(%arg10 : memref<2560xf32, #tpu.memory_space<vmem>>) offsets(%arg9 : memref<2560xi32, #tpu.memory_space<vmem>>) semaphore(%arg17 : memref<!tpu.dma_semaphore, #tpu.memory_space<semaphore_mem>>)
      %dma_start3A_80 = arith.constant 0 : i32
      %dma_start3A_81 = tpu.memref_slice %arg3[%dma_start3A_80] : memref<6400000xf32, #tpu.memory_space<hbm>> -> memref<6400000xf32, #tpu.memory_space<hbm>>
      tpu.enqueue_indirect_dma source(%dma_start3A_81 : memref<6400000xf32, #tpu.memory_space<hbm>>) target(%arg11 : memref<2560xf32, #tpu.memory_space<vmem>>) offsets(%arg9 : memref<2560xi32, #tpu.memory_space<vmem>>) semaphore(%arg17 : memref<!tpu.dma_semaphore, #tpu.memory_space<semaphore_mem>>)
      %dma_start3A_82 = arith.constant 0 : i32
      %dma_start3A_83 = tpu.memref_slice %arg4[%dma_start3A_82] : memref<6400000xf32, #tpu.memory_space<hbm>> -> memref<6400000xf32, #tpu.memory_space<hbm>>
      tpu.enqueue_indirect_dma source(%dma_start3A_83 : memref<6400000xf32, #tpu.memory_space<hbm>>) target(%arg12 : memref<2560xf32, #tpu.memory_space<vmem>>) offsets(%arg9 : memref<2560xi32, #tpu.memory_space<vmem>>) semaphore(%arg17 : memref<!tpu.dma_semaphore, #tpu.memory_space<semaphore_mem>>)
    } else {
    }
    %add3A_19 = arith.constant 32 : i32
    %add3A_20 = arith.addi %add3A, %add3A_19 : i32
    %lt3A_21 = arith.constant 1250 : i32
    %lt3A_22 = arith.cmpi slt, %add3A_20, %lt3A_21 : i32
    %convert_element_type3A_23 = arith.extui %lt3A_22 : i1 to i32
    %cond3A_24 = arith.constant 0 : i32
    %cond3A_25 = arith.cmpi ne, %convert_element_type3A_23, %cond3A_24 : i32
    scf.if %cond3A_25 {
      %mul3A_75 = arith.constant 2560 : i32
      %mul3A_76 = arith.muli %add3A_20, %mul3A_75 : i32
      %dma_wait3A_77 = tpu.memref_slice %arg5[%mul3A_76] : memref<3200000xi32, #tpu.memory_space<hbm>> -> memref<2560xi32, #tpu.memory_space<hbm>>
      %dma_wait3A_78 = tpu.memref_slice %arg5[%mul3A_76] : memref<3200000xi32, #tpu.memory_space<hbm>> -> memref<2560xi32, #tpu.memory_space<hbm>>
      tpu.wait_dma2 semaphore(%arg22 : memref<!tpu.dma_semaphore, #tpu.memory_space<semaphore_mem>>) src(%dma_wait3A_78 : memref<2560xi32, #tpu.memory_space<hbm>>) dst(%arg13 : memref<2560xi32, #tpu.memory_space<vmem>>)
      %dma_start3A = arith.constant 0 : i32
      %dma_start3A_79 = tpu.memref_slice %arg2[%dma_start3A] : memref<6400000xf32, #tpu.memory_space<hbm>> -> memref<6400000xf32, #tpu.memory_space<hbm>>
      tpu.enqueue_indirect_dma source(%dma_start3A_79 : memref<6400000xf32, #tpu.memory_space<hbm>>) target(%arg14 : memref<2560xf32, #tpu.memory_space<vmem>>) offsets(%arg13 : memref<2560xi32, #tpu.memory_space<vmem>>) semaphore(%arg20 : memref<!tpu.dma_semaphore, #tpu.memory_space<semaphore_mem>>)
      %dma_start3A_80 = arith.constant 0 : i32
      %dma_start3A_81 = tpu.memref_slice %arg3[%dma_start3A_80] : memref<6400000xf32, #tpu.memory_space<hbm>> -> memref<6400000xf32, #tpu.memory_space<hbm>>
      tpu.enqueue_indirect_dma source(%dma_start3A_81 : memref<6400000xf32, #tpu.memory_space<hbm>>) target(%arg15 : memref<2560xf32, #tpu.memory_space<vmem>>) offsets(%arg13 : memref<2560xi32, #tpu.memory_space<vmem>>) semaphore(%arg20 : memref<!tpu.dma_semaphore, #tpu.memory_space<semaphore_mem>>)
      %dma_start3A_82 = arith.constant 0 : i32
      %dma_start3A_83 = tpu.memref_slice %arg4[%dma_start3A_82] : memref<6400000xf32, #tpu.memory_space<hbm>> -> memref<6400000xf32, #tpu.memory_space<hbm>>
      tpu.enqueue_indirect_dma source(%dma_start3A_83 : memref<6400000xf32, #tpu.memory_space<hbm>>) target(%arg16 : memref<2560xf32, #tpu.memory_space<vmem>>) offsets(%arg13 : memref<2560xi32, #tpu.memory_space<vmem>>) semaphore(%arg20 : memref<!tpu.dma_semaphore, #tpu.memory_space<semaphore_mem>>)
    } else {
    }
    %add3A_26 = arith.constant 0 : i32
    %add3A_27 = arith.addi %add3A, %add3A_26 : i32
    %lt3A_28 = arith.constant 1250 : i32
    %lt3A_29 = arith.cmpi slt, %add3A_27, %lt3A_28 : i32
    %convert_element_type3A_30 = arith.extui %lt3A_29 : i1 to i32
    %cond3A_31 = arith.constant 0 : i32
    %cond3A_32 = arith.cmpi ne, %convert_element_type3A_30, %cond3A_31 : i32
    scf.if %cond3A_32 {
      %mul3A_75 = arith.constant 2560 : i32
      %mul3A_76 = arith.muli %add3A_27, %mul3A_75 : i32
      %dma_wait3A_77 = arith.constant 0 : i32
      %dma_wait3A_78 = tpu.memref_slice %arg2[%dma_wait3A_77] : memref<6400000xf32, #tpu.memory_space<hbm>> -> memref<6400000xf32, #tpu.memory_space<hbm>>
      tpu.wait_indirect_dma semaphore(%arg17 : memref<!tpu.dma_semaphore, #tpu.memory_space<semaphore_mem>>) src(%dma_wait3A_78 : memref<6400000xf32, #tpu.memory_space<hbm>>) dst(%arg10 : memref<2560xf32, #tpu.memory_space<vmem>>)
      %dma_wait3A_79 = arith.constant 0 : i32
      %dma_wait3A_80 = tpu.memref_slice %arg3[%dma_wait3A_79] : memref<6400000xf32, #tpu.memory_space<hbm>> -> memref<6400000xf32, #tpu.memory_space<hbm>>
      tpu.wait_indirect_dma semaphore(%arg17 : memref<!tpu.dma_semaphore, #tpu.memory_space<semaphore_mem>>) src(%dma_wait3A_80 : memref<6400000xf32, #tpu.memory_space<hbm>>) dst(%arg11 : memref<2560xf32, #tpu.memory_space<vmem>>)
      %dma_wait3A_81 = arith.constant 0 : i32
      %dma_wait3A_82 = tpu.memref_slice %arg4[%dma_wait3A_81] : memref<6400000xf32, #tpu.memory_space<hbm>> -> memref<6400000xf32, #tpu.memory_space<hbm>>
      tpu.wait_indirect_dma semaphore(%arg17 : memref<!tpu.dma_semaphore, #tpu.memory_space<semaphore_mem>>) src(%dma_wait3A_82 : memref<6400000xf32, #tpu.memory_space<hbm>>) dst(%arg12 : memref<2560xf32, #tpu.memory_space<vmem>>)
      %dma_start3A = tpu.memref_slice %arg6[%mul3A_76] : memref<3200000xf32, #tpu.memory_space<hbm>> -> memref<2560xf32, #tpu.memory_space<hbm>>
      %dma_start3A_83 = tpu.memref_slice %arg6[%mul3A_76] : memref<3200000xf32, #tpu.memory_space<hbm>> -> memref<2560xf32, #tpu.memory_space<hbm>>
      tpu.enqueue_dma source(%arg10 : memref<2560xf32, #tpu.memory_space<vmem>>) target(%dma_start3A_83 : memref<2560xf32, #tpu.memory_space<hbm>>) target_semaphore(%arg18 : memref<!tpu.dma_semaphore, #tpu.memory_space<semaphore_mem>>)
      %dma_start3A_84 = tpu.memref_slice %arg7[%mul3A_76] : memref<3200000xf32, #tpu.memory_space<hbm>> -> memref<2560xf32, #tpu.memory_space<hbm>>
      %dma_start3A_85 = tpu.memref_slice %arg7[%mul3A_76] : memref<3200000xf32, #tpu.memory_space<hbm>> -> memref<2560xf32, #tpu.memory_space<hbm>>
      tpu.enqueue_dma source(%arg11 : memref<2560xf32, #tpu.memory_space<vmem>>) target(%dma_start3A_85 : memref<2560xf32, #tpu.memory_space<hbm>>) target_semaphore(%arg18 : memref<!tpu.dma_semaphore, #tpu.memory_space<semaphore_mem>>)
      %dma_start3A_86 = tpu.memref_slice %arg8[%mul3A_76] : memref<3200000xf32, #tpu.memory_space<hbm>> -> memref<2560xf32, #tpu.memory_space<hbm>>
      %dma_start3A_87 = tpu.memref_slice %arg8[%mul3A_76] : memref<3200000xf32, #tpu.memory_space<hbm>> -> memref<2560xf32, #tpu.memory_space<hbm>>
      tpu.enqueue_dma source(%arg12 : memref<2560xf32, #tpu.memory_space<vmem>>) target(%dma_start3A_87 : memref<2560xf32, #tpu.memory_space<hbm>>) target_semaphore(%arg18 : memref<!tpu.dma_semaphore, #tpu.memory_space<semaphore_mem>>)
      %add3A_88 = arith.constant 64 : i32
      %add3A_89 = arith.addi %add3A, %add3A_88 : i32
      %lt3A_90 = arith.constant 1250 : i32
      %lt3A_91 = arith.cmpi slt, %add3A_89, %lt3A_90 : i32
      %convert_element_type3A_92 = arith.extui %lt3A_91 : i1 to i32
      %cond3A_93 = arith.constant 0 : i32
      %cond3A_94 = arith.cmpi ne, %convert_element_type3A_92, %cond3A_93 : i32
      scf.if %cond3A_94 {
        %mul3A_95 = arith.constant 2560 : i32
        %mul3A_96 = arith.muli %add3A_89, %mul3A_95 : i32
        %dma_start3A_97 = tpu.memref_slice %arg5[%mul3A_96] : memref<3200000xi32, #tpu.memory_space<hbm>> -> memref<2560xi32, #tpu.memory_space<hbm>>
        %dma_start3A_98 = tpu.memref_slice %arg5[%mul3A_96] : memref<3200000xi32, #tpu.memory_space<hbm>> -> memref<2560xi32, #tpu.memory_space<hbm>>
        tpu.enqueue_dma source(%dma_start3A_98 : memref<2560xi32, #tpu.memory_space<hbm>>) target(%arg9 : memref<2560xi32, #tpu.memory_space<vmem>>) target_semaphore(%arg19 : memref<!tpu.dma_semaphore, #tpu.memory_space<semaphore_mem>>)
      } else {
      }
    } else {
    }
    %add3A_33 = arith.constant 64 : i32
    %add3A_34 = arith.addi %add3A, %add3A_33 : i32
    %lt3A_35 = arith.constant 1250 : i32
    %lt3A_36 = arith.cmpi slt, %add3A_34, %lt3A_35 : i32
    %convert_element_type3A_37 = arith.extui %lt3A_36 : i1 to i32
    %cond3A_38 = arith.constant 0 : i32
    %cond3A_39 = arith.cmpi ne, %convert_element_type3A_37, %cond3A_38 : i32
    scf.if %cond3A_39 {
      %dma_wait3A_75 = arith.constant 0 : i32
      %dma_wait3A_76 = tpu.memref_slice %arg6[%dma_wait3A_75] : memref<3200000xf32, #tpu.memory_space<hbm>> -> memref<2560xf32, #tpu.memory_space<hbm>>
      %dma_wait3A_77 = arith.constant 0 : i32
      %dma_wait3A_78 = tpu.memref_slice %arg6[%dma_wait3A_77] : memref<3200000xf32, #tpu.memory_space<hbm>> -> memref<2560xf32, #tpu.memory_space<hbm>>
      tpu.wait_dma2 semaphore(%arg18 : memref<!tpu.dma_semaphore, #tpu.memory_space<semaphore_mem>>) src(%arg10 : memref<2560xf32, #tpu.memory_space<vmem>>) dst(%dma_wait3A_78 : memref<2560xf32, #tpu.memory_space<hbm>>)
      %dma_wait3A_79 = arith.constant 0 : i32
      %dma_wait3A_80 = tpu.memref_slice %arg7[%dma_wait3A_79] : memref<3200000xf32, #tpu.memory_space<hbm>> -> memref<2560xf32, #tpu.memory_space<hbm>>
      %dma_wait3A_81 = arith.constant 0 : i32
      %dma_wait3A_82 = tpu.memref_slice %arg7[%dma_wait3A_81] : memref<3200000xf32, #tpu.memory_space<hbm>> -> memref<2560xf32, #tpu.memory_space<hbm>>
      tpu.wait_dma2 semaphore(%arg18 : memref<!tpu.dma_semaphore, #tpu.memory_space<semaphore_mem>>) src(%arg11 : memref<2560xf32, #tpu.memory_space<vmem>>) dst(%dma_wait3A_82 : memref<2560xf32, #tpu.memory_space<hbm>>)
      %dma_wait3A_83 = arith.constant 0 : i32
      %dma_wait3A_84 = tpu.memref_slice %arg8[%dma_wait3A_83] : memref<3200000xf32, #tpu.memory_space<hbm>> -> memref<2560xf32, #tpu.memory_space<hbm>>
      %dma_wait3A_85 = arith.constant 0 : i32
      %dma_wait3A_86 = tpu.memref_slice %arg8[%dma_wait3A_85] : memref<3200000xf32, #tpu.memory_space<hbm>> -> memref<2560xf32, #tpu.memory_space<hbm>>
      tpu.wait_dma2 semaphore(%arg18 : memref<!tpu.dma_semaphore, #tpu.memory_space<semaphore_mem>>) src(%arg12 : memref<2560xf32, #tpu.memory_space<vmem>>) dst(%dma_wait3A_86 : memref<2560xf32, #tpu.memory_space<hbm>>)
      %mul3A_87 = arith.constant 2560 : i32
      %mul3A_88 = arith.muli %add3A_34, %mul3A_87 : i32
      %dma_wait3A_89 = tpu.memref_slice %arg5[%mul3A_88] : memref<3200000xi32, #tpu.memory_space<hbm>> -> memref<2560xi32, #tpu.memory_space<hbm>>
      %dma_wait3A_90 = tpu.memref_slice %arg5[%mul3A_88] : memref<3200000xi32, #tpu.memory_space<hbm>> -> memref<2560xi32, #tpu.memory_space<hbm>>
      tpu.wait_dma2 semaphore(%arg19 : memref<!tpu.dma_semaphore, #tpu.memory_space<semaphore_mem>>) src(%dma_wait3A_90 : memref<2560xi32, #tpu.memory_space<hbm>>) dst(%arg9 : memref<2560xi32, #tpu.memory_space<vmem>>)
      %dma_start3A = arith.constant 0 : i32
      %dma_start3A_91 = tpu.memref_slice %arg2[%dma_start3A] : memref<6400000xf32, #tpu.memory_space<hbm>> -> memref<6400000xf32, #tpu.memory_space<hbm>>
      tpu.enqueue_indirect_dma source(%dma_start3A_91 : memref<6400000xf32, #tpu.memory_space<hbm>>) target(%arg10 : memref<2560xf32, #tpu.memory_space<vmem>>) offsets(%arg9 : memref<2560xi32, #tpu.memory_space<vmem>>) semaphore(%arg17 : memref<!tpu.dma_semaphore, #tpu.memory_space<semaphore_mem>>)
      %dma_start3A_92 = arith.constant 0 : i32
      %dma_start3A_93 = tpu.memref_slice %arg3[%dma_start3A_92] : memref<6400000xf32, #tpu.memory_space<hbm>> -> memref<6400000xf32, #tpu.memory_space<hbm>>
      tpu.enqueue_indirect_dma source(%dma_start3A_93 : memref<6400000xf32, #tpu.memory_space<hbm>>) target(%arg11 : memref<2560xf32, #tpu.memory_space<vmem>>) offsets(%arg9 : memref<2560xi32, #tpu.memory_space<vmem>>) semaphore(%arg17 : memref<!tpu.dma_semaphore, #tpu.memory_space<semaphore_mem>>)
      %dma_start3A_94 = arith.constant 0 : i32
      %dma_start3A_95 = tpu.memref_slice %arg4[%dma_start3A_94] : memref<6400000xf32, #tpu.memory_space<hbm>> -> memref<6400000xf32, #tpu.memory_space<hbm>>
      tpu.enqueue_indirect_dma source(%dma_start3A_95 : memref<6400000xf32, #tpu.memory_space<hbm>>) target(%arg12 : memref<2560xf32, #tpu.memory_space<vmem>>) offsets(%arg9 : memref<2560xi32, #tpu.memory_space<vmem>>) semaphore(%arg17 : memref<!tpu.dma_semaphore, #tpu.memory_space<semaphore_mem>>)
    } else {
    }
    %add3A_40 = arith.constant 32 : i32
    %add3A_41 = arith.addi %add3A, %add3A_40 : i32
    %lt3A_42 = arith.constant 1250 : i32
    %lt3A_43 = arith.cmpi slt, %add3A_41, %lt3A_42 : i32
    %convert_element_type3A_44 = arith.extui %lt3A_43 : i1 to i32
    %cond3A_45 = arith.constant 0 : i32
    %cond3A_46 = arith.cmpi ne, %convert_element_type3A_44, %cond3A_45 : i32
    scf.if %cond3A_46 {
      %mul3A_75 = arith.constant 2560 : i32
      %mul3A_76 = arith.muli %add3A_41, %mul3A_75 : i32
      %dma_wait3A_77 = arith.constant 0 : i32
      %dma_wait3A_78 = tpu.memref_slice %arg2[%dma_wait3A_77] : memref<6400000xf32, #tpu.memory_space<hbm>> -> memref<6400000xf32, #tpu.memory_space<hbm>>
      tpu.wait_indirect_dma semaphore(%arg20 : memref<!tpu.dma_semaphore, #tpu.memory_space<semaphore_mem>>) src(%dma_wait3A_78 : memref<6400000xf32, #tpu.memory_space<hbm>>) dst(%arg14 : memref<2560xf32, #tpu.memory_space<vmem>>)
      %dma_wait3A_79 = arith.constant 0 : i32
      %dma_wait3A_80 = tpu.memref_slice %arg3[%dma_wait3A_79] : memref<6400000xf32, #tpu.memory_space<hbm>> -> memref<6400000xf32, #tpu.memory_space<hbm>>
      tpu.wait_indirect_dma semaphore(%arg20 : memref<!tpu.dma_semaphore, #tpu.memory_space<semaphore_mem>>) src(%dma_wait3A_80 : memref<6400000xf32, #tpu.memory_space<hbm>>) dst(%arg15 : memref<2560xf32, #tpu.memory_space<vmem>>)
      %dma_wait3A_81 = arith.constant 0 : i32
      %dma_wait3A_82 = tpu.memref_slice %arg4[%dma_wait3A_81] : memref<6400000xf32, #tpu.memory_space<hbm>> -> memref<6400000xf32, #tpu.memory_space<hbm>>
      tpu.wait_indirect_dma semaphore(%arg20 : memref<!tpu.dma_semaphore, #tpu.memory_space<semaphore_mem>>) src(%dma_wait3A_82 : memref<6400000xf32, #tpu.memory_space<hbm>>) dst(%arg16 : memref<2560xf32, #tpu.memory_space<vmem>>)
      %dma_start3A = tpu.memref_slice %arg6[%mul3A_76] : memref<3200000xf32, #tpu.memory_space<hbm>> -> memref<2560xf32, #tpu.memory_space<hbm>>
      %dma_start3A_83 = tpu.memref_slice %arg6[%mul3A_76] : memref<3200000xf32, #tpu.memory_space<hbm>> -> memref<2560xf32, #tpu.memory_space<hbm>>
      tpu.enqueue_dma source(%arg14 : memref<2560xf32, #tpu.memory_space<vmem>>) target(%dma_start3A_83 : memref<2560xf32, #tpu.memory_space<hbm>>) target_semaphore(%arg21 : memref<!tpu.dma_semaphore, #tpu.memory_space<semaphore_mem>>)
      %dma_start3A_84 = tpu.memref_slice %arg7[%mul3A_76] : memref<3200000xf32, #tpu.memory_space<hbm>> -> memref<2560xf32, #tpu.memory_space<hbm>>
      %dma_start3A_85 = tpu.memref_slice %arg7[%mul3A_76] : memref<3200000xf32, #tpu.memory_space<hbm>> -> memref<2560xf32, #tpu.memory_space<hbm>>
      tpu.enqueue_dma source(%arg15 : memref<2560xf32, #tpu.memory_space<vmem>>) target(%dma_start3A_85 : memref<2560xf32, #tpu.memory_space<hbm>>) target_semaphore(%arg21 : memref<!tpu.dma_semaphore, #tpu.memory_space<semaphore_mem>>)
      %dma_start3A_86 = tpu.memref_slice %arg8[%mul3A_76] : memref<3200000xf32, #tpu.memory_space<hbm>> -> memref<2560xf32, #tpu.memory_space<hbm>>
      %dma_start3A_87 = tpu.memref_slice %arg8[%mul3A_76] : memref<3200000xf32, #tpu.memory_space<hbm>> -> memref<2560xf32, #tpu.memory_space<hbm>>
      tpu.enqueue_dma source(%arg16 : memref<2560xf32, #tpu.memory_space<vmem>>) target(%dma_start3A_87 : memref<2560xf32, #tpu.memory_space<hbm>>) target_semaphore(%arg21 : memref<!tpu.dma_semaphore, #tpu.memory_space<semaphore_mem>>)
      %add3A_88 = arith.constant 96 : i32
      %add3A_89 = arith.addi %add3A, %add3A_88 : i32
      %lt3A_90 = arith.constant 1250 : i32
      %lt3A_91 = arith.cmpi slt, %add3A_89, %lt3A_90 : i32
      %convert_element_type3A_92 = arith.extui %lt3A_91 : i1 to i32
      %cond3A_93 = arith.constant 0 : i32
      %cond3A_94 = arith.cmpi ne, %convert_element_type3A_92, %cond3A_93 : i32
      scf.if %cond3A_94 {
        %mul3A_95 = arith.constant 2560 : i32
        %mul3A_96 = arith.muli %add3A_89, %mul3A_95 : i32
        %dma_start3A_97 = tpu.memref_slice %arg5[%mul3A_96] : memref<3200000xi32, #tpu.memory_space<hbm>> -> memref<2560xi32, #tpu.memory_space<hbm>>
        %dma_start3A_98 = tpu.memref_slice %arg5[%mul3A_96] : memref<3200000xi32, #tpu.memory_space<hbm>> -> memref<2560xi32, #tpu.memory_space<hbm>>
        tpu.enqueue_dma source(%dma_start3A_98 : memref<2560xi32, #tpu.memory_space<hbm>>) target(%arg13 : memref<2560xi32, #tpu.memory_space<vmem>>) target_semaphore(%arg22 : memref<!tpu.dma_semaphore, #tpu.memory_space<semaphore_mem>>)
      } else {
      }
    } else {
    }
    %scan3A = arith.constant 0 : i32
    %scan3A_47 = arith.constant 1 : i32
    %scan3A_48 = arith.constant 19 : i32
    %scan3A_49 = arith.addi %scan3A_47, %scan3A_48 : i32
    %scan3A_50 = arith.constant 1 : i32
    scf.for %scan3A_75 = %scan3A_47 to %scan3A_49 step %scan3A_50  : i32 {
      %mul3A_76 = arith.constant 2 : i32
      %mul3A_77 = arith.muli %mul3A_76, %scan3A_75 : i32
      %add3A_78 = arith.constant 1 : i32
      %add3A_79 = arith.addi %mul3A_77, %add3A_78 : i32
      %mul3A_80 = arith.constant 32 : i32
      %mul3A_81 = arith.muli %mul3A_80, %add3A_79 : i32
      %add3A_82 = arith.addi %add3A, %mul3A_81 : i32
      %lt3A_83 = arith.constant 1250 : i32
      %lt3A_84 = arith.cmpi slt, %add3A_82, %lt3A_83 : i32
      %convert_element_type3A_85 = arith.extui %lt3A_84 : i1 to i32
      %cond3A_86 = arith.constant 0 : i32
      %cond3A_87 = arith.cmpi ne, %convert_element_type3A_85, %cond3A_86 : i32
      scf.if %cond3A_87 {
        %dma_wait3A_116 = arith.constant 0 : i32
        %dma_wait3A_117 = tpu.memref_slice %arg6[%dma_wait3A_116] : memref<3200000xf32, #tpu.memory_space<hbm>> -> memref<2560xf32, #tpu.memory_space<hbm>>
        %dma_wait3A_118 = arith.constant 0 : i32
        %dma_wait3A_119 = tpu.memref_slice %arg6[%dma_wait3A_118] : memref<3200000xf32, #tpu.memory_space<hbm>> -> memref<2560xf32, #tpu.memory_space<hbm>>
        tpu.wait_dma2 semaphore(%arg21 : memref<!tpu.dma_semaphore, #tpu.memory_space<semaphore_mem>>) src(%arg14 : memref<2560xf32, #tpu.memory_space<vmem>>) dst(%dma_wait3A_119 : memref<2560xf32, #tpu.memory_space<hbm>>)
        %dma_wait3A_120 = arith.constant 0 : i32
        %dma_wait3A_121 = tpu.memref_slice %arg7[%dma_wait3A_120] : memref<3200000xf32, #tpu.memory_space<hbm>> -> memref<2560xf32, #tpu.memory_space<hbm>>
        %dma_wait3A_122 = arith.constant 0 : i32
        %dma_wait3A_123 = tpu.memref_slice %arg7[%dma_wait3A_122] : memref<3200000xf32, #tpu.memory_space<hbm>> -> memref<2560xf32, #tpu.memory_space<hbm>>
        tpu.wait_dma2 semaphore(%arg21 : memref<!tpu.dma_semaphore, #tpu.memory_space<semaphore_mem>>) src(%arg15 : memref<2560xf32, #tpu.memory_space<vmem>>) dst(%dma_wait3A_123 : memref<2560xf32, #tpu.memory_space<hbm>>)
        %dma_wait3A_124 = arith.constant 0 : i32
        %dma_wait3A_125 = tpu.memref_slice %arg8[%dma_wait3A_124] : memref<3200000xf32, #tpu.memory_space<hbm>> -> memref<2560xf32, #tpu.memory_space<hbm>>
        %dma_wait3A_126 = arith.constant 0 : i32
        %dma_wait3A_127 = tpu.memref_slice %arg8[%dma_wait3A_126] : memref<3200000xf32, #tpu.memory_space<hbm>> -> memref<2560xf32, #tpu.memory_space<hbm>>
        tpu.wait_dma2 semaphore(%arg21 : memref<!tpu.dma_semaphore, #tpu.memory_space<semaphore_mem>>) src(%arg16 : memref<2560xf32, #tpu.memory_space<vmem>>) dst(%dma_wait3A_127 : memref<2560xf32, #tpu.memory_space<hbm>>)
        %mul3A_128 = arith.constant 2560 : i32
        %mul3A_129 = arith.muli %add3A_82, %mul3A_128 : i32
        %dma_wait3A_130 = tpu.memref_slice %arg5[%mul3A_129] : memref<3200000xi32, #tpu.memory_space<hbm>> -> memref<2560xi32, #tpu.memory_space<hbm>>
        %dma_wait3A_131 = tpu.memref_slice %arg5[%mul3A_129] : memref<3200000xi32, #tpu.memory_space<hbm>> -> memref<2560xi32, #tpu.memory_space<hbm>>
        tpu.wait_dma2 semaphore(%arg22 : memref<!tpu.dma_semaphore, #tpu.memory_space<semaphore_mem>>) src(%dma_wait3A_131 : memref<2560xi32, #tpu.memory_space<hbm>>) dst(%arg13 : memref<2560xi32, #tpu.memory_space<vmem>>)
        %dma_start3A = arith.constant 0 : i32
        %dma_start3A_132 = tpu.memref_slice %arg2[%dma_start3A] : memref<6400000xf32, #tpu.memory_space<hbm>> -> memref<6400000xf32, #tpu.memory_space<hbm>>
        tpu.enqueue_indirect_dma source(%dma_start3A_132 : memref<6400000xf32, #tpu.memory_space<hbm>>) target(%arg14 : memref<2560xf32, #tpu.memory_space<vmem>>) offsets(%arg13 : memref<2560xi32, #tpu.memory_space<vmem>>) semaphore(%arg20 : memref<!tpu.dma_semaphore, #tpu.memory_space<semaphore_mem>>)
        %dma_start3A_133 = arith.constant 0 : i32
        %dma_start3A_134 = tpu.memref_slice %arg3[%dma_start3A_133] : memref<6400000xf32, #tpu.memory_space<hbm>> -> memref<6400000xf32, #tpu.memory_space<hbm>>
        tpu.enqueue_indirect_dma source(%dma_start3A_134 : memref<6400000xf32, #tpu.memory_space<hbm>>) target(%arg15 : memref<2560xf32, #tpu.memory_space<vmem>>) offsets(%arg13 : memref<2560xi32, #tpu.memory_space<vmem>>) semaphore(%arg20 : memref<!tpu.dma_semaphore, #tpu.memory_space<semaphore_mem>>)
        %dma_start3A_135 = arith.constant 0 : i32
        %dma_start3A_136 = tpu.memref_slice %arg4[%dma_start3A_135] : memref<6400000xf32, #tpu.memory_space<hbm>> -> memref<6400000xf32, #tpu.memory_space<hbm>>
        tpu.enqueue_indirect_dma source(%dma_start3A_136 : memref<6400000xf32, #tpu.memory_space<hbm>>) target(%arg16 : memref<2560xf32, #tpu.memory_space<vmem>>) offsets(%arg13 : memref<2560xi32, #tpu.memory_space<vmem>>) semaphore(%arg20 : memref<!tpu.dma_semaphore, #tpu.memory_space<semaphore_mem>>)
      } else {
      }
      %mul3A_88 = arith.constant 32 : i32
      %mul3A_89 = arith.muli %mul3A_88, %mul3A_77 : i32
      %add3A_90 = arith.addi %add3A, %mul3A_89 : i32
      %lt3A_91 = arith.constant 1250 : i32
      %lt3A_92 = arith.cmpi slt, %add3A_90, %lt3A_91 : i32
      %convert_element_type3A_93 = arith.extui %lt3A_92 : i1 to i32
      %cond3A_94 = arith.constant 0 : i32
      %cond3A_95 = arith.cmpi ne, %convert_element_type3A_93, %cond3A_94 : i32
      scf.if %cond3A_95 {
        %mul3A_116 = arith.constant 2560 : i32
        %mul3A_117 = arith.muli %add3A_90, %mul3A_116 : i32
        %dma_wait3A_118 = arith.constant 0 : i32
        %dma_wait3A_119 = tpu.memref_slice %arg2[%dma_wait3A_118] : memref<6400000xf32, #tpu.memory_space<hbm>> -> memref<6400000xf32, #tpu.memory_space<hbm>>
        tpu.wait_indirect_dma semaphore(%arg17 : memref<!tpu.dma_semaphore, #tpu.memory_space<semaphore_mem>>) src(%dma_wait3A_119 : memref<6400000xf32, #tpu.memory_space<hbm>>) dst(%arg10 : memref<2560xf32, #tpu.memory_space<vmem>>)
        %dma_wait3A_120 = arith.constant 0 : i32
        %dma_wait3A_121 = tpu.memref_slice %arg3[%dma_wait3A_120] : memref<6400000xf32, #tpu.memory_space<hbm>> -> memref<6400000xf32, #tpu.memory_space<hbm>>
        tpu.wait_indirect_dma semaphore(%arg17 : memref<!tpu.dma_semaphore, #tpu.memory_space<semaphore_mem>>) src(%dma_wait3A_121 : memref<6400000xf32, #tpu.memory_space<hbm>>) dst(%arg11 : memref<2560xf32, #tpu.memory_space<vmem>>)
        %dma_wait3A_122 = arith.constant 0 : i32
        %dma_wait3A_123 = tpu.memref_slice %arg4[%dma_wait3A_122] : memref<6400000xf32, #tpu.memory_space<hbm>> -> memref<6400000xf32, #tpu.memory_space<hbm>>
        tpu.wait_indirect_dma semaphore(%arg17 : memref<!tpu.dma_semaphore, #tpu.memory_space<semaphore_mem>>) src(%dma_wait3A_123 : memref<6400000xf32, #tpu.memory_space<hbm>>) dst(%arg12 : memref<2560xf32, #tpu.memory_space<vmem>>)
        %dma_start3A = tpu.memref_slice %arg6[%mul3A_117] : memref<3200000xf32, #tpu.memory_space<hbm>> -> memref<2560xf32, #tpu.memory_space<hbm>>
        %dma_start3A_124 = tpu.memref_slice %arg6[%mul3A_117] : memref<3200000xf32, #tpu.memory_space<hbm>> -> memref<2560xf32, #tpu.memory_space<hbm>>
        tpu.enqueue_dma source(%arg10 : memref<2560xf32, #tpu.memory_space<vmem>>) target(%dma_start3A_124 : memref<2560xf32, #tpu.memory_space<hbm>>) target_semaphore(%arg18 : memref<!tpu.dma_semaphore, #tpu.memory_space<semaphore_mem>>)
        %dma_start3A_125 = tpu.memref_slice %arg7[%mul3A_117] : memref<3200000xf32, #tpu.memory_space<hbm>> -> memref<2560xf32, #tpu.memory_space<hbm>>
        %dma_start3A_126 = tpu.memref_slice %arg7[%mul3A_117] : memref<3200000xf32, #tpu.memory_space<hbm>> -> memref<2560xf32, #tpu.memory_space<hbm>>
        tpu.enqueue_dma source(%arg11 : memref<2560xf32, #tpu.memory_space<vmem>>) target(%dma_start3A_126 : memref<2560xf32, #tpu.memory_space<hbm>>) target_semaphore(%arg18 : memref<!tpu.dma_semaphore, #tpu.memory_space<semaphore_mem>>)
        %dma_start3A_127 = tpu.memref_slice %arg8[%mul3A_117] : memref<3200000xf32, #tpu.memory_space<hbm>> -> memref<2560xf32, #tpu.memory_space<hbm>>
        %dma_start3A_128 = tpu.memref_slice %arg8[%mul3A_117] : memref<3200000xf32, #tpu.memory_space<hbm>> -> memref<2560xf32, #tpu.memory_space<hbm>>
        tpu.enqueue_dma source(%arg12 : memref<2560xf32, #tpu.memory_space<vmem>>) target(%dma_start3A_128 : memref<2560xf32, #tpu.memory_space<hbm>>) target_semaphore(%arg18 : memref<!tpu.dma_semaphore, #tpu.memory_space<semaphore_mem>>)
        %add3A_129 = arith.constant 2 : i32
        %add3A_130 = arith.addi %mul3A_77, %add3A_129 : i32
        %mul3A_131 = arith.constant 32 : i32
        %mul3A_132 = arith.muli %mul3A_131, %add3A_130 : i32
        %add3A_133 = arith.addi %add3A, %mul3A_132 : i32
        %lt3A_134 = arith.constant 1250 : i32
        %lt3A_135 = arith.cmpi slt, %add3A_133, %lt3A_134 : i32
        %convert_element_type3A_136 = arith.extui %lt3A_135 : i1 to i32
        %cond3A_137 = arith.constant 0 : i32
        %cond3A_138 = arith.cmpi ne, %convert_element_type3A_136, %cond3A_137 : i32
        scf.if %cond3A_138 {
          %mul3A_139 = arith.constant 2560 : i32
          %mul3A_140 = arith.muli %add3A_133, %mul3A_139 : i32
          %dma_start3A_141 = tpu.memref_slice %arg5[%mul3A_140] : memref<3200000xi32, #tpu.memory_space<hbm>> -> memref<2560xi32, #tpu.memory_space<hbm>>
          %dma_start3A_142 = tpu.memref_slice %arg5[%mul3A_140] : memref<3200000xi32, #tpu.memory_space<hbm>> -> memref<2560xi32, #tpu.memory_space<hbm>>
          tpu.enqueue_dma source(%dma_start3A_142 : memref<2560xi32, #tpu.memory_space<hbm>>) target(%arg9 : memref<2560xi32, #tpu.memory_space<vmem>>) target_semaphore(%arg19 : memref<!tpu.dma_semaphore, #tpu.memory_space<semaphore_mem>>)
        } else {
        }
      } else {
      }
      %add3A_96 = arith.constant 2 : i32
      %add3A_97 = arith.addi %mul3A_77, %add3A_96 : i32
      %mul3A_98 = arith.constant 32 : i32
      %mul3A_99 = arith.muli %mul3A_98, %add3A_97 : i32
      %add3A_100 = arith.addi %add3A, %mul3A_99 : i32
      %lt3A_101 = arith.constant 1250 : i32
      %lt3A_102 = arith.cmpi slt, %add3A_100, %lt3A_101 : i32
      %convert_element_type3A_103 = arith.extui %lt3A_102 : i1 to i32
      %cond3A_104 = arith.constant 0 : i32
      %cond3A_105 = arith.cmpi ne, %convert_element_type3A_103, %cond3A_104 : i32
      scf.if %cond3A_105 {
        %dma_wait3A_116 = arith.constant 0 : i32
        %dma_wait3A_117 = tpu.memref_slice %arg6[%dma_wait3A_116] : memref<3200000xf32, #tpu.memory_space<hbm>> -> memref<2560xf32, #tpu.memory_space<hbm>>
        %dma_wait3A_118 = arith.constant 0 : i32
        %dma_wait3A_119 = tpu.memref_slice %arg6[%dma_wait3A_118] : memref<3200000xf32, #tpu.memory_space<hbm>> -> memref<2560xf32, #tpu.memory_space<hbm>>
        tpu.wait_dma2 semaphore(%arg18 : memref<!tpu.dma_semaphore, #tpu.memory_space<semaphore_mem>>) src(%arg10 : memref<2560xf32, #tpu.memory_space<vmem>>) dst(%dma_wait3A_119 : memref<2560xf32, #tpu.memory_space<hbm>>)
        %dma_wait3A_120 = arith.constant 0 : i32
        %dma_wait3A_121 = tpu.memref_slice %arg7[%dma_wait3A_120] : memref<3200000xf32, #tpu.memory_space<hbm>> -> memref<2560xf32, #tpu.memory_space<hbm>>
        %dma_wait3A_122 = arith.constant 0 : i32
        %dma_wait3A_123 = tpu.memref_slice %arg7[%dma_wait3A_122] : memref<3200000xf32, #tpu.memory_space<hbm>> -> memref<2560xf32, #tpu.memory_space<hbm>>
        tpu.wait_dma2 semaphore(%arg18 : memref<!tpu.dma_semaphore, #tpu.memory_space<semaphore_mem>>) src(%arg11 : memref<2560xf32, #tpu.memory_space<vmem>>) dst(%dma_wait3A_123 : memref<2560xf32, #tpu.memory_space<hbm>>)
        %dma_wait3A_124 = arith.constant 0 : i32
        %dma_wait3A_125 = tpu.memref_slice %arg8[%dma_wait3A_124] : memref<3200000xf32, #tpu.memory_space<hbm>> -> memref<2560xf32, #tpu.memory_space<hbm>>
        %dma_wait3A_126 = arith.constant 0 : i32
        %dma_wait3A_127 = tpu.memref_slice %arg8[%dma_wait3A_126] : memref<3200000xf32, #tpu.memory_space<hbm>> -> memref<2560xf32, #tpu.memory_space<hbm>>
        tpu.wait_dma2 semaphore(%arg18 : memref<!tpu.dma_semaphore, #tpu.memory_space<semaphore_mem>>) src(%arg12 : memref<2560xf32, #tpu.memory_space<vmem>>) dst(%dma_wait3A_127 : memref<2560xf32, #tpu.memory_space<hbm>>)
        %mul3A_128 = arith.constant 2560 : i32
        %mul3A_129 = arith.muli %add3A_100, %mul3A_128 : i32
        %dma_wait3A_130 = tpu.memref_slice %arg5[%mul3A_129] : memref<3200000xi32, #tpu.memory_space<hbm>> -> memref<2560xi32, #tpu.memory_space<hbm>>
        %dma_wait3A_131 = tpu.memref_slice %arg5[%mul3A_129] : memref<3200000xi32, #tpu.memory_space<hbm>> -> memref<2560xi32, #tpu.memory_space<hbm>>
        tpu.wait_dma2 semaphore(%arg19 : memref<!tpu.dma_semaphore, #tpu.memory_space<semaphore_mem>>) src(%dma_wait3A_131 : memref<2560xi32, #tpu.memory_space<hbm>>) dst(%arg9 : memref<2560xi32, #tpu.memory_space<vmem>>)
        %dma_start3A = arith.constant 0 : i32
        %dma_start3A_132 = tpu.memref_slice %arg2[%dma_start3A] : memref<6400000xf32, #tpu.memory_space<hbm>> -> memref<6400000xf32, #tpu.memory_space<hbm>>
        tpu.enqueue_indirect_dma source(%dma_start3A_132 : memref<6400000xf32, #tpu.memory_space<hbm>>) target(%arg10 : memref<2560xf32, #tpu.memory_space<vmem>>) offsets(%arg9 : memref<2560xi32, #tpu.memory_space<vmem>>) semaphore(%arg17 : memref<!tpu.dma_semaphore, #tpu.memory_space<semaphore_mem>>)
        %dma_start3A_133 = arith.constant 0 : i32
        %dma_start3A_134 = tpu.memref_slice %arg3[%dma_start3A_133] : memref<6400000xf32, #tpu.memory_space<hbm>> -> memref<6400000xf32, #tpu.memory_space<hbm>>
        tpu.enqueue_indirect_dma source(%dma_start3A_134 : memref<6400000xf32, #tpu.memory_space<hbm>>) target(%arg11 : memref<2560xf32, #tpu.memory_space<vmem>>) offsets(%arg9 : memref<2560xi32, #tpu.memory_space<vmem>>) semaphore(%arg17 : memref<!tpu.dma_semaphore, #tpu.memory_space<semaphore_mem>>)
        %dma_start3A_135 = arith.constant 0 : i32
        %dma_start3A_136 = tpu.memref_slice %arg4[%dma_start3A_135] : memref<6400000xf32, #tpu.memory_space<hbm>> -> memref<6400000xf32, #tpu.memory_space<hbm>>
        tpu.enqueue_indirect_dma source(%dma_start3A_136 : memref<6400000xf32, #tpu.memory_space<hbm>>) target(%arg12 : memref<2560xf32, #tpu.memory_space<vmem>>) offsets(%arg9 : memref<2560xi32, #tpu.memory_space<vmem>>) semaphore(%arg17 : memref<!tpu.dma_semaphore, #tpu.memory_space<semaphore_mem>>)
      } else {
      }
      %add3A_106 = arith.constant 1 : i32
      %add3A_107 = arith.addi %mul3A_77, %add3A_106 : i32
      %mul3A_108 = arith.constant 32 : i32
      %mul3A_109 = arith.muli %mul3A_108, %add3A_107 : i32
      %add3A_110 = arith.addi %add3A, %mul3A_109 : i32
      %lt3A_111 = arith.constant 1250 : i32
      %lt3A_112 = arith.cmpi slt, %add3A_110, %lt3A_111 : i32
      %convert_element_type3A_113 = arith.extui %lt3A_112 : i1 to i32
      %cond3A_114 = arith.constant 0 : i32
      %cond3A_115 = arith.cmpi ne, %convert_element_type3A_113, %cond3A_114 : i32
      scf.if %cond3A_115 {
        %mul3A_116 = arith.constant 2560 : i32
        %mul3A_117 = arith.muli %add3A_110, %mul3A_116 : i32
        %dma_wait3A_118 = arith.constant 0 : i32
        %dma_wait3A_119 = tpu.memref_slice %arg2[%dma_wait3A_118] : memref<6400000xf32, #tpu.memory_space<hbm>> -> memref<6400000xf32, #tpu.memory_space<hbm>>
        tpu.wait_indirect_dma semaphore(%arg20 : memref<!tpu.dma_semaphore, #tpu.memory_space<semaphore_mem>>) src(%dma_wait3A_119 : memref<6400000xf32, #tpu.memory_space<hbm>>) dst(%arg14 : memref<2560xf32, #tpu.memory_space<vmem>>)
        %dma_wait3A_120 = arith.constant 0 : i32
        %dma_wait3A_121 = tpu.memref_slice %arg3[%dma_wait3A_120] : memref<6400000xf32, #tpu.memory_space<hbm>> -> memref<6400000xf32, #tpu.memory_space<hbm>>
        tpu.wait_indirect_dma semaphore(%arg20 : memref<!tpu.dma_semaphore, #tpu.memory_space<semaphore_mem>>) src(%dma_wait3A_121 : memref<6400000xf32, #tpu.memory_space<hbm>>) dst(%arg15 : memref<2560xf32, #tpu.memory_space<vmem>>)
        %dma_wait3A_122 = arith.constant 0 : i32
        %dma_wait3A_123 = tpu.memref_slice %arg4[%dma_wait3A_122] : memref<6400000xf32, #tpu.memory_space<hbm>> -> memref<6400000xf32, #tpu.memory_space<hbm>>
        tpu.wait_indirect_dma semaphore(%arg20 : memref<!tpu.dma_semaphore, #tpu.memory_space<semaphore_mem>>) src(%dma_wait3A_123 : memref<6400000xf32, #tpu.memory_space<hbm>>) dst(%arg16 : memref<2560xf32, #tpu.memory_space<vmem>>)
        %dma_start3A = tpu.memref_slice %arg6[%mul3A_117] : memref<3200000xf32, #tpu.memory_space<hbm>> -> memref<2560xf32, #tpu.memory_space<hbm>>
        %dma_start3A_124 = tpu.memref_slice %arg6[%mul3A_117] : memref<3200000xf32, #tpu.memory_space<hbm>> -> memref<2560xf32, #tpu.memory_space<hbm>>
        tpu.enqueue_dma source(%arg14 : memref<2560xf32, #tpu.memory_space<vmem>>) target(%dma_start3A_124 : memref<2560xf32, #tpu.memory_space<hbm>>) target_semaphore(%arg21 : memref<!tpu.dma_semaphore, #tpu.memory_space<semaphore_mem>>)
        %dma_start3A_125 = tpu.memref_slice %arg7[%mul3A_117] : memref<3200000xf32, #tpu.memory_space<hbm>> -> memref<2560xf32, #tpu.memory_space<hbm>>
        %dma_start3A_126 = tpu.memref_slice %arg7[%mul3A_117] : memref<3200000xf32, #tpu.memory_space<hbm>> -> memref<2560xf32, #tpu.memory_space<hbm>>
        tpu.enqueue_dma source(%arg15 : memref<2560xf32, #tpu.memory_space<vmem>>) target(%dma_start3A_126 : memref<2560xf32, #tpu.memory_space<hbm>>) target_semaphore(%arg21 : memref<!tpu.dma_semaphore, #tpu.memory_space<semaphore_mem>>)
        %dma_start3A_127 = tpu.memref_slice %arg8[%mul3A_117] : memref<3200000xf32, #tpu.memory_space<hbm>> -> memref<2560xf32, #tpu.memory_space<hbm>>
        %dma_start3A_128 = tpu.memref_slice %arg8[%mul3A_117] : memref<3200000xf32, #tpu.memory_space<hbm>> -> memref<2560xf32, #tpu.memory_space<hbm>>
        tpu.enqueue_dma source(%arg16 : memref<2560xf32, #tpu.memory_space<vmem>>) target(%dma_start3A_128 : memref<2560xf32, #tpu.memory_space<hbm>>) target_semaphore(%arg21 : memref<!tpu.dma_semaphore, #tpu.memory_space<semaphore_mem>>)
        %add3A_129 = arith.constant 2 : i32
        %add3A_130 = arith.addi %add3A_107, %add3A_129 : i32
        %mul3A_131 = arith.constant 32 : i32
        %mul3A_132 = arith.muli %mul3A_131, %add3A_130 : i32
        %add3A_133 = arith.addi %add3A, %mul3A_132 : i32
        %lt3A_134 = arith.constant 1250 : i32
        %lt3A_135 = arith.cmpi slt, %add3A_133, %lt3A_134 : i32
        %convert_element_type3A_136 = arith.extui %lt3A_135 : i1 to i32
        %cond3A_137 = arith.constant 0 : i32
        %cond3A_138 = arith.cmpi ne, %convert_element_type3A_136, %cond3A_137 : i32
        scf.if %cond3A_138 {
          %mul3A_139 = arith.constant 2560 : i32
          %mul3A_140 = arith.muli %add3A_133, %mul3A_139 : i32
          %dma_start3A_141 = tpu.memref_slice %arg5[%mul3A_140] : memref<3200000xi32, #tpu.memory_space<hbm>> -> memref<2560xi32, #tpu.memory_space<hbm>>
          %dma_start3A_142 = tpu.memref_slice %arg5[%mul3A_140] : memref<3200000xi32, #tpu.memory_space<hbm>> -> memref<2560xi32, #tpu.memory_space<hbm>>
          tpu.enqueue_dma source(%dma_start3A_142 : memref<2560xi32, #tpu.memory_space<hbm>>) target(%arg13 : memref<2560xi32, #tpu.memory_space<vmem>>) target_semaphore(%arg22 : memref<!tpu.dma_semaphore, #tpu.memory_space<semaphore_mem>>)
        } else {
        }
      } else {
      }
    }
    %scan3A_51 = arith.constant 19 : i32
    %dma_wait3A = arith.constant 0 : i32
    %dma_wait3A_52 = tpu.memref_slice %arg6[%dma_wait3A] : memref<3200000xf32, #tpu.memory_space<hbm>> -> memref<2560xf32, #tpu.memory_space<hbm>>
    %dma_wait3A_53 = arith.constant 0 : i32
    %dma_wait3A_54 = tpu.memref_slice %arg6[%dma_wait3A_53] : memref<3200000xf32, #tpu.memory_space<hbm>> -> memref<2560xf32, #tpu.memory_space<hbm>>
    tpu.wait_dma2 semaphore(%arg18 : memref<!tpu.dma_semaphore, #tpu.memory_space<semaphore_mem>>) src(%arg10 : memref<2560xf32, #tpu.memory_space<vmem>>) dst(%dma_wait3A_54 : memref<2560xf32, #tpu.memory_space<hbm>>)
    %dma_wait3A_55 = arith.constant 0 : i32
    %dma_wait3A_56 = tpu.memref_slice %arg7[%dma_wait3A_55] : memref<3200000xf32, #tpu.memory_space<hbm>> -> memref<2560xf32, #tpu.memory_space<hbm>>
    %dma_wait3A_57 = arith.constant 0 : i32
    %dma_wait3A_58 = tpu.memref_slice %arg7[%dma_wait3A_57] : memref<3200000xf32, #tpu.memory_space<hbm>> -> memref<2560xf32, #tpu.memory_space<hbm>>
    tpu.wait_dma2 semaphore(%arg18 : memref<!tpu.dma_semaphore, #tpu.memory_space<semaphore_mem>>) src(%arg11 : memref<2560xf32, #tpu.memory_space<vmem>>) dst(%dma_wait3A_58 : memref<2560xf32, #tpu.memory_space<hbm>>)
    %dma_wait3A_59 = arith.constant 0 : i32
    %dma_wait3A_60 = tpu.memref_slice %arg8[%dma_wait3A_59] : memref<3200000xf32, #tpu.memory_space<hbm>> -> memref<2560xf32, #tpu.memory_space<hbm>>
    %dma_wait3A_61 = arith.constant 0 : i32
    %dma_wait3A_62 = tpu.memref_slice %arg8[%dma_wait3A_61] : memref<3200000xf32, #tpu.memory_space<hbm>> -> memref<2560xf32, #tpu.memory_space<hbm>>
    tpu.wait_dma2 semaphore(%arg18 : memref<!tpu.dma_semaphore, #tpu.memory_space<semaphore_mem>>) src(%arg12 : memref<2560xf32, #tpu.memory_space<vmem>>) dst(%dma_wait3A_62 : memref<2560xf32, #tpu.memory_space<hbm>>)
    %dma_wait3A_63 = arith.constant 0 : i32
    %dma_wait3A_64 = tpu.memref_slice %arg6[%dma_wait3A_63] : memref<3200000xf32, #tpu.memory_space<hbm>> -> memref<2560xf32, #tpu.memory_space<hbm>>
    %dma_wait3A_65 = arith.constant 0 : i32
    %dma_wait3A_66 = tpu.memref_slice %arg6[%dma_wait3A_65] : memref<3200000xf32, #tpu.memory_space<hbm>> -> memref<2560xf32, #tpu.memory_space<hbm>>
    tpu.wait_dma2 semaphore(%arg21 : memref<!tpu.dma_semaphore, #tpu.memory_space<semaphore_mem>>) src(%arg14 : memref<2560xf32, #tpu.memory_space<vmem>>) dst(%dma_wait3A_66 : memref<2560xf32, #tpu.memory_space<hbm>>)
    %dma_wait3A_67 = arith.constant 0 : i32
    %dma_wait3A_68 = tpu.memref_slice %arg7[%dma_wait3A_67] : memref<3200000xf32, #tpu.memory_space<hbm>> -> memref<2560xf32, #tpu.memory_space<hbm>>
    %dma_wait3A_69 = arith.constant 0 : i32
    %dma_wait3A_70 = tpu.memref_slice %arg7[%dma_wait3A_69] : memref<3200000xf32, #tpu.memory_space<hbm>> -> memref<2560xf32, #tpu.memory_space<hbm>>
    tpu.wait_dma2 semaphore(%arg21 : memref<!tpu.dma_semaphore, #tpu.memory_space<semaphore_mem>>) src(%arg15 : memref<2560xf32, #tpu.memory_space<vmem>>) dst(%dma_wait3A_70 : memref<2560xf32, #tpu.memory_space<hbm>>)
    %dma_wait3A_71 = arith.constant 0 : i32
    %dma_wait3A_72 = tpu.memref_slice %arg8[%dma_wait3A_71] : memref<3200000xf32, #tpu.memory_space<hbm>> -> memref<2560xf32, #tpu.memory_space<hbm>>
    %dma_wait3A_73 = arith.constant 0 : i32
    %dma_wait3A_74 = tpu.memref_slice %arg8[%dma_wait3A_73] : memref<3200000xf32, #tpu.memory_space<hbm>> -> memref<2560xf32, #tpu.memory_space<hbm>>
    tpu.wait_dma2 semaphore(%arg21 : memref<!tpu.dma_semaphore, #tpu.memory_space<semaphore_mem>>) src(%arg16 : memref<2560xf32, #tpu.memory_space<vmem>>) dst(%dma_wait3A_74 : memref<2560xf32, #tpu.memory_space<hbm>>)
    return
  }
}

</mosaic_0001>

<sc_bundles>
// kernel: _run.4.cloned.1.call-start
scs
__scs_entry_jumppad:
0x0: {  	(pc) =	sbr.rel $0x88, $3  }
0x1: {  	(tag) =	ssettag $0x0;
	lr =	simm.s32 $0x1  }
0x2: {  	[smem:$0x3F9E] =	sst lr;
	_ =	strace $0xD0000000  }
0x3: {  	_ = 	snop  }
0x4: {  	_ = 	snop  }
0x5: {  	_ = 	snop  }
0x6: {  	_ = 	snop  }
0x7: {  	_ = 	snop  }
__scs_overlays_trampoline_lowered:
0x8: {  	[smem:$0x3FAD] =	sst s0  }
0x9: {  	[smem:$0x3FAE] =	sst s1  }
0xa: {  	[smem:$0x3FAF] =	sst s2  }
0xb: {  	[smem:$0x3FB0] =	sst s3  }
0xc: {  	[smem:$0x3FB1] =	sst s4  }
0xd: {  	[smem:$0x3FB2] =	sst s5  }
0xe: {  	[smem:$0x3FB3] =	sst s6  }
0xf: {  	[smem:$0x3FB4] =	sst s7  }
0x10: {  	[smem:$0x3FB5] =	sst s8  }
0x11: {  	[smem:$0x3FB6] =	sst s9;
	s0 =	simm.s32 @!p0 $0x0  }
0x12: {  	s1 =	sld [smem:$0x3F9C];
	s0 =	simm.s32 @p0 $0x1  }
0x13: {  	[smem:$0x3FB7] =	sst s0;
	s0 =	simm.s32 @!p1 $0x0  }
0x14: {  	s2 =	sld [smem:$0x3F9B];
	s0 =	simm.s32 @p1 $0x1  }
0x15: {  	[smem:$0x3FB8] =	sst s0;
	s0 =	simm.s32 @!p2 $0x0  }
0x16: {  	s3 =	sld [smem:$0x3FDB];
	s0 =	simm.s32 @p2 $0x1  }
0x17: {  	s4 =	simm.s32 $0x1BF5;
	[smem:$0x3FBA] =	sst s0  }
0x18: {  	s0 =	sld [smem:$0x3F9D];
	_ =	swait.ge [sflag:s4], $0x0  }
0x19: {  	s7 =	sld [smem:$0x3F9E]  }
0x1a: {  	s8 =	sadd.s32 $0xFFFFE003, lr  }
0x1b: {  	s9 =	sadd.s32 $0xFFFFFEF7, lr;
	s5 =	simm.s32 $0xFFFFFFFF;
	p2 =	slt.u32 s8, $0xFFFFF086  }
0x1c: {  	p1 =	slt.u32 s9, $0xF7A;
	s5 =	simm.s32 @!p2 $0x0  }
0x1d: {  	s5 =	simm.s32 @p1 $0x1;
	p0 =	seq.s32 s7, s2  }
0x1e: {  	s7 =	smul.u32 @!p0 $0xF7A, s2;
	p2 =	seq.s32 @!p0 s5, $0x0  }
0x1f: {  	s9 =	smul.u32 $0xF7A, s1;
	s8 =	simm.s32 @!p0 $0x1BF5;
	p2 =	por !p2, p0  }
0x20: {  	[sflag:s8] =	ssyncset.s32 @!p0 $0xFFFFF086;
	s6 =	sadd.s32 @!p0 s3, s7;
	s7 =	simm.s32 @!p0 $0x108  }
0x21: {  	s3 =	sadd.s32 s3, s9;
	s6 =	sadd.s32 @!p0 $0x88, s6;
	s7 =	simm.s32 @p2 $0x1082  }
0x22: {  	[simem:s7], [sflag:s8] =	dma.local @!p0 [hbm:s6], $0xF7A  }
0x23: {  	s9 =	sor.u32 $0xD0000000, s2;
	s6 =	simm.s32 $0x108;
	_ =	swait.ge @!p0 [sflag:s8], $0x0  }
0x24: {  	s3 =	sadd.s32 $0x88, s3;
	s6 =	simm.s32 @!p1 $0x1082;
	[sflag:s4] =	ssyncset.s32 $0xFFFFF086  }
0x25: {  	[simem:s6], [sflag:s4] =	dma.local [hbm:s3], $0xF7A  }
0x26: {  	[smem:$0x3F9E] =	sst s1;
	(tag) =	ssettag s2;
	_ =	strace s9  }
0x27: {  	s1 =	sld [smem:$0x3FAE]  }
0x28: {  	s2 =	sld [smem:$0x3FAF]  }
0x29: {  	s4 =	sld [smem:$0x3FB1]  }
0x2a: {  	p0 =	seq.s32 s5, $0x0;
	s5 =	sld [smem:$0x3FB2]  }
0x2b: {  	s6 =	sld [smem:$0x3FB3]  }
0x2c: {  	s7 =	sld [smem:$0x3FB4]  }
0x2d: {  	s3 =	simm.s32 $0x108;
	s8 =	sld [smem:$0x3FB5]  }
0x2e: {  	s3 =	simm.s32 @!p0 $0x1082;
	s9 =	sld [smem:$0x3FB6]  }
0x2f: {  	lr =	sadd.s32 s0, s3;
	s0 =	sld [smem:$0x3FAD]  }
0x30: {  	s3 =	sld [smem:$0x3FB0]  }
0x31: {  	[smem:$0x3FB9] =	sst s10  }
0x32: {  	s10 =	sld [smem:$0x3FB7];
	_ =	sdelay $0x3  }
0x33: {  	p0 =	seq.s32 s10, $0x1;
	s10 =	sld [smem:$0x3FB9];
	_ =	sdelay $0x3  }
0x34: {  	[smem:$0x3FB9] =	sst s10  }
0x35: {  	s10 =	sld [smem:$0x3FB8];
	_ =	sdelay $0x3  }
0x36: {  	p1 =	seq.s32 s10, $0x1;
	s10 =	sld [smem:$0x3FB9];
	_ =	sdelay $0x3  }
0x37: {  	[smem:$0x3FB9] =	sst s10  }
0x38: {  	s10 =	sld [smem:$0x3FBA]  }
0x39: {  	_ = 	snop;
	(pc) =	sbr.ind lr, $3  }
0x3a: {  	_ = 	snop  }
0x3b: {  	_ = 	snop  }
0x3c: {  	p2 =	seq.s32 s10, $0x1;
	s10 =	sld [smem:$0x3FB9]  }
0x3d: {  	_ =	shalt  }
0x3e: {  	_ =	shalt  }
0x3f: {  	_ =	shalt  }
0x40: {  	_ =	shalt  }
0x41: {  	_ =	shalt  }
0x42: {  	_ =	shalt  }
0x43: {  	_ =	shalt  }
0x44: {  	_ =	shalt  }
0x45: {  	_ =	shalt  }
0x46: {  	_ =	shalt  }
0x47: {  	_ =	shalt  }
0x48: {  	_ =	shalt  }
0x49: {  	_ =	shalt  }
0x4a: {  	_ =	shalt  }
0x4b: {  	_ =	shalt  }
0x4c: {  	_ =	shalt  }
0x4d: {  	_ =	shalt  }
0x4e: {  	_ =	shalt  }
0x4f: {  	_ =	shalt  }
0x50: {  	_ =	shalt  }
0x51: {  	_ =	shalt  }
0x52: {  	_ =	shalt  }
0x53: {  	_ =	shalt  }
0x54: {  	_ =	shalt  }
0x55: {  	_ =	shalt  }
0x56: {  	_ =	shalt  }
0x57: {  	_ =	shalt  }
0x58: {  	_ =	shalt  }
0x59: {  	_ =	shalt  }
0x5a: {  	_ =	shalt  }
0x5b: {  	_ =	shalt  }
0x5c: {  	_ =	shalt  }
0x5d: {  	_ =	shalt  }
0x5e: {  	_ =	shalt  }
0x5f: {  	_ =	shalt  }
0x60: {  	_ =	shalt  }
0x61: {  	_ =	shalt  }
0x62: {  	_ =	shalt  }
0x63: {  	_ =	shalt  }
0x64: {  	_ =	shalt  }
0x65: {  	_ =	shalt  }
0x66: {  	_ =	shalt  }
0x67: {  	_ =	shalt  }
0x68: {  	_ =	shalt  }
0x69: {  	_ =	shalt  }
0x6a: {  	_ =	shalt  }
0x6b: {  	_ =	shalt  }
0x6c: {  	_ =	shalt  }
0x6d: {  	_ =	shalt  }
0x6e: {  	_ =	shalt  }
0x6f: {  	_ =	shalt  }
0x70: {  	_ =	shalt  }
0x71: {  	_ =	shalt  }
0x72: {  	_ =	shalt  }
0x73: {  	_ =	shalt  }
0x74: {  	_ =	shalt  }
0x75: {  	_ =	shalt  }
0x76: {  	_ =	shalt  }
0x77: {  	_ =	shalt  }
0x78: {  	_ =	shalt  }
0x79: {  	_ =	shalt  }
0x7a: {  	_ =	shalt  }
0x7b: {  	_ =	shalt  }
0x7c: {  	_ =	shalt  }
0x7d: {  	_ =	shalt  }
0x7e: {  	_ =	shalt  }
0x7f: {  	_ =	shalt  }
0x80: {  	_ =	shalt  }
0x81: {  	_ =	shalt  }
0x82: {  	_ =	shalt  }
0x83: {  	_ =	shalt  }
0x84: {  	_ =	shalt  }
0x85: {  	_ =	shalt  }
0x86: {  	_ =	shalt  }
0x87: {  	_ =	shalt  }
.Lfunc_end0:
.L_simem_size_0:
called_computation_lowered:
.L_overlay_start_0:
0x88: {  	s2 =	sld [smem:$0x3FD9]  }
0x89: {  	s3 =	sld [smem:$0x3FFE];
	_ =	sdelay $0x1  }
0x8a: {  	s1 =	srdreg.scid  }
0x8b: {  	s0 =	sand.u32 $0x1, s1  }
0x8c: {  	s14 =	sshll.u32 s0, $0xA;
	s2 =	sadd.s32 s3, s2  }
0x8d: {  	s2 =	sadd.s32 s2, s14  }
0x8e: {  	[smem:$0x3FC5] =	sst s2  }
0x8f: {  	_ = 	snop  }
0x90: {  	s2 =	sld [smem:$0x3FD0];
	_ =	sdelay $0x1  }
0x91: {  	s15 =	sld [smem:$0x3FC8]  }
0x92: {  	s5 =	simm.s32 $0xB;
	s6 =	simm.s32 $0x10;
	s4 =	sld [smem:$0x3FC7]  }
0x93: {  	[smem:s6], [sflag:s5] =	dma.local [hbm:s2], $0x1  }
0x94: {  	_ =	swait.eq [sflag:s5], $0x1  }
0x95: {  	[sflag:s5] =	ssyncset.done $0x0  }
0x96: {  	s16 =	sld [smem:$0x11];
	[sflag:s5] =	ssyncadd.s32 $0xFFFFFFFF  }
0x97: {  	s17 =	sld [smem:$0x12];
	(tm) =	ssettm $0x1  }
0x98: {  	s18 =	sld [smem:$0x3FFB];
	_ =	sdelay $0x3  }
0x99: {  	_ =	strace s18  }
0x9a: {  	s6 =	sld [smem:$0x3FFC];
	_ =	sdelay $0x3  }
0x9b: {  	_ =	strace s6  }
0x9c: {  	s6 =	sld [smem:$0x3FFD];
	_ =	sdelay $0x3  }
0x9d: {  	_ =	strace s6  }
0x9e: {  	_ =	strace $0x8FFFFFFF  }
0x9f: {  	s19 =	sld [smem:$0x3FDB];
	_ =	sdelay $0x1  }
0xa0: {  	s7 =	simm.s32 $_scs_section_size  }
0xa1: {  	s8 =	simm.s32 $_size__tile_overlayer_lowered;
	s9 =	simm.s32 $_tile_overlayer_lowered  }
0xa2: {  	s22 =	simm.s32 $0x1BFF;
	s21 =	sshll.u32 s9, $0x1;
	s6 =	sadd.s32 s7, s19  }
0xa3: {  	s10 =	simm.s32 $0x0;
	s20 =	sshll.u32 s8, $0x1;
	s8 =	sadd.s32 s21, s6  }
0xa4: {  	[timem:s10], [sflag:s22] =	dma.local [hbm:s8], s20  }
0xa5: {  	_ =	swait.ge [sflag:s22], s20  }
0xa6: {  	s7 =	ssub.s32 $0x0, s20;
	[sflag:s22] =	ssyncset.done $0x0  }
0xa7: {  	[sflag:s22] =	ssyncadd.s32 s7;
	_ =	sdelay $0x1  }
0xa8: {  	s23 =	simm.s32 $0x1B8B  }
0xa9: {  	_ =	swait.ge [sflag:s23], $0x1  }
0xaa: {  	[sflag:s23] =	ssyncset.done $0x0  }
0xab: {  	s25 =	simm.s32 $0x1B8E;
	s24 =	sld [smem:$0x3FFE];
	[sflag:s23] =	ssyncadd.s32 $0xFFFFFFFF  }
0xac: {  	s26 =	simm.s32 $execute0_lowered;
	[smem:$0x3FD2] =	sst s25  }
0xad: {  	s8 =	sshll.u32 s26, $0x1;
	_ =	strace $0x80000046;
	[dreg:$0x1] =	wrdreg $0xFFFFFFFF  }
0xae: {  	s28 =	simm.s32 $_size_execute0_lowered;
	s6 =	sadd.s32 s6, s8;
	[dreg:$0x0] =	wrdreg $0x0  }
0xaf: {  	s8 =	sshll.u32 s28, $0x1;
	[dreg:$0x2] =	wrdreg s6  }
0xb0: {  	[dreg:$0x3] =	wrdreg s8  }
0xb1: {  	[dreg:$0x4] =	wrdreg $0xC0  }
0xb2: {  	_ =	task [dreg:s10], $0x5FFFF  }
0xb3: {  	[dreg:$0x1] =	wrdreg $0xFFFFFFFF  }
0xb4: {  	[dreg:$0x0] =	wrdreg $0x60  }
0xb5: {  	[dreg:$0x2] =	wrdreg s15  }
0xb6: {  	[dreg:$0x3] =	wrdreg s4  }
0xb7: {  	[dreg:$0x4] =	wrdreg s16  }
0xb8: {  	[dreg:$0x5] =	wrdreg s17  }
0xb9: {  	[dreg:$0x6] =	wrdreg s24  }
0xba: {  	[dreg:$0x7] =	wrdreg $0x9  }
0xbb: {  	_ =	task.clear_ibuf [dreg:s10], $0x8FFFF;
	_ =	strace $0x90000046  }
0xbc: {  	s29 =	simm.s32 $0x9;
	_ =	strace $0x80000048  }
0xbd: {  	_ =	swait.ge [sflag:s29], $0x1  }
0xbe: {  	[sflag:s29] =	ssyncadd.s32 $0xFFFFFFFF  }
0xbf: {  	_ =	strace $0x90000048  }
0xc0: {  	_ =	sfence  }
0xc1: {  	s30 =	sld [smem:$0x0];
	_ =	sdelay $0x2  }
0xc2: {  	s31 =	sshll.u32 s1, $0xD;
	s1 =	sshrl.u32 s1, $0x2  }
0xc3: {  	s3 =	sand.u32 $0x4000, s31;
	s1 =	sadd.s32 s1, s30  }
0xc4: {  	s0 =	sor.u32 s3, s0;
	s1 =	sshll.u32 s1, $0x11  }
0xc5: {  	s0 =	sor.u32 s1, s0  }
0xc6: {  	s0 =	sadd.s32 $0x8F2B, s0  }
0xc7: {  	[sflag:s0] =	ssyncadd.remote.s32 $0x1  }
0xc8: {  	_ =	sfence.sel $0xFFFF  }
0xc9: {  	[dreg:$0x0] =	wrdreg $0xFFFFFFFF;
	(pc) =	sbr.abs _section_cstart, $3  }
0xca: {  	[dreg:$0x1] =	wrdreg $0xFFFFFFFF  }
0xcb: {  	_ =	task.clear_ibuf [dreg:s10], $0x2FFFF;
	_ =	strace $0x9FFFFFFF  }
0xcc: {  	(tm) =	ssettm $0x7FFFFFFF  }
0xcd: {  	_ =	shalt  }
tec
execute0_lowered:
.L_overlay_start_1:
0x0: {  	(tag) =	ssettag $0x1  }
0x1: {  	s0 =	rddreg [dreg:$0x0]  }
0x2: {  	s2 =	rddreg [dreg:$0x1]  }
0x3: {  	s3 =	rddreg [dreg:$0x2]  }
0x4: {  	s5 =	rddreg [dreg:$0x3];
	s1 =	srdreg.scid  }
0x5: {  	s6 =	stileid.u32;
	s4 =	rddreg [dreg:$0x4];
	s28 =	simm.s32 $0x3200  }
0x6: {  	s29 =	simm.s32 $0x1;
	s1 =	sand.u32 $0x1, s1;
	s9 =	sshll.u32 s6, $0x1  }
0x7: {  	s30 =	simm.s32 $0x1400;
	s31 =	simm.s32 $0x1E00;
	s7 =	sor.u32 s1, s9  }
0x8: {  	s6 =	simm.s32 $0x0;
	s1 =	ssub.s32 $0x2, s1;
	s10 =	smul.u32 $0xA00, s7  }
0x9: {  	[smem:$0x7FF] =	sst s6;
	s11 =	sshrl.u32 s1, $0x1;
	s12 =	smul.u32 $0x140, s7  }
0xa: {  	s8 =	sadd.s32 $0x1200, s4;
	_ =	strace $0x80000047;
	s1 =	ssub.s32 s1, s11  }
0xb: {  	s11 =	simm.s32 $0x5;
	s16 =	sshrl.u32 s10, $0x3;
	s17 =	sadd.s32 s2, s12  }
0xc: {  	s18 =	sadd.s32 $0x2800, s12;
	s21 =	sadd.s32 s3, s12;
	[dreg:$0x6] =	wrdreg s17  }
0xd: {  	s22 =	sadd.s32 s5, s12;
	s23 =	sadd.s32 s8, s12;
	[dreg:$0x9] =	wrdreg s21  }
0xe: {  	s1 =	smax.u32 s1, $0x1;
	s10 =	simm.s32 $0x4600;
	[dreg:$0xa] =	wrdreg s22  }
0xf: {  	s12 =	simm.s32 $0x0;
	s4 =	sadd.s32 s2, s16;
	[dreg:$0xb] =	wrdreg s23  }
0x10: {  	s19 =	sadd.s32 s2, s18;
	s24 =	sadd.s32 s3, s18;
	[dreg:$0x10] =	wrdreg s1  }
0x11: {  	s25 =	sadd.s32 s5, s18;
	s26 =	sadd.s32 s8, s18;
	[dreg:$0x7] =	wrdreg s19  }
0x12: {  	s21 =	sor.u32 $0x60, s7;
	s17 =	simm.s32 $0x2800;
	[dreg:$0xd] =	wrdreg s24  }
.Ltmp0:
0x13: {  	s1 =	simm.s32 $0x4;
	[dreg:$0xe] =	wrdreg s25;
	(pc) =	sbr.rel .LBB2_1-.Ltmp0, $4  }
0x14: {  	s20 =	sadd.s32 $0x5000, s4;
	s4 =	sadd.s32 $0x7800, s4;
	[dreg:$0xf] =	wrdreg s26  }
0x15: {  	s19 =	sor.u32 $0x40, s7;
	s24 =	simm.s32 $0x3;
	[dreg:$0x8] =	wrdreg s20  }
0x16: {  	s25 =	simm.s32 $0xA00;
	s26 =	simm.s32 $0x6;
	[dreg:$0xc] =	wrdreg s4  }
0x17: {  	v0 =	vimm.s32 $0x0;
	s20 =	ssub.s32 $0x4A2, s9;
	s4 =	simm.s32 $0x2;
	s9 =	simm.s32 $0x3C00  }
.LBB2_13:
0x18: {  	_ =	swait.ge [sflag:s4], $0xA00  }
0x19: {  	[sflag:s4] =	ssyncset.done $0x0  }
0x1a: {  	[sflag:s4] =	ssyncadd.s32 $0xFFFFF600  }
0x1b: {  	_ =	swait.ge [sflag:s4], $0xA00  }
0x1c: {  	[sflag:s4] =	ssyncset.done $0x0  }
0x1d: {  	[sflag:s4] =	ssyncadd.s32 $0xFFFFF600  }
0x1e: {  	_ =	swait.ge [sflag:s4], $0xA00  }
0x1f: {  	[sflag:s4] =	ssyncset.done $0x0  }
0x20: {  	[sflag:s4] =	ssyncadd.s32 $0xFFFFF600  }
0x21: {  	_ =	swait.ge [sflag:s11], $0xA00  }
0x22: {  	[sflag:s11] =	ssyncset.done $0x0  }
0x23: {  	[sflag:s11] =	ssyncadd.s32 $0xFFFFF600  }
0x24: {  	_ =	swait.ge [sflag:s11], $0xA00  }
0x25: {  	[sflag:s11] =	ssyncset.done $0x0  }
0x26: {  	[sflag:s11] =	ssyncadd.s32 $0xFFFFF600  }
0x27: {  	_ =	swait.ge [sflag:s11], $0xA00  }
0x28: {  	s12 =	sadd.s32 $0x1, s12;
	s13 =	rddreg [dreg:$0x10]  }
0x29: {  	p0 =	sne.s32 s12, s13  }
.Ltmp1:
0x2a: {  	_ = 	snop;
	(pc) =	sbr.rel @!p0 .LBB2_14-.Ltmp1, $3  }
0x2b: {  	_ =	sdelay $0x1  }
0x2c: {  	[sflag:s11] =	ssyncset.done $0x0  }
0x2d: {  	s17 =	simm.s32 $0x2800;
	[sflag:s11] =	ssyncadd.s32 $0xFFFFF600  }
.LBB2_1:
0x2e: {  	s13 =	rddreg [dreg:$0x6]  }
0x2f: {  	[tilespmem:s6], [sflag:$0x3] =	stream.linear.gather [hbm4b:s13+s6], $0xA00, $0x38;
	[tilespmem:$0x5000] =	vst v63  }
0x30: {  	s22 =	rddreg [dreg:$0x7]  }
0x31: {  	[tilespmem:s17], [sflag:$0x6] =	stream.linear.gather [hbm4b:s22+s6], $0xA00, $0x38;
	[tilespmem:$0x5000] =	vst v63  }
0x32: {  	_ =	swait.ge [sflag:s24], $0xA00  }
0x33: {  	[sflag:s24] =	ssyncset.done $0x0  }
0x34: {  	[sflag:s24] =	ssyncadd.s32 $0xFFFFF600  }
0x35: {  	[tilespmem:s25], [sflag:$0x1] =	stream.indirect.gather [hbm4b:s0+s25], $0x1, s6, s25, $0xb8;
	[tilespmem:$0x5000] =	vst v63  }
0x36: {  	_ =	swait.ge [sflag:s26], $0xA00  }
0x37: {  	[sflag:s26] =	ssyncset.done $0x0  }
0x38: {  	[sflag:s26] =	ssyncadd.s32 $0xFFFFF600  }
0x39: {  	[tilespmem:s28], [sflag:$0x4] =	stream.indirect.gather [hbm4b:s0+s25], $0x1, s17, s25, $0xb8;
	[tilespmem:$0x5000] =	vst v63  }
0x3a: {  	_ =	swait.ge [sflag:s29], $0xA00  }
0x3b: {  	[sflag:s29] =	ssyncset.done $0x0  }
0x3c: {  	s15 =	simm.s32 $0xA20;
	s23 =	rddreg [dreg:$0x8];
	[sflag:s29] =	ssyncadd.s32 $0xFFFFF600  }
0x3d: {  	[tilespmem:s6], [sflag:$0x3] =	stream.linear.gather [hbm4b:s23+s6], $0xA00, $0x38;
	[tilespmem:$0x5000] =	vst v63  }
0x3e: {  	v1 =	vld [tilespmem:s15+$0xFFFFFFE0];
	_ =	sdelay $0x4  }
0x3f: {  	v2 =	vmul.f32 $6.283185480e+00, v1;
	_ =	sdelay $0x1  }
0x40: {  	v2 =	vadd.f32 $-1.570796370e+00, v2;
	_ =	sdelay $0x1  }
0x41: {  	v3 =	vmul.f32 v2, v2;
	_ =	sdelay $0x1  }
0x42: {  	v4 =	vmul.f32 $2.755731880e-06, v3;
	_ =	sdelay $0x1  }
0x43: {  	v4 =	vadd.f32 $-1.984127010e-04, v4;
	_ =	sdelay $0x1  }
0x44: {  	v4 =	vmul.f32 v4, v3;
	_ =	sdelay $0x1  }
0x45: {  	v4 =	vadd.f32 $8.333333770e-03, v4;
	_ =	sdelay $0x1  }
0x46: {  	v4 =	vmul.f32 v4, v3;
	_ =	sdelay $0x1  }
0x47: {  	v4 =	vadd.f32 $-1.666666720e-01, v4;
	_ =	sdelay $0x1  }
0x48: {  	v3 =	vmul.f32 v4, v3;
	_ =	sdelay $0x1  }
0x49: {  	v3 =	vadd.f32 $1.000000000e+00, v3;
	_ =	sdelay $0x1  }
0x4a: {  	v2 =	vmul.f32 v3, v2;
	_ =	sdelay $0x1  }
0x4b: {  	v2 =	vmul.f32 $5.000000000e-01, v2;
	_ =	sdelay $0x1  }
0x4c: {  	v2 =	vsub.f32 $5.000000000e-01, v2  }
0x4d: {  	vm0 =	vlt.f32 v1, $5.000000000e-01  }
0x4e: {  	s13 =	simm.s32 $0x1420;
	v1 =	vnsel vm0, $0x0, v2  }
0x4f: {  	s14 =	simm.s32 $0x1E20;
	[tilespmem:s13+$0xFFFFFFE0] =	vst v1;
	v1 =	vsel vm0, $0x1, v0  }
0x50: {  	[tilespmem:s14+$0xFFFFFFE0] =	vst v1  }
0x51: {  	v1 =	vld [tilespmem:s15+$0xFFFFFFF0];
	_ =	sdelay $0x4  }
0x52: {  	v2 =	vmul.f32 $6.283185480e+00, v1;
	_ =	sdelay $0x1  }
0x53: {  	v2 =	vadd.f32 $-1.570796370e+00, v2;
	_ =	sdelay $0x1  }
0x54: {  	v3 =	vmul.f32 v2, v2;
	_ =	sdelay $0x1  }
0x55: {  	v61 =	vmul.f32 $2.755731880e-06, v3;
	_ =	sdelay $0x1  }
0x56: {  	v4 =	vadd.f32 $-1.984127010e-04, v61;
	_ =	sdelay $0x1  }
0x57: {  	v4 =	vmul.f32 v4, v3;
	_ =	sdelay $0x1  }
0x58: {  	v4 =	vadd.f32 $8.333333770e-03, v4;
	_ =	sdelay $0x1  }
0x59: {  	v4 =	vmul.f32 v4, v3;
	_ =	sdelay $0x1  }
0x5a: {  	v4 =	vadd.f32 $-1.666666720e-01, v4;
	_ =	sdelay $0x1  }
0x5b: {  	v3 =	vmul.f32 v4, v3;
	_ =	sdelay $0x1  }
0x5c: {  	v3 =	vadd.f32 $1.000000000e+00, v3;
	_ =	sdelay $0x1  }
0x5d: {  	v2 =	vmul.f32 v3, v2;
	_ =	sdelay $0x1  }
0x5e: {  	v2 =	vmul.f32 $5.000000000e-01, v2;
	_ =	sdelay $0x1  }
0x5f: {  	v2 =	vsub.f32 $5.000000000e-01, v2  }
0x60: {  	vm13 =	vlt.f32 v1, $5.000000000e-01  }
0x61: {  	v1 =	vnsel vm13, $0x0, v2  }
0x62: {  	[tilespmem:s13+$0xFFFFFFF0] =	vst v1;
	v1 =	vsel vm13, $0x1, v0  }
0x63: {  	[tilespmem:s14+$0xFFFFFFF0] =	vst v1  }
0x64: {  	v1 =	vld [tilespmem:s15+$0x0];
	_ =	sdelay $0x4  }
0x65: {  	v2 =	vmul.f32 $6.283185480e+00, v1;
	_ =	sdelay $0x1  }
0x66: {  	v2 =	vadd.f32 $-1.570796370e+00, v2;
	_ =	sdelay $0x1  }
0x67: {  	v3 =	vmul.f32 v2, v2;
	_ =	sdelay $0x1  }
0x68: {  	v62 =	vmul.f32 $2.755731880e-06, v3;
	_ =	sdelay $0x1  }
0x69: {  	v4 =	vadd.f32 $-1.984127010e-04, v62;
	_ =	sdelay $0x1  }
0x6a: {  	v4 =	vmul.f32 v4, v3;
	_ =	sdelay $0x1  }
0x6b: {  	v4 =	vadd.f32 $8.333333770e-03, v4;
	_ =	sdelay $0x1  }
0x6c: {  	v4 =	vmul.f32 v4, v3;
	_ =	sdelay $0x1  }
0x6d: {  	v4 =	vadd.f32 $-1.666666720e-01, v4;
	_ =	sdelay $0x1  }
0x6e: {  	v3 =	vmul.f32 v4, v3;
	_ =	sdelay $0x1  }
0x6f: {  	v3 =	vadd.f32 $1.000000000e+00, v3;
	_ =	sdelay $0x1  }
0x70: {  	v2 =	vmul.f32 v3, v2;
	_ =	sdelay $0x1  }
0x71: {  	v2 =	vmul.f32 $5.000000000e-01, v2;
	_ =	sdelay $0x1  }
0x72: {  	v2 =	vsub.f32 $5.000000000e-01, v2  }
0x73: {  	vm14 =	vlt.f32 v1, $5.000000000e-01  }
0x74: {  	v1 =	vnsel vm14, $0x0, v2  }
0x75: {  	[tilespmem:s13+$0x0] =	vst v1;
	v1 =	vsel vm14, $0x1, v0  }
0x76: {  	[tilespmem:s14+$0x0] =	vst v1  }
0x77: {  	v1 =	vld [tilespmem:s15+$0x10];
	_ =	sdelay $0x4  }
0x78: {  	v2 =	vmul.f32 $6.283185480e+00, v1;
	_ =	sdelay $0x1  }
0x79: {  	v2 =	vadd.f32 $-1.570796370e+00, v2;
	_ =	sdelay $0x1  }
0x7a: {  	v3 =	vmul.f32 v2, v2;
	_ =	sdelay $0x1  }
0x7b: {  	v63 =	vmul.f32 $2.755731880e-06, v3;
	_ =	sdelay $0x1  }
0x7c: {  	v4 =	vadd.f32 $-1.984127010e-04, v63;
	_ =	sdelay $0x1  }
0x7d: {  	v4 =	vmul.f32 v4, v3;
	_ =	sdelay $0x1  }
0x7e: {  	v4 =	vadd.f32 $8.333333770e-03, v4;
	_ =	sdelay $0x1  }
0x7f: {  	v4 =	vmul.f32 v4, v3;
	_ =	sdelay $0x1  }
0x80: {  	v4 =	vadd.f32 $-1.666666720e-01, v4;
	_ =	sdelay $0x1  }
0x81: {  	v3 =	vmul.f32 v4, v3;
	_ =	sdelay $0x1  }
0x82: {  	v3 =	vadd.f32 $1.000000000e+00, v3;
	_ =	sdelay $0x1  }
0x83: {  	v2 =	vmul.f32 v3, v2;
	_ =	sdelay $0x1  }
0x84: {  	v2 =	vmul.f32 $5.000000000e-01, v2;
	_ =	sdelay $0x1  }
0x85: {  	v2 =	vsub.f32 $5.000000000e-01, v2  }
0x86: {  	vm15 =	vlt.f32 v1, $5.000000000e-01  }
0x87: {  	v1 =	vnsel vm15, $0x0, v2  }
0x88: {  	s16 =	simm.s32 $0xA60;
	s15 =	simm.s32 $0x0;
	[tilespmem:s13+$0x10] =	vst v1;
	v1 =	vsel vm15, $0x1, v0  }
.LBB2_2:
0x89: {  	s15 =	sadd.s32 $0x4, s15;
	[tilespmem:s14+$0x10] =	vst v1;
	s14 =	sadd.s32 $0x40, s14;
	s13 =	sadd.s32 $0x40, s13  }
0x8a: {  	v1 =	vld [tilespmem:s16+$0xFFFFFFE0];
	p0 =	slt.u32 s15, $0x9C;
	_ =	sdelay $0x4  }
0x8b: {  	v2 =	vmul.f32 $6.283185480e+00, v1;
	_ =	sdelay $0x1  }
0x8c: {  	v2 =	vadd.f32 $-1.570796370e+00, v2;
	_ =	sdelay $0x1  }
0x8d: {  	v3 =	vmul.f32 v2, v2;
	_ =	sdelay $0x1  }
0x8e: {  	v4 =	vmul.f32 $2.755731880e-06, v3;
	_ =	sdelay $0x1  }
0x8f: {  	v4 =	vadd.f32 $-1.984127010e-04, v4;
	_ =	sdelay $0x1  }
0x90: {  	v4 =	vmul.f32 v4, v3;
	_ =	sdelay $0x1  }
0x91: {  	v4 =	vadd.f32 $8.333333770e-03, v4;
	_ =	sdelay $0x1  }
0x92: {  	v4 =	vmul.f32 v4, v3;
	_ =	sdelay $0x1  }
0x93: {  	v4 =	vadd.f32 $-1.666666720e-01, v4;
	_ =	sdelay $0x1  }
0x94: {  	v3 =	vmul.f32 v4, v3;
	_ =	sdelay $0x1  }
0x95: {  	v3 =	vadd.f32 $1.000000000e+00, v3;
	_ =	sdelay $0x1  }
0x96: {  	v2 =	vmul.f32 v3, v2;
	_ =	sdelay $0x1  }
0x97: {  	v2 =	vmul.f32 $5.000000000e-01, v2;
	_ =	sdelay $0x1  }
0x98: {  	v2 =	vsub.f32 $5.000000000e-01, v2  }
0x99: {  	vm0 =	vlt.f32 v1, $5.000000000e-01  }
0x9a: {  	v1 =	vnsel vm0, $0x0, v2  }
0x9b: {  	[tilespmem:s13+$0xFFFFFFE0] =	vst v1;
	v1 =	vsel vm0, $0x1, v0  }
0x9c: {  	[tilespmem:s14+$0xFFFFFFE0] =	vst v1  }
0x9d: {  	v1 =	vld [tilespmem:s16+$0xFFFFFFF0];
	_ =	sdelay $0x4  }
0x9e: {  	v2 =	vmul.f32 $6.283185480e+00, v1;
	_ =	sdelay $0x1  }
0x9f: {  	v2 =	vadd.f32 $-1.570796370e+00, v2;
	_ =	sdelay $0x1  }
0xa0: {  	v3 =	vmul.f32 v2, v2;
	_ =	sdelay $0x1  }
0xa1: {  	v4 =	vmul.f32 $2.755731880e-06, v3;
	_ =	sdelay $0x1  }
0xa2: {  	v4 =	vadd.f32 $-1.984127010e-04, v4;
	_ =	sdelay $0x1  }
0xa3: {  	v4 =	vmul.f32 v4, v3;
	_ =	sdelay $0x1  }
0xa4: {  	v4 =	vadd.f32 $8.333333770e-03, v4;
	_ =	sdelay $0x1  }
0xa5: {  	v4 =	vmul.f32 v4, v3;
	_ =	sdelay $0x1  }
0xa6: {  	v4 =	vadd.f32 $-1.666666720e-01, v4;
	_ =	sdelay $0x1  }
0xa7: {  	v3 =	vmul.f32 v4, v3;
	_ =	sdelay $0x1  }
0xa8: {  	v3 =	vadd.f32 $1.000000000e+00, v3;
	_ =	sdelay $0x1  }
0xa9: {  	v2 =	vmul.f32 v3, v2;
	_ =	sdelay $0x1  }
0xaa: {  	v2 =	vmul.f32 $5.000000000e-01, v2;
	_ =	sdelay $0x1  }
0xab: {  	v2 =	vsub.f32 $5.000000000e-01, v2  }
0xac: {  	vm0 =	vlt.f32 v1, $5.000000000e-01  }
0xad: {  	v1 =	vnsel vm0, $0x0, v2  }
0xae: {  	[tilespmem:s13+$0xFFFFFFF0] =	vst v1;
	v1 =	vsel vm0, $0x1, v0  }
0xaf: {  	[tilespmem:s14+$0xFFFFFFF0] =	vst v1  }
0xb0: {  	v1 =	vld [tilespmem:s16+$0x0];
	_ =	sdelay $0x4  }
0xb1: {  	v2 =	vmul.f32 $6.283185480e+00, v1;
	_ =	sdelay $0x1  }
0xb2: {  	v2 =	vadd.f32 $-1.570796370e+00, v2;
	_ =	sdelay $0x1  }
0xb3: {  	v3 =	vmul.f32 v2, v2;
	_ =	sdelay $0x1  }
0xb4: {  	v4 =	vmul.f32 $2.755731880e-06, v3;
	_ =	sdelay $0x1  }
0xb5: {  	v4 =	vadd.f32 $-1.984127010e-04, v4;
	_ =	sdelay $0x1  }
0xb6: {  	v4 =	vmul.f32 v4, v3;
	_ =	sdelay $0x1  }
0xb7: {  	v4 =	vadd.f32 $8.333333770e-03, v4;
	_ =	sdelay $0x1  }
0xb8: {  	v4 =	vmul.f32 v4, v3;
	_ =	sdelay $0x1  }
0xb9: {  	v4 =	vadd.f32 $-1.666666720e-01, v4;
	_ =	sdelay $0x1  }
0xba: {  	v3 =	vmul.f32 v4, v3;
	_ =	sdelay $0x1  }
0xbb: {  	v3 =	vadd.f32 $1.000000000e+00, v3;
	_ =	sdelay $0x1  }
0xbc: {  	v2 =	vmul.f32 v3, v2;
	_ =	sdelay $0x1  }
0xbd: {  	v2 =	vmul.f32 $5.000000000e-01, v2;
	_ =	sdelay $0x1  }
0xbe: {  	v2 =	vsub.f32 $5.000000000e-01, v2  }
0xbf: {  	vm0 =	vlt.f32 v1, $5.000000000e-01  }
0xc0: {  	v1 =	vnsel vm0, $0x0, v2  }
0xc1: {  	[tilespmem:s13+$0x0] =	vst v1;
	v1 =	vsel vm0, $0x1, v0  }
0xc2: {  	[tilespmem:s14+$0x0] =	vst v1  }
0xc3: {  	v1 =	vld [tilespmem:s16+$0x10];
	_ =	sdelay $0x4  }
0xc4: {  	v2 =	vmul.f32 $6.283185480e+00, v1;
	_ =	sdelay $0x1  }
0xc5: {  	v2 =	vadd.f32 $-1.570796370e+00, v2;
	_ =	sdelay $0x1  }
0xc6: {  	v3 =	vmul.f32 v2, v2;
	_ =	sdelay $0x1  }
0xc7: {  	v4 =	vmul.f32 $2.755731880e-06, v3;
	_ =	sdelay $0x1  }
0xc8: {  	v4 =	vadd.f32 $-1.984127010e-04, v4;
	_ =	sdelay $0x1  }
0xc9: {  	v4 =	vmul.f32 v4, v3;
	_ =	sdelay $0x1  }
0xca: {  	v4 =	vadd.f32 $8.333333770e-03, v4;
	_ =	sdelay $0x1  }
0xcb: {  	v4 =	vmul.f32 v4, v3;
	_ =	sdelay $0x1  }
0xcc: {  	v4 =	vadd.f32 $-1.666666720e-01, v4;
	_ =	sdelay $0x1  }
0xcd: {  	v3 =	vmul.f32 v4, v3;
	_ =	sdelay $0x1  }
0xce: {  	v3 =	vadd.f32 $1.000000000e+00, v3;
	_ =	sdelay $0x1  }
0xcf: {  	v2 =	vmul.f32 v3, v2;
	_ =	sdelay $0x1  }
0xd0: {  	v2 =	vmul.f32 $5.000000000e-01, v2  }
.Ltmp2:
0xd1: {  	(pc) =	sbr.rel @p0 .LBB2_2-.Ltmp2, $4  }
0xd2: {  	v2 =	vsub.f32 $5.000000000e-01, v2  }
0xd3: {  	vm0 =	vlt.f32 v1, $5.000000000e-01  }
0xd4: {  	v1 =	vnsel vm0, $0x0, v2  }
0xd5: {  	s16 =	sadd.s32 $0x40, s16;
	[tilespmem:s13+$0x10] =	vst v1;
	v1 =	vsel vm0, $0x1, v0  }
0xd6: {  	[tilespmem:s14+$0x10] =	vst v1;
	s13 =	rddreg [dreg:$0x9]  }
0xd7: {  	[hbm4b:s13+s6] =	stream.linear.scatter [tilespmem:s25], [sflag:$0x2], $0xA00, $0x38;
	[tilespmem:$0x5000] =	vst v63  }
0xd8: {  	s18 =	rddreg [dreg:$0xa]  }
0xd9: {  	[hbm4b:s18+s6] =	stream.linear.scatter [tilespmem:s30], [sflag:$0x2], $0xA00, $0x38;
	[tilespmem:$0x5000] =	vst v63  }
0xda: {  	s22 =	rddreg [dreg:$0xb]  }
0xdb: {  	[hbm4b:s22+s6] =	stream.linear.scatter [tilespmem:s31], [sflag:$0x2], $0xA00, $0x38;
	[tilespmem:$0x5000] =	vst v63  }
0xdc: {  	_ =	swait.ge [sflag:s4], $0xA00  }
0xdd: {  	[sflag:s4] =	ssyncset.done $0x0  }
0xde: {  	[sflag:s4] =	ssyncadd.s32 $0xFFFFF600  }
0xdf: {  	_ =	swait.ge [sflag:s4], $0xA00  }
0xe0: {  	[sflag:s4] =	ssyncset.done $0x0  }
0xe1: {  	[sflag:s4] =	ssyncadd.s32 $0xFFFFF600  }
0xe2: {  	_ =	swait.ge [sflag:s4], $0xA00  }
0xe3: {  	[sflag:s4] =	ssyncset.done $0x0  }
0xe4: {  	[sflag:s4] =	ssyncadd.s32 $0xFFFFF600  }
0xe5: {  	_ =	swait.ge [sflag:s24], $0xA00  }
0xe6: {  	[sflag:s24] =	ssyncset.done $0x0  }
0xe7: {  	[sflag:s24] =	ssyncadd.s32 $0xFFFFF600  }
0xe8: {  	[tilespmem:s25], [sflag:$0x1] =	stream.indirect.gather [hbm4b:s0+s25], $0x1, s6, s25, $0xb8;
	[tilespmem:$0x5000] =	vst v63  }
0xe9: {  	_ =	swait.ge [sflag:s1], $0xA00  }
0xea: {  	[sflag:s1] =	ssyncset.done $0x0  }
0xeb: {  	s15 =	simm.s32 $0x3220;
	s23 =	rddreg [dreg:$0xc];
	[sflag:s1] =	ssyncadd.s32 $0xFFFFF600  }
0xec: {  	[tilespmem:s17], [sflag:$0x6] =	stream.linear.gather [hbm4b:s23+s6], $0xA00, $0x38;
	[tilespmem:$0x5000] =	vst v63  }
0xed: {  	v1 =	vld [tilespmem:s15+$0xFFFFFFE0];
	_ =	sdelay $0x4  }
0xee: {  	v2 =	vmul.f32 $6.283185480e+00, v1;
	_ =	sdelay $0x1  }
0xef: {  	v2 =	vadd.f32 $-1.570796370e+00, v2;
	_ =	sdelay $0x1  }
0xf0: {  	v3 =	vmul.f32 v2, v2;
	_ =	sdelay $0x1  }
0xf1: {  	v4 =	vmul.f32 $2.755731880e-06, v3;
	_ =	sdelay $0x1  }
0xf2: {  	v4 =	vadd.f32 $-1.984127010e-04, v4;
	_ =	sdelay $0x1  }
0xf3: {  	v4 =	vmul.f32 v4, v3;
	_ =	sdelay $0x1  }
0xf4: {  	v4 =	vadd.f32 $8.333333770e-03, v4;
	_ =	sdelay $0x1  }
0xf5: {  	v4 =	vmul.f32 v4, v3;
	_ =	sdelay $0x1  }
0xf6: {  	v4 =	vadd.f32 $-1.666666720e-01, v4;
	_ =	sdelay $0x1  }
0xf7: {  	v3 =	vmul.f32 v4, v3;
	_ =	sdelay $0x1  }
0xf8: {  	v3 =	vadd.f32 $1.000000000e+00, v3;
	_ =	sdelay $0x1  }
0xf9: {  	v2 =	vmul.f32 v3, v2;
	_ =	sdelay $0x1  }
0xfa: {  	v2 =	vmul.f32 $5.000000000e-01, v2;
	_ =	sdelay $0x1  }
0xfb: {  	v2 =	vsub.f32 $5.000000000e-01, v2  }
0xfc: {  	vm0 =	vlt.f32 v1, $5.000000000e-01  }
0xfd: {  	s13 =	simm.s32 $0x3C20;
	v1 =	vnsel vm0, $0x0, v2  }
0xfe: {  	s14 =	simm.s32 $0x4620;
	[tilespmem:s13+$0xFFFFFFE0] =	vst v1;
	v1 =	vsel vm0, $0x1, v0  }
0xff: {  	[tilespmem:s14+$0xFFFFFFE0] =	vst v1  }
0x100: {  	v1 =	vld [tilespmem:s15+$0xFFFFFFF0];
	_ =	sdelay $0x4  }
0x101: {  	v2 =	vmul.f32 $6.283185480e+00, v1;
	_ =	sdelay $0x1  }
0x102: {  	v2 =	vadd.f32 $-1.570796370e+00, v2;
	_ =	sdelay $0x1  }
0x103: {  	v3 =	vmul.f32 v2, v2;
	_ =	sdelay $0x1  }
0x104: {  	v61 =	vmul.f32 $2.755731880e-06, v3;
	_ =	sdelay $0x1  }
0x105: {  	v4 =	vadd.f32 $-1.984127010e-04, v61;
	_ =	sdelay $0x1  }
0x106: {  	v4 =	vmul.f32 v4, v3;
	_ =	sdelay $0x1  }
0x107: {  	v4 =	vadd.f32 $8.333333770e-03, v4;
	_ =	sdelay $0x1  }
0x108: {  	v4 =	vmul.f32 v4, v3;
	_ =	sdelay $0x1  }
0x109: {  	v4 =	vadd.f32 $-1.666666720e-01, v4;
	_ =	sdelay $0x1  }
0x10a: {  	v3 =	vmul.f32 v4, v3;
	_ =	sdelay $0x1  }
0x10b: {  	v3 =	vadd.f32 $1.000000000e+00, v3;
	_ =	sdelay $0x1  }
0x10c: {  	v2 =	vmul.f32 v3, v2;
	_ =	sdelay $0x1  }
0x10d: {  	v2 =	vmul.f32 $5.000000000e-01, v2;
	_ =	sdelay $0x1  }
0x10e: {  	v2 =	vsub.f32 $5.000000000e-01, v2  }
0x10f: {  	vm13 =	vlt.f32 v1, $5.000000000e-01  }
0x110: {  	v1 =	vnsel vm13, $0x0, v2  }
0x111: {  	[tilespmem:s13+$0xFFFFFFF0] =	vst v1;
	v1 =	vsel vm13, $0x1, v0  }
0x112: {  	[tilespmem:s14+$0xFFFFFFF0] =	vst v1  }
0x113: {  	v1 =	vld [tilespmem:s15+$0x0];
	_ =	sdelay $0x4  }
0x114: {  	v2 =	vmul.f32 $6.283185480e+00, v1;
	_ =	sdelay $0x1  }
0x115: {  	v2 =	vadd.f32 $-1.570796370e+00, v2;
	_ =	sdelay $0x1  }
0x116: {  	v3 =	vmul.f32 v2, v2;
	_ =	sdelay $0x1  }
0x117: {  	v62 =	vmul.f32 $2.755731880e-06, v3;
	_ =	sdelay $0x1  }
0x118: {  	v4 =	vadd.f32 $-1.984127010e-04, v62;
	_ =	sdelay $0x1  }
0x119: {  	v4 =	vmul.f32 v4, v3;
	_ =	sdelay $0x1  }
0x11a: {  	v4 =	vadd.f32 $8.333333770e-03, v4;
	_ =	sdelay $0x1  }
0x11b: {  	v4 =	vmul.f32 v4, v3;
	_ =	sdelay $0x1  }
0x11c: {  	v4 =	vadd.f32 $-1.666666720e-01, v4;
	_ =	sdelay $0x1  }
0x11d: {  	v3 =	vmul.f32 v4, v3;
	_ =	sdelay $0x1  }
0x11e: {  	v3 =	vadd.f32 $1.000000000e+00, v3;
	_ =	sdelay $0x1  }
0x11f: {  	v2 =	vmul.f32 v3, v2;
	_ =	sdelay $0x1  }
0x120: {  	v2 =	vmul.f32 $5.000000000e-01, v2;
	_ =	sdelay $0x1  }
0x121: {  	v2 =	vsub.f32 $5.000000000e-01, v2  }
0x122: {  	vm14 =	vlt.f32 v1, $5.000000000e-01  }
0x123: {  	v1 =	vnsel vm14, $0x0, v2  }
0x124: {  	[tilespmem:s13+$0x0] =	vst v1;
	v1 =	vsel vm14, $0x1, v0  }
0x125: {  	[tilespmem:s14+$0x0] =	vst v1  }
0x126: {  	v1 =	vld [tilespmem:s15+$0x10];
	_ =	sdelay $0x4  }
0x127: {  	v2 =	vmul.f32 $6.283185480e+00, v1;
	_ =	sdelay $0x1  }
0x128: {  	v2 =	vadd.f32 $-1.570796370e+00, v2;
	_ =	sdelay $0x1  }
0x129: {  	v3 =	vmul.f32 v2, v2;
	_ =	sdelay $0x1  }
0x12a: {  	v63 =	vmul.f32 $2.755731880e-06, v3;
	_ =	sdelay $0x1  }
0x12b: {  	v4 =	vadd.f32 $-1.984127010e-04, v63;
	_ =	sdelay $0x1  }
0x12c: {  	v4 =	vmul.f32 v4, v3;
	_ =	sdelay $0x1  }
0x12d: {  	v4 =	vadd.f32 $8.333333770e-03, v4;
	_ =	sdelay $0x1  }
0x12e: {  	v4 =	vmul.f32 v4, v3;
	_ =	sdelay $0x1  }
0x12f: {  	v4 =	vadd.f32 $-1.666666720e-01, v4;
	_ =	sdelay $0x1  }
0x130: {  	v3 =	vmul.f32 v4, v3;
	_ =	sdelay $0x1  }
0x131: {  	v3 =	vadd.f32 $1.000000000e+00, v3;
	_ =	sdelay $0x1  }
0x132: {  	v2 =	vmul.f32 v3, v2;
	_ =	sdelay $0x1  }
0x133: {  	v2 =	vmul.f32 $5.000000000e-01, v2;
	_ =	sdelay $0x1  }
0x134: {  	v2 =	vsub.f32 $5.000000000e-01, v2  }
0x135: {  	vm15 =	vlt.f32 v1, $5.000000000e-01  }
0x136: {  	v1 =	vnsel vm15, $0x0, v2  }
0x137: {  	s16 =	simm.s32 $0x3260;
	s15 =	simm.s32 $0x0;
	[tilespmem:s13+$0x10] =	vst v1;
	v1 =	vsel vm15, $0x1, v0  }
.LBB2_4:
0x138: {  	s15 =	sadd.s32 $0x4, s15;
	[tilespmem:s14+$0x10] =	vst v1;
	s14 =	sadd.s32 $0x40, s14;
	s13 =	sadd.s32 $0x40, s13  }
0x139: {  	v1 =	vld [tilespmem:s16+$0xFFFFFFE0];
	p0 =	slt.u32 s15, $0x9C;
	_ =	sdelay $0x4  }
0x13a: {  	v2 =	vmul.f32 $6.283185480e+00, v1;
	_ =	sdelay $0x1  }
0x13b: {  	v2 =	vadd.f32 $-1.570796370e+00, v2;
	_ =	sdelay $0x1  }
0x13c: {  	v3 =	vmul.f32 v2, v2;
	_ =	sdelay $0x1  }
0x13d: {  	v4 =	vmul.f32 $2.755731880e-06, v3;
	_ =	sdelay $0x1  }
0x13e: {  	v4 =	vadd.f32 $-1.984127010e-04, v4;
	_ =	sdelay $0x1  }
0x13f: {  	v4 =	vmul.f32 v4, v3;
	_ =	sdelay $0x1  }
0x140: {  	v4 =	vadd.f32 $8.333333770e-03, v4;
	_ =	sdelay $0x1  }
0x141: {  	v4 =	vmul.f32 v4, v3;
	_ =	sdelay $0x1  }
0x142: {  	v4 =	vadd.f32 $-1.666666720e-01, v4;
	_ =	sdelay $0x1  }
0x143: {  	v3 =	vmul.f32 v4, v3;
	_ =	sdelay $0x1  }
0x144: {  	v3 =	vadd.f32 $1.000000000e+00, v3;
	_ =	sdelay $0x1  }
0x145: {  	v2 =	vmul.f32 v3, v2;
	_ =	sdelay $0x1  }
0x146: {  	v2 =	vmul.f32 $5.000000000e-01, v2;
	_ =	sdelay $0x1  }
0x147: {  	v2 =	vsub.f32 $5.000000000e-01, v2  }
0x148: {  	vm0 =	vlt.f32 v1, $5.000000000e-01  }
0x149: {  	v1 =	vnsel vm0, $0x0, v2  }
0x14a: {  	[tilespmem:s13+$0xFFFFFFE0] =	vst v1;
	v1 =	vsel vm0, $0x1, v0  }
0x14b: {  	[tilespmem:s14+$0xFFFFFFE0] =	vst v1  }
0x14c: {  	v1 =	vld [tilespmem:s16+$0xFFFFFFF0];
	_ =	sdelay $0x4  }
0x14d: {  	v2 =	vmul.f32 $6.283185480e+00, v1;
	_ =	sdelay $0x1  }
0x14e: {  	v2 =	vadd.f32 $-1.570796370e+00, v2;
	_ =	sdelay $0x1  }
0x14f: {  	v3 =	vmul.f32 v2, v2;
	_ =	sdelay $0x1  }
0x150: {  	v4 =	vmul.f32 $2.755731880e-06, v3;
	_ =	sdelay $0x1  }
0x151: {  	v4 =	vadd.f32 $-1.984127010e-04, v4;
	_ =	sdelay $0x1  }
0x152: {  	v4 =	vmul.f32 v4, v3;
	_ =	sdelay $0x1  }
0x153: {  	v4 =	vadd.f32 $8.333333770e-03, v4;
	_ =	sdelay $0x1  }
0x154: {  	v4 =	vmul.f32 v4, v3;
	_ =	sdelay $0x1  }
0x155: {  	v4 =	vadd.f32 $-1.666666720e-01, v4;
	_ =	sdelay $0x1  }
0x156: {  	v3 =	vmul.f32 v4, v3;
	_ =	sdelay $0x1  }
0x157: {  	v3 =	vadd.f32 $1.000000000e+00, v3;
	_ =	sdelay $0x1  }
0x158: {  	v2 =	vmul.f32 v3, v2;
	_ =	sdelay $0x1  }
0x159: {  	v2 =	vmul.f32 $5.000000000e-01, v2;
	_ =	sdelay $0x1  }
0x15a: {  	v2 =	vsub.f32 $5.000000000e-01, v2  }
0x15b: {  	vm0 =	vlt.f32 v1, $5.000000000e-01  }
0x15c: {  	v1 =	vnsel vm0, $0x0, v2  }
0x15d: {  	[tilespmem:s13+$0xFFFFFFF0] =	vst v1;
	v1 =	vsel vm0, $0x1, v0  }
0x15e: {  	[tilespmem:s14+$0xFFFFFFF0] =	vst v1  }
0x15f: {  	v1 =	vld [tilespmem:s16+$0x0];
	_ =	sdelay $0x4  }
0x160: {  	v2 =	vmul.f32 $6.283185480e+00, v1;
	_ =	sdelay $0x1  }
0x161: {  	v2 =	vadd.f32 $-1.570796370e+00, v2;
	_ =	sdelay $0x1  }
0x162: {  	v3 =	vmul.f32 v2, v2;
	_ =	sdelay $0x1  }
0x163: {  	v4 =	vmul.f32 $2.755731880e-06, v3;
	_ =	sdelay $0x1  }
0x164: {  	v4 =	vadd.f32 $-1.984127010e-04, v4;
	_ =	sdelay $0x1  }
0x165: {  	v4 =	vmul.f32 v4, v3;
	_ =	sdelay $0x1  }
0x166: {  	v4 =	vadd.f32 $8.333333770e-03, v4;
	_ =	sdelay $0x1  }
0x167: {  	v4 =	vmul.f32 v4, v3;
	_ =	sdelay $0x1  }
0x168: {  	v4 =	vadd.f32 $-1.666666720e-01, v4;
	_ =	sdelay $0x1  }
0x169: {  	v3 =	vmul.f32 v4, v3;
	_ =	sdelay $0x1  }
0x16a: {  	v3 =	vadd.f32 $1.000000000e+00, v3;
	_ =	sdelay $0x1  }
0x16b: {  	v2 =	vmul.f32 v3, v2;
	_ =	sdelay $0x1  }
0x16c: {  	v2 =	vmul.f32 $5.000000000e-01, v2;
	_ =	sdelay $0x1  }
0x16d: {  	v2 =	vsub.f32 $5.000000000e-01, v2  }
0x16e: {  	vm0 =	vlt.f32 v1, $5.000000000e-01  }
0x16f: {  	v1 =	vnsel vm0, $0x0, v2  }
0x170: {  	[tilespmem:s13+$0x0] =	vst v1;
	v1 =	vsel vm0, $0x1, v0  }
0x171: {  	[tilespmem:s14+$0x0] =	vst v1  }
0x172: {  	v1 =	vld [tilespmem:s16+$0x10];
	_ =	sdelay $0x4  }
0x173: {  	v2 =	vmul.f32 $6.283185480e+00, v1;
	_ =	sdelay $0x1  }
0x174: {  	v2 =	vadd.f32 $-1.570796370e+00, v2;
	_ =	sdelay $0x1  }
0x175: {  	v3 =	vmul.f32 v2, v2;
	_ =	sdelay $0x1  }
0x176: {  	v4 =	vmul.f32 $2.755731880e-06, v3;
	_ =	sdelay $0x1  }
0x177: {  	v4 =	vadd.f32 $-1.984127010e-04, v4;
	_ =	sdelay $0x1  }
0x178: {  	v4 =	vmul.f32 v4, v3;
	_ =	sdelay $0x1  }
0x179: {  	v4 =	vadd.f32 $8.333333770e-03, v4;
	_ =	sdelay $0x1  }
0x17a: {  	v4 =	vmul.f32 v4, v3;
	_ =	sdelay $0x1  }
0x17b: {  	v4 =	vadd.f32 $-1.666666720e-01, v4;
	_ =	sdelay $0x1  }
0x17c: {  	v3 =	vmul.f32 v4, v3;
	_ =	sdelay $0x1  }
0x17d: {  	v3 =	vadd.f32 $1.000000000e+00, v3;
	_ =	sdelay $0x1  }
0x17e: {  	v2 =	vmul.f32 v3, v2;
	_ =	sdelay $0x1  }
0x17f: {  	v2 =	vmul.f32 $5.000000000e-01, v2  }
.Ltmp3:
0x180: {  	(pc) =	sbr.rel @p0 .LBB2_4-.Ltmp3, $4  }
0x181: {  	v2 =	vsub.f32 $5.000000000e-01, v2  }
0x182: {  	vm0 =	vlt.f32 v1, $5.000000000e-01  }
0x183: {  	v1 =	vnsel vm0, $0x0, v2  }
0x184: {  	s16 =	sadd.s32 $0x40, s16;
	[tilespmem:s13+$0x10] =	vst v1;
	v1 =	vsel vm0, $0x1, v0  }
0x185: {  	[tilespmem:s14+$0x10] =	vst v1;
	s13 =	rddreg [dreg:$0xd]  }
0x186: {  	[hbm4b:s13+s6] =	stream.linear.scatter [tilespmem:s28], [sflag:$0x5], $0xA00, $0x38;
	[tilespmem:$0x5000] =	vst v63  }
.Ltmp4:
0x187: {  	_ = 	snop;
	(pc) =	sbr.rel .LBB2_6-.Ltmp4, $4  }
0x188: {  	s22 =	rddreg [dreg:$0xe]  }
0x189: {  	[hbm4b:s22+s6] =	stream.linear.scatter [tilespmem:s9], [sflag:$0x5], $0xA00, $0x38;
	[tilespmem:$0x5000] =	vst v63  }
0x18a: {  	s23 =	rddreg [dreg:$0xf];
	s13 =	simm.s32 $0x1  }
0x18b: {  	[hbm4b:s23+s6] =	stream.linear.scatter [tilespmem:s10], [sflag:$0x5], $0xA00, $0x38;
	[tilespmem:$0x5000] =	vst v63  }
.LBB2_12:
0x18c: {  	s13 =	sadd.s32 $0x1, s13  }
0x18d: {  	p0 =	sne.s32 s13, $0x14  }
.Ltmp5:
0x18e: {  	_ = 	snop;
	(pc) =	sbr.rel @!p0 .LBB2_13-.Ltmp5, $1  }
0x18f: {  	_ =	sdelay $0x3  }
.LBB2_6:
0x190: {  	s15 =	sshll.u32 s13, $0x6  }
0x191: {  	s16 =	sor.u32 s15, s7  }
0x192: {  	s14 =	sor.u32 $0x20, s16  }
0x193: {  	p0 =	sgt.u32 s14, $0x4E1  }
0x194: {  	s17 =	simm.s32 @!p0 $0x5  }
0x195: {  	_ =	swait.ge @!p0 [sflag:s17], $0xA00  }
0x196: {  	[sflag:s17] =	ssyncset.done @!p0 $0x0  }
0x197: {  	[sflag:s17] =	ssyncadd.s32 @!p0 $0xFFFFF600  }
0x198: {  	_ =	swait.ge @!p0 [sflag:s17], $0xA00  }
0x199: {  	[sflag:s17] =	ssyncset.done @!p0 $0x0  }
0x19a: {  	[sflag:s17] =	ssyncadd.s32 @!p0 $0xFFFFF600  }
0x19b: {  	_ =	swait.ge @!p0 [sflag:s17], $0xA00  }
0x19c: {  	[sflag:s17] =	ssyncset.done @!p0 $0x0  }
0x19d: {  	[sflag:s17] =	ssyncadd.s32 @!p0 $0xFFFFF600;
	s17 =	simm.s32 @!p0 $0x6  }
0x19e: {  	_ =	swait.ge @!p0 [sflag:s17], $0xA00  }
0x19f: {  	s18 =	simm.s32 @!p0 $0x2800;
	[sflag:s17] =	ssyncset.done @!p0 $0x0  }
0x1a0: {  	s22 =	simm.s32 @!p0 $0x3200;
	[sflag:s17] =	ssyncadd.s32 @!p0 $0xFFFFF600;
	s17 =	simm.s32 @!p0 $0xA00  }
0x1a1: {  	[tilespmem:s22], [sflag:$0x4] =	stream.indirect.gather @!p0 [hbm4b:s0+s17], $0x1, s18, s17, $0xb8;
	[tilespmem:$0x5000] =	vst v63  }
0x1a2: {  	s17 =	sadd.s32 s19, s15  }
0x1a3: {  	p1 =	sgt.u32 s17, $0x4E1  }
0x1a4: {  	_ =	swait.ge [sflag:s29], $0xA00;
	s17 =	smul.u32 @!p1 $0x140, s17  }
0x1a5: {  	s23 =	simm.s32 $0xA20;
	[sflag:s29] =	ssyncset.done $0x0  }
0x1a6: {  	s18 =	simm.s32 @!p1 $0x0;
	[sflag:s29] =	ssyncadd.s32 $0xFFFFF600;
	s17 =	sadd.s32 @!p1 s2, s17  }
0x1a7: {  	[tilespmem:s18], [sflag:$0x3] =	stream.linear.gather @!p1 [hbm4b:s17+s18], $0xA00, $0x38;
	[tilespmem:$0x5000] =	vst v63  }
0x1a8: {  	v1 =	vld [tilespmem:s23+$0xFFFFFFE0];
	_ =	sdelay $0x4  }
0x1a9: {  	v2 =	vmul.f32 $6.283185480e+00, v1;
	_ =	sdelay $0x1  }
0x1aa: {  	v2 =	vadd.f32 $-1.570796370e+00, v2;
	_ =	sdelay $0x1  }
0x1ab: {  	v3 =	vmul.f32 v2, v2;
	_ =	sdelay $0x1  }
0x1ac: {  	v4 =	vmul.f32 $2.755731880e-06, v3;
	_ =	sdelay $0x1  }
0x1ad: {  	v4 =	vadd.f32 $-1.984127010e-04, v4;
	_ =	sdelay $0x1  }
0x1ae: {  	v4 =	vmul.f32 v4, v3;
	_ =	sdelay $0x1  }
0x1af: {  	v4 =	vadd.f32 $8.333333770e-03, v4;
	_ =	sdelay $0x1  }
0x1b0: {  	v4 =	vmul.f32 v4, v3;
	_ =	sdelay $0x1  }
0x1b1: {  	v4 =	vadd.f32 $-1.666666720e-01, v4;
	_ =	sdelay $0x1  }
0x1b2: {  	v3 =	vmul.f32 v4, v3;
	_ =	sdelay $0x1  }
0x1b3: {  	v3 =	vadd.f32 $1.000000000e+00, v3;
	_ =	sdelay $0x1  }
0x1b4: {  	v2 =	vmul.f32 v3, v2;
	_ =	sdelay $0x1  }
0x1b5: {  	v2 =	vmul.f32 $5.000000000e-01, v2;
	_ =	sdelay $0x1  }
0x1b6: {  	v2 =	vsub.f32 $5.000000000e-01, v2  }
0x1b7: {  	vm0 =	vlt.f32 v1, $5.000000000e-01  }
0x1b8: {  	s18 =	simm.s32 $0x1420;
	v1 =	vnsel vm0, $0x0, v2  }
0x1b9: {  	s17 =	simm.s32 $0x1E20;
	[tilespmem:s18+$0xFFFFFFE0] =	vst v1;
	v1 =	vsel vm0, $0x1, v0  }
0x1ba: {  	[tilespmem:s17+$0xFFFFFFE0] =	vst v1  }
0x1bb: {  	v1 =	vld [tilespmem:s23+$0xFFFFFFF0];
	_ =	sdelay $0x4  }
0x1bc: {  	v2 =	vmul.f32 $6.283185480e+00, v1;
	_ =	sdelay $0x1  }
0x1bd: {  	v2 =	vadd.f32 $-1.570796370e+00, v2;
	_ =	sdelay $0x1  }
0x1be: {  	v3 =	vmul.f32 v2, v2;
	_ =	sdelay $0x1  }
0x1bf: {  	v61 =	vmul.f32 $2.755731880e-06, v3;
	_ =	sdelay $0x1  }
0x1c0: {  	v4 =	vadd.f32 $-1.984127010e-04, v61;
	_ =	sdelay $0x1  }
0x1c1: {  	v4 =	vmul.f32 v4, v3;
	_ =	sdelay $0x1  }
0x1c2: {  	v4 =	vadd.f32 $8.333333770e-03, v4;
	_ =	sdelay $0x1  }
0x1c3: {  	v4 =	vmul.f32 v4, v3;
	_ =	sdelay $0x1  }
0x1c4: {  	v4 =	vadd.f32 $-1.666666720e-01, v4;
	_ =	sdelay $0x1  }
0x1c5: {  	v3 =	vmul.f32 v4, v3;
	_ =	sdelay $0x1  }
0x1c6: {  	v3 =	vadd.f32 $1.000000000e+00, v3;
	_ =	sdelay $0x1  }
0x1c7: {  	v2 =	vmul.f32 v3, v2;
	_ =	sdelay $0x1  }
0x1c8: {  	v2 =	vmul.f32 $5.000000000e-01, v2;
	_ =	sdelay $0x1  }
0x1c9: {  	v2 =	vsub.f32 $5.000000000e-01, v2  }
0x1ca: {  	vm13 =	vlt.f32 v1, $5.000000000e-01  }
0x1cb: {  	v1 =	vnsel vm13, $0x0, v2  }
0x1cc: {  	[tilespmem:s18+$0xFFFFFFF0] =	vst v1;
	v1 =	vsel vm13, $0x1, v0  }
0x1cd: {  	[tilespmem:s17+$0xFFFFFFF0] =	vst v1  }
0x1ce: {  	v1 =	vld [tilespmem:s23+$0x0];
	_ =	sdelay $0x4  }
0x1cf: {  	v2 =	vmul.f32 $6.283185480e+00, v1;
	_ =	sdelay $0x1  }
0x1d0: {  	v2 =	vadd.f32 $-1.570796370e+00, v2;
	_ =	sdelay $0x1  }
0x1d1: {  	v3 =	vmul.f32 v2, v2;
	_ =	sdelay $0x1  }
0x1d2: {  	v62 =	vmul.f32 $2.755731880e-06, v3;
	_ =	sdelay $0x1  }
0x1d3: {  	v4 =	vadd.f32 $-1.984127010e-04, v62;
	_ =	sdelay $0x1  }
0x1d4: {  	v4 =	vmul.f32 v4, v3;
	_ =	sdelay $0x1  }
0x1d5: {  	v4 =	vadd.f32 $8.333333770e-03, v4;
	_ =	sdelay $0x1  }
0x1d6: {  	v4 =	vmul.f32 v4, v3;
	_ =	sdelay $0x1  }
0x1d7: {  	v4 =	vadd.f32 $-1.666666720e-01, v4;
	_ =	sdelay $0x1  }
0x1d8: {  	v3 =	vmul.f32 v4, v3;
	_ =	sdelay $0x1  }
0x1d9: {  	v3 =	vadd.f32 $1.000000000e+00, v3;
	_ =	sdelay $0x1  }
0x1da: {  	v2 =	vmul.f32 v3, v2;
	_ =	sdelay $0x1  }
0x1db: {  	v2 =	vmul.f32 $5.000000000e-01, v2;
	_ =	sdelay $0x1  }
0x1dc: {  	v2 =	vsub.f32 $5.000000000e-01, v2  }
0x1dd: {  	vm14 =	vlt.f32 v1, $5.000000000e-01  }
0x1de: {  	v1 =	vnsel vm14, $0x0, v2  }
0x1df: {  	[tilespmem:s18+$0x0] =	vst v1;
	v1 =	vsel vm14, $0x1, v0  }
0x1e0: {  	[tilespmem:s17+$0x0] =	vst v1  }
0x1e1: {  	v1 =	vld [tilespmem:s23+$0x10];
	_ =	sdelay $0x4  }
0x1e2: {  	v2 =	vmul.f32 $6.283185480e+00, v1;
	_ =	sdelay $0x1  }
0x1e3: {  	v2 =	vadd.f32 $-1.570796370e+00, v2;
	_ =	sdelay $0x1  }
0x1e4: {  	v3 =	vmul.f32 v2, v2;
	_ =	sdelay $0x1  }
0x1e5: {  	v63 =	vmul.f32 $2.755731880e-06, v3;
	_ =	sdelay $0x1  }
0x1e6: {  	v4 =	vadd.f32 $-1.984127010e-04, v63;
	_ =	sdelay $0x1  }
0x1e7: {  	v4 =	vmul.f32 v4, v3;
	_ =	sdelay $0x1  }
0x1e8: {  	v4 =	vadd.f32 $8.333333770e-03, v4;
	_ =	sdelay $0x1  }
0x1e9: {  	v4 =	vmul.f32 v4, v3;
	_ =	sdelay $0x1  }
0x1ea: {  	v4 =	vadd.f32 $-1.666666720e-01, v4;
	_ =	sdelay $0x1  }
0x1eb: {  	v3 =	vmul.f32 v4, v3;
	_ =	sdelay $0x1  }
0x1ec: {  	v3 =	vadd.f32 $1.000000000e+00, v3;
	_ =	sdelay $0x1  }
0x1ed: {  	v2 =	vmul.f32 v3, v2;
	_ =	sdelay $0x1  }
0x1ee: {  	v2 =	vmul.f32 $5.000000000e-01, v2;
	_ =	sdelay $0x1  }
0x1ef: {  	v2 =	vsub.f32 $5.000000000e-01, v2  }
0x1f0: {  	vm15 =	vlt.f32 v1, $5.000000000e-01  }
0x1f1: {  	v1 =	vnsel vm15, $0x0, v2  }
0x1f2: {  	s22 =	simm.s32 $0x0;
	s23 =	simm.s32 $0xA60;
	[tilespmem:s18+$0x10] =	vst v1;
	v1 =	vsel vm15, $0x1, v0  }
.LBB2_7:
0x1f3: {  	s22 =	sadd.s32 $0x4, s22;
	[tilespmem:s17+$0x10] =	vst v1;
	s17 =	sadd.s32 $0x40, s17;
	s18 =	sadd.s32 $0x40, s18  }
0x1f4: {  	v1 =	vld [tilespmem:s23+$0xFFFFFFE0];
	p1 =	slt.u32 s22, $0x9C;
	_ =	sdelay $0x4  }
0x1f5: {  	v2 =	vmul.f32 $6.283185480e+00, v1;
	_ =	sdelay $0x1  }
0x1f6: {  	v2 =	vadd.f32 $-1.570796370e+00, v2;
	_ =	sdelay $0x1  }
0x1f7: {  	v3 =	vmul.f32 v2, v2;
	_ =	sdelay $0x1  }
0x1f8: {  	v4 =	vmul.f32 $2.755731880e-06, v3;
	_ =	sdelay $0x1  }
0x1f9: {  	v4 =	vadd.f32 $-1.984127010e-04, v4;
	_ =	sdelay $0x1  }
0x1fa: {  	v4 =	vmul.f32 v4, v3;
	_ =	sdelay $0x1  }
0x1fb: {  	v4 =	vadd.f32 $8.333333770e-03, v4;
	_ =	sdelay $0x1  }
0x1fc: {  	v4 =	vmul.f32 v4, v3;
	_ =	sdelay $0x1  }
0x1fd: {  	v4 =	vadd.f32 $-1.666666720e-01, v4;
	_ =	sdelay $0x1  }
0x1fe: {  	v3 =	vmul.f32 v4, v3;
	_ =	sdelay $0x1  }
0x1ff: {  	v3 =	vadd.f32 $1.000000000e+00, v3;
	_ =	sdelay $0x1  }
0x200: {  	v2 =	vmul.f32 v3, v2;
	_ =	sdelay $0x1  }
0x201: {  	v2 =	vmul.f32 $5.000000000e-01, v2;
	_ =	sdelay $0x1  }
0x202: {  	v2 =	vsub.f32 $5.000000000e-01, v2  }
0x203: {  	vm0 =	vlt.f32 v1, $5.000000000e-01  }
0x204: {  	v1 =	vnsel vm0, $0x0, v2  }
0x205: {  	[tilespmem:s18+$0xFFFFFFE0] =	vst v1;
	v1 =	vsel vm0, $0x1, v0  }
0x206: {  	[tilespmem:s17+$0xFFFFFFE0] =	vst v1  }
0x207: {  	v1 =	vld [tilespmem:s23+$0xFFFFFFF0];
	_ =	sdelay $0x4  }
0x208: {  	v2 =	vmul.f32 $6.283185480e+00, v1;
	_ =	sdelay $0x1  }
0x209: {  	v2 =	vadd.f32 $-1.570796370e+00, v2;
	_ =	sdelay $0x1  }
0x20a: {  	v3 =	vmul.f32 v2, v2;
	_ =	sdelay $0x1  }
0x20b: {  	v4 =	vmul.f32 $2.755731880e-06, v3;
	_ =	sdelay $0x1  }
0x20c: {  	v4 =	vadd.f32 $-1.984127010e-04, v4;
	_ =	sdelay $0x1  }
0x20d: {  	v4 =	vmul.f32 v4, v3;
	_ =	sdelay $0x1  }
0x20e: {  	v4 =	vadd.f32 $8.333333770e-03, v4;
	_ =	sdelay $0x1  }
0x20f: {  	v4 =	vmul.f32 v4, v3;
	_ =	sdelay $0x1  }
0x210: {  	v4 =	vadd.f32 $-1.666666720e-01, v4;
	_ =	sdelay $0x1  }
0x211: {  	v3 =	vmul.f32 v4, v3;
	_ =	sdelay $0x1  }
0x212: {  	v3 =	vadd.f32 $1.000000000e+00, v3;
	_ =	sdelay $0x1  }
0x213: {  	v2 =	vmul.f32 v3, v2;
	_ =	sdelay $0x1  }
0x214: {  	v2 =	vmul.f32 $5.000000000e-01, v2;
	_ =	sdelay $0x1  }
0x215: {  	v2 =	vsub.f32 $5.000000000e-01, v2  }
0x216: {  	vm0 =	vlt.f32 v1, $5.000000000e-01  }
0x217: {  	v1 =	vnsel vm0, $0x0, v2  }
0x218: {  	[tilespmem:s18+$0xFFFFFFF0] =	vst v1;
	v1 =	vsel vm0, $0x1, v0  }
0x219: {  	[tilespmem:s17+$0xFFFFFFF0] =	vst v1  }
0x21a: {  	v1 =	vld [tilespmem:s23+$0x0];
	_ =	sdelay $0x4  }
0x21b: {  	v2 =	vmul.f32 $6.283185480e+00, v1;
	_ =	sdelay $0x1  }
0x21c: {  	v2 =	vadd.f32 $-1.570796370e+00, v2;
	_ =	sdelay $0x1  }
0x21d: {  	v3 =	vmul.f32 v2, v2;
	_ =	sdelay $0x1  }
0x21e: {  	v4 =	vmul.f32 $2.755731880e-06, v3;
	_ =	sdelay $0x1  }
0x21f: {  	v4 =	vadd.f32 $-1.984127010e-04, v4;
	_ =	sdelay $0x1  }
0x220: {  	v4 =	vmul.f32 v4, v3;
	_ =	sdelay $0x1  }
0x221: {  	v4 =	vadd.f32 $8.333333770e-03, v4;
	_ =	sdelay $0x1  }
0x222: {  	v4 =	vmul.f32 v4, v3;
	_ =	sdelay $0x1  }
0x223: {  	v4 =	vadd.f32 $-1.666666720e-01, v4;
	_ =	sdelay $0x1  }
0x224: {  	v3 =	vmul.f32 v4, v3;
	_ =	sdelay $0x1  }
0x225: {  	v3 =	vadd.f32 $1.000000000e+00, v3;
	_ =	sdelay $0x1  }
0x226: {  	v2 =	vmul.f32 v3, v2;
	_ =	sdelay $0x1  }
0x227: {  	v2 =	vmul.f32 $5.000000000e-01, v2;
	_ =	sdelay $0x1  }
0x228: {  	v2 =	vsub.f32 $5.000000000e-01, v2  }
0x229: {  	vm0 =	vlt.f32 v1, $5.000000000e-01  }
0x22a: {  	v1 =	vnsel vm0, $0x0, v2  }
0x22b: {  	[tilespmem:s18+$0x0] =	vst v1;
	v1 =	vsel vm0, $0x1, v0  }
0x22c: {  	[tilespmem:s17+$0x0] =	vst v1  }
0x22d: {  	v1 =	vld [tilespmem:s23+$0x10];
	_ =	sdelay $0x4  }
0x22e: {  	v2 =	vmul.f32 $6.283185480e+00, v1;
	_ =	sdelay $0x1  }
0x22f: {  	v2 =	vadd.f32 $-1.570796370e+00, v2;
	_ =	sdelay $0x1  }
0x230: {  	v3 =	vmul.f32 v2, v2;
	_ =	sdelay $0x1  }
0x231: {  	v4 =	vmul.f32 $2.755731880e-06, v3;
	_ =	sdelay $0x1  }
0x232: {  	v4 =	vadd.f32 $-1.984127010e-04, v4;
	_ =	sdelay $0x1  }
0x233: {  	v4 =	vmul.f32 v4, v3;
	_ =	sdelay $0x1  }
0x234: {  	v4 =	vadd.f32 $8.333333770e-03, v4;
	_ =	sdelay $0x1  }
0x235: {  	v4 =	vmul.f32 v4, v3;
	_ =	sdelay $0x1  }
0x236: {  	v4 =	vadd.f32 $-1.666666720e-01, v4;
	_ =	sdelay $0x1  }
0x237: {  	v3 =	vmul.f32 v4, v3;
	_ =	sdelay $0x1  }
0x238: {  	v3 =	vadd.f32 $1.000000000e+00, v3;
	_ =	sdelay $0x1  }
0x239: {  	v2 =	vmul.f32 v3, v2;
	_ =	sdelay $0x1  }
0x23a: {  	v2 =	vmul.f32 $5.000000000e-01, v2  }
.Ltmp6:
0x23b: {  	(pc) =	sbr.rel @p1 .LBB2_7-.Ltmp6, $4  }
0x23c: {  	v2 =	vsub.f32 $5.000000000e-01, v2  }
0x23d: {  	vm0 =	vlt.f32 v1, $5.000000000e-01  }
0x23e: {  	v1 =	vnsel vm0, $0x0, v2  }
0x23f: {  	s23 =	sadd.s32 $0x40, s23;
	[tilespmem:s18+$0x10] =	vst v1;
	v1 =	vsel vm0, $0x1, v0  }
0x240: {  	s16 =	smul.u32 $0x140, s16;
	_ =	sdelay $0x1  }
0x241: {  	[tilespmem:s17+$0x10] =	vst v1;
	s22 =	sadd.s32 s3, s16  }
0x242: {  	[hbm4b:s22+s6] =	stream.linear.scatter [tilespmem:s25], [sflag:$0x2], $0xA00, $0x38;
	[tilespmem:$0x5000] =	vst v63  }
0x243: {  	s23 =	sadd.s32 s5, s16  }
0x244: {  	[hbm4b:s23+s6] =	stream.linear.scatter [tilespmem:s30], [sflag:$0x2], $0xA00, $0x38;
	[tilespmem:$0x5000] =	vst v63  }
0x245: {  	p1 =	sge.u32 s15, s20;
	s16 =	sadd.s32 s8, s16  }
0x246: {  	[hbm4b:s16+s6] =	stream.linear.scatter [tilespmem:s31], [sflag:$0x2], $0xA00, $0x38;
	[tilespmem:$0x5000] =	vst v63  }
0x247: {  	s16 =	simm.s32 @!p1 $0x2  }
0x248: {  	_ =	swait.ge @!p1 [sflag:s16], $0xA00  }
0x249: {  	[sflag:s16] =	ssyncset.done @!p1 $0x0  }
0x24a: {  	[sflag:s16] =	ssyncadd.s32 @!p1 $0xFFFFF600  }
0x24b: {  	_ =	swait.ge @!p1 [sflag:s16], $0xA00  }
0x24c: {  	[sflag:s16] =	ssyncset.done @!p1 $0x0  }
0x24d: {  	[sflag:s16] =	ssyncadd.s32 @!p1 $0xFFFFF600  }
0x24e: {  	_ =	swait.ge @!p1 [sflag:s16], $0xA00  }
0x24f: {  	[sflag:s16] =	ssyncset.done @!p1 $0x0  }
.Ltmp7:
0x250: {  	[sflag:s16] =	ssyncadd.s32 @!p1 $0xFFFFF600;
	s16 =	simm.s32 @!p1 $0x3;
	(pc) =	sbr.rel @p0 .LBB2_12-.Ltmp7, $4  }
0x251: {  	_ =	swait.ge @!p1 [sflag:s16], $0xA00  }
0x252: {  	[sflag:s16] =	ssyncset.done @!p1 $0x0  }
0x253: {  	s17 =	simm.s32 @!p1 $0xA00;
	[sflag:s16] =	ssyncadd.s32 @!p1 $0xFFFFF600;
	s16 =	simm.s32 @!p1 $0x0  }
0x254: {  	[tilespmem:s17], [sflag:$0x1] =	stream.indirect.gather @!p1 [hbm4b:s0+s17], $0x1, s16, s17, $0xb8;
	[tilespmem:$0x5000] =	vst v63  }
0x255: {  	s15 =	sadd.s32 s21, s15  }
0x256: {  	_ =	swait.ge [sflag:s1], $0xA00;
	p0 =	sgt.u32 s15, $0x4E1  }
0x257: {  	[sflag:s1] =	ssyncset.done $0x0;
	s15 =	smul.u32 @!p0 $0x140, s15  }
0x258: {  	s23 =	simm.s32 $0x3220;
	[sflag:s1] =	ssyncadd.s32 $0xFFFFF600  }
0x259: {  	s16 =	simm.s32 @!p0 $0x0;
	s17 =	simm.s32 @!p0 $0x2800;
	s15 =	sadd.s32 @!p0 s2, s15  }
0x25a: {  	[tilespmem:s17], [sflag:$0x6] =	stream.linear.gather @!p0 [hbm4b:s15+s16], $0xA00, $0x38;
	[tilespmem:$0x5000] =	vst v63  }
0x25b: {  	v1 =	vld [tilespmem:s23+$0xFFFFFFE0];
	_ =	sdelay $0x4  }
0x25c: {  	v2 =	vmul.f32 $6.283185480e+00, v1;
	_ =	sdelay $0x1  }
0x25d: {  	v2 =	vadd.f32 $-1.570796370e+00, v2;
	_ =	sdelay $0x1  }
0x25e: {  	v3 =	vmul.f32 v2, v2;
	_ =	sdelay $0x1  }
0x25f: {  	v4 =	vmul.f32 $2.755731880e-06, v3;
	_ =	sdelay $0x1  }
0x260: {  	v4 =	vadd.f32 $-1.984127010e-04, v4;
	_ =	sdelay $0x1  }
0x261: {  	v4 =	vmul.f32 v4, v3;
	_ =	sdelay $0x1  }
0x262: {  	v4 =	vadd.f32 $8.333333770e-03, v4;
	_ =	sdelay $0x1  }
0x263: {  	v4 =	vmul.f32 v4, v3;
	_ =	sdelay $0x1  }
0x264: {  	v4 =	vadd.f32 $-1.666666720e-01, v4;
	_ =	sdelay $0x1  }
0x265: {  	v3 =	vmul.f32 v4, v3;
	_ =	sdelay $0x1  }
0x266: {  	v3 =	vadd.f32 $1.000000000e+00, v3;
	_ =	sdelay $0x1  }
0x267: {  	v2 =	vmul.f32 v3, v2;
	_ =	sdelay $0x1  }
0x268: {  	v2 =	vmul.f32 $5.000000000e-01, v2;
	_ =	sdelay $0x1  }
0x269: {  	v2 =	vsub.f32 $5.000000000e-01, v2  }
0x26a: {  	vm0 =	vlt.f32 v1, $5.000000000e-01  }
0x26b: {  	s16 =	simm.s32 $0x3C20;
	v1 =	vnsel vm0, $0x0, v2  }
0x26c: {  	s15 =	simm.s32 $0x4620;
	[tilespmem:s16+$0xFFFFFFE0] =	vst v1;
	v1 =	vsel vm0, $0x1, v0  }
0x26d: {  	[tilespmem:s15+$0xFFFFFFE0] =	vst v1  }
0x26e: {  	v1 =	vld [tilespmem:s23+$0xFFFFFFF0];
	_ =	sdelay $0x4  }
0x26f: {  	v2 =	vmul.f32 $6.283185480e+00, v1;
	_ =	sdelay $0x1  }
0x270: {  	v2 =	vadd.f32 $-1.570796370e+00, v2;
	_ =	sdelay $0x1  }
0x271: {  	v3 =	vmul.f32 v2, v2;
	_ =	sdelay $0x1  }
0x272: {  	v61 =	vmul.f32 $2.755731880e-06, v3;
	_ =	sdelay $0x1  }
0x273: {  	v4 =	vadd.f32 $-1.984127010e-04, v61;
	_ =	sdelay $0x1  }
0x274: {  	v4 =	vmul.f32 v4, v3;
	_ =	sdelay $0x1  }
0x275: {  	v4 =	vadd.f32 $8.333333770e-03, v4;
	_ =	sdelay $0x1  }
0x276: {  	v4 =	vmul.f32 v4, v3;
	_ =	sdelay $0x1  }
0x277: {  	v4 =	vadd.f32 $-1.666666720e-01, v4;
	_ =	sdelay $0x1  }
0x278: {  	v3 =	vmul.f32 v4, v3;
	_ =	sdelay $0x1  }
0x279: {  	v3 =	vadd.f32 $1.000000000e+00, v3;
	_ =	sdelay $0x1  }
0x27a: {  	v2 =	vmul.f32 v3, v2;
	_ =	sdelay $0x1  }
0x27b: {  	v2 =	vmul.f32 $5.000000000e-01, v2;
	_ =	sdelay $0x1  }
0x27c: {  	v2 =	vsub.f32 $5.000000000e-01, v2  }
0x27d: {  	vm13 =	vlt.f32 v1, $5.000000000e-01  }
0x27e: {  	v1 =	vnsel vm13, $0x0, v2  }
0x27f: {  	[tilespmem:s16+$0xFFFFFFF0] =	vst v1;
	v1 =	vsel vm13, $0x1, v0  }
0x280: {  	[tilespmem:s15+$0xFFFFFFF0] =	vst v1  }
0x281: {  	v1 =	vld [tilespmem:s23+$0x0];
	_ =	sdelay $0x4  }
0x282: {  	v2 =	vmul.f32 $6.283185480e+00, v1;
	_ =	sdelay $0x1  }
0x283: {  	v2 =	vadd.f32 $-1.570796370e+00, v2;
	_ =	sdelay $0x1  }
0x284: {  	v3 =	vmul.f32 v2, v2;
	_ =	sdelay $0x1  }
0x285: {  	v62 =	vmul.f32 $2.755731880e-06, v3;
	_ =	sdelay $0x1  }
0x286: {  	v4 =	vadd.f32 $-1.984127010e-04, v62;
	_ =	sdelay $0x1  }
0x287: {  	v4 =	vmul.f32 v4, v3;
	_ =	sdelay $0x1  }
0x288: {  	v4 =	vadd.f32 $8.333333770e-03, v4;
	_ =	sdelay $0x1  }
0x289: {  	v4 =	vmul.f32 v4, v3;
	_ =	sdelay $0x1  }
0x28a: {  	v4 =	vadd.f32 $-1.666666720e-01, v4;
	_ =	sdelay $0x1  }
0x28b: {  	v3 =	vmul.f32 v4, v3;
	_ =	sdelay $0x1  }
0x28c: {  	v3 =	vadd.f32 $1.000000000e+00, v3;
	_ =	sdelay $0x1  }
0x28d: {  	v2 =	vmul.f32 v3, v2;
	_ =	sdelay $0x1  }
0x28e: {  	v2 =	vmul.f32 $5.000000000e-01, v2;
	_ =	sdelay $0x1  }
0x28f: {  	v2 =	vsub.f32 $5.000000000e-01, v2  }
0x290: {  	vm14 =	vlt.f32 v1, $5.000000000e-01  }
0x291: {  	v1 =	vnsel vm14, $0x0, v2  }
0x292: {  	[tilespmem:s16+$0x0] =	vst v1;
	v1 =	vsel vm14, $0x1, v0  }
0x293: {  	[tilespmem:s15+$0x0] =	vst v1  }
0x294: {  	v1 =	vld [tilespmem:s23+$0x10];
	_ =	sdelay $0x4  }
0x295: {  	v2 =	vmul.f32 $6.283185480e+00, v1;
	_ =	sdelay $0x1  }
0x296: {  	v2 =	vadd.f32 $-1.570796370e+00, v2;
	_ =	sdelay $0x1  }
0x297: {  	v3 =	vmul.f32 v2, v2;
	_ =	sdelay $0x1  }
0x298: {  	v63 =	vmul.f32 $2.755731880e-06, v3;
	_ =	sdelay $0x1  }
0x299: {  	v4 =	vadd.f32 $-1.984127010e-04, v63;
	_ =	sdelay $0x1  }
0x29a: {  	v4 =	vmul.f32 v4, v3;
	_ =	sdelay $0x1  }
0x29b: {  	v4 =	vadd.f32 $8.333333770e-03, v4;
	_ =	sdelay $0x1  }
0x29c: {  	v4 =	vmul.f32 v4, v3;
	_ =	sdelay $0x1  }
0x29d: {  	v4 =	vadd.f32 $-1.666666720e-01, v4;
	_ =	sdelay $0x1  }
0x29e: {  	v3 =	vmul.f32 v4, v3;
	_ =	sdelay $0x1  }
0x29f: {  	v3 =	vadd.f32 $1.000000000e+00, v3;
	_ =	sdelay $0x1  }
0x2a0: {  	v2 =	vmul.f32 v3, v2;
	_ =	sdelay $0x1  }
0x2a1: {  	v2 =	vmul.f32 $5.000000000e-01, v2;
	_ =	sdelay $0x1  }
0x2a2: {  	v2 =	vsub.f32 $5.000000000e-01, v2  }
0x2a3: {  	vm15 =	vlt.f32 v1, $5.000000000e-01  }
0x2a4: {  	v1 =	vnsel vm15, $0x0, v2  }
0x2a5: {  	s18 =	simm.s32 $0x3260;
	s17 =	simm.s32 $0x0;
	[tilespmem:s16+$0x10] =	vst v1;
	v1 =	vsel vm15, $0x1, v0  }
.LBB2_10:
0x2a6: {  	s17 =	sadd.s32 $0x4, s17;
	[tilespmem:s15+$0x10] =	vst v1;
	s15 =	sadd.s32 $0x40, s15;
	s16 =	sadd.s32 $0x40, s16  }
0x2a7: {  	v1 =	vld [tilespmem:s18+$0xFFFFFFE0];
	p0 =	slt.u32 s17, $0x9C;
	_ =	sdelay $0x4  }
0x2a8: {  	v2 =	vmul.f32 $6.283185480e+00, v1;
	_ =	sdelay $0x1  }
0x2a9: {  	v2 =	vadd.f32 $-1.570796370e+00, v2;
	_ =	sdelay $0x1  }
0x2aa: {  	v3 =	vmul.f32 v2, v2;
	_ =	sdelay $0x1  }
0x2ab: {  	v4 =	vmul.f32 $2.755731880e-06, v3;
	_ =	sdelay $0x1  }
0x2ac: {  	v4 =	vadd.f32 $-1.984127010e-04, v4;
	_ =	sdelay $0x1  }
0x2ad: {  	v4 =	vmul.f32 v4, v3;
	_ =	sdelay $0x1  }
0x2ae: {  	v4 =	vadd.f32 $8.333333770e-03, v4;
	_ =	sdelay $0x1  }
0x2af: {  	v4 =	vmul.f32 v4, v3;
	_ =	sdelay $0x1  }
0x2b0: {  	v4 =	vadd.f32 $-1.666666720e-01, v4;
	_ =	sdelay $0x1  }
0x2b1: {  	v3 =	vmul.f32 v4, v3;
	_ =	sdelay $0x1  }
0x2b2: {  	v3 =	vadd.f32 $1.000000000e+00, v3;
	_ =	sdelay $0x1  }
0x2b3: {  	v2 =	vmul.f32 v3, v2;
	_ =	sdelay $0x1  }
0x2b4: {  	v2 =	vmul.f32 $5.000000000e-01, v2;
	_ =	sdelay $0x1  }
0x2b5: {  	v2 =	vsub.f32 $5.000000000e-01, v2  }
0x2b6: {  	vm0 =	vlt.f32 v1, $5.000000000e-01  }
0x2b7: {  	v1 =	vnsel vm0, $0x0, v2  }
0x2b8: {  	[tilespmem:s16+$0xFFFFFFE0] =	vst v1;
	v1 =	vsel vm0, $0x1, v0  }
0x2b9: {  	[tilespmem:s15+$0xFFFFFFE0] =	vst v1  }
0x2ba: {  	v1 =	vld [tilespmem:s18+$0xFFFFFFF0];
	_ =	sdelay $0x4  }
0x2bb: {  	v2 =	vmul.f32 $6.283185480e+00, v1;
	_ =	sdelay $0x1  }
0x2bc: {  	v2 =	vadd.f32 $-1.570796370e+00, v2;
	_ =	sdelay $0x1  }
0x2bd: {  	v3 =	vmul.f32 v2, v2;
	_ =	sdelay $0x1  }
0x2be: {  	v4 =	vmul.f32 $2.755731880e-06, v3;
	_ =	sdelay $0x1  }
0x2bf: {  	v4 =	vadd.f32 $-1.984127010e-04, v4;
	_ =	sdelay $0x1  }
0x2c0: {  	v4 =	vmul.f32 v4, v3;
	_ =	sdelay $0x1  }
0x2c1: {  	v4 =	vadd.f32 $8.333333770e-03, v4;
	_ =	sdelay $0x1  }
0x2c2: {  	v4 =	vmul.f32 v4, v3;
	_ =	sdelay $0x1  }
0x2c3: {  	v4 =	vadd.f32 $-1.666666720e-01, v4;
	_ =	sdelay $0x1  }
0x2c4: {  	v3 =	vmul.f32 v4, v3;
	_ =	sdelay $0x1  }
0x2c5: {  	v3 =	vadd.f32 $1.000000000e+00, v3;
	_ =	sdelay $0x1  }
0x2c6: {  	v2 =	vmul.f32 v3, v2;
	_ =	sdelay $0x1  }
0x2c7: {  	v2 =	vmul.f32 $5.000000000e-01, v2;
	_ =	sdelay $0x1  }
0x2c8: {  	v2 =	vsub.f32 $5.000000000e-01, v2  }
0x2c9: {  	vm0 =	vlt.f32 v1, $5.000000000e-01  }
0x2ca: {  	v1 =	vnsel vm0, $0x0, v2  }
0x2cb: {  	[tilespmem:s16+$0xFFFFFFF0] =	vst v1;
	v1 =	vsel vm0, $0x1, v0  }
0x2cc: {  	[tilespmem:s15+$0xFFFFFFF0] =	vst v1  }
0x2cd: {  	v1 =	vld [tilespmem:s18+$0x0];
	_ =	sdelay $0x4  }
0x2ce: {  	v2 =	vmul.f32 $6.283185480e+00, v1;
	_ =	sdelay $0x1  }
0x2cf: {  	v2 =	vadd.f32 $-1.570796370e+00, v2;
	_ =	sdelay $0x1  }
0x2d0: {  	v3 =	vmul.f32 v2, v2;
	_ =	sdelay $0x1  }
0x2d1: {  	v4 =	vmul.f32 $2.755731880e-06, v3;
	_ =	sdelay $0x1  }
0x2d2: {  	v4 =	vadd.f32 $-1.984127010e-04, v4;
	_ =	sdelay $0x1  }
0x2d3: {  	v4 =	vmul.f32 v4, v3;
	_ =	sdelay $0x1  }
0x2d4: {  	v4 =	vadd.f32 $8.333333770e-03, v4;
	_ =	sdelay $0x1  }
0x2d5: {  	v4 =	vmul.f32 v4, v3;
	_ =	sdelay $0x1  }
0x2d6: {  	v4 =	vadd.f32 $-1.666666720e-01, v4;
	_ =	sdelay $0x1  }
0x2d7: {  	v3 =	vmul.f32 v4, v3;
	_ =	sdelay $0x1  }
0x2d8: {  	v3 =	vadd.f32 $1.000000000e+00, v3;
	_ =	sdelay $0x1  }
0x2d9: {  	v2 =	vmul.f32 v3, v2;
	_ =	sdelay $0x1  }
0x2da: {  	v2 =	vmul.f32 $5.000000000e-01, v2;
	_ =	sdelay $0x1  }
0x2db: {  	v2 =	vsub.f32 $5.000000000e-01, v2  }
0x2dc: {  	vm0 =	vlt.f32 v1, $5.000000000e-01  }
0x2dd: {  	v1 =	vnsel vm0, $0x0, v2  }
0x2de: {  	[tilespmem:s16+$0x0] =	vst v1;
	v1 =	vsel vm0, $0x1, v0  }
0x2df: {  	[tilespmem:s15+$0x0] =	vst v1  }
0x2e0: {  	v1 =	vld [tilespmem:s18+$0x10];
	_ =	sdelay $0x4  }
0x2e1: {  	v2 =	vmul.f32 $6.283185480e+00, v1;
	_ =	sdelay $0x1  }
0x2e2: {  	v2 =	vadd.f32 $-1.570796370e+00, v2;
	_ =	sdelay $0x1  }
0x2e3: {  	v3 =	vmul.f32 v2, v2;
	_ =	sdelay $0x1  }
0x2e4: {  	v4 =	vmul.f32 $2.755731880e-06, v3;
	_ =	sdelay $0x1  }
0x2e5: {  	v4 =	vadd.f32 $-1.984127010e-04, v4;
	_ =	sdelay $0x1  }
0x2e6: {  	v4 =	vmul.f32 v4, v3;
	_ =	sdelay $0x1  }
0x2e7: {  	v4 =	vadd.f32 $8.333333770e-03, v4;
	_ =	sdelay $0x1  }
0x2e8: {  	v4 =	vmul.f32 v4, v3;
	_ =	sdelay $0x1  }
0x2e9: {  	v4 =	vadd.f32 $-1.666666720e-01, v4;
	_ =	sdelay $0x1  }
0x2ea: {  	v3 =	vmul.f32 v4, v3;
	_ =	sdelay $0x1  }
0x2eb: {  	v3 =	vadd.f32 $1.000000000e+00, v3;
	_ =	sdelay $0x1  }
0x2ec: {  	v2 =	vmul.f32 v3, v2;
	_ =	sdelay $0x1  }
0x2ed: {  	v2 =	vmul.f32 $5.000000000e-01, v2  }
.Ltmp8:
0x2ee: {  	(pc) =	sbr.rel @p0 .LBB2_10-.Ltmp8, $4  }
0x2ef: {  	v2 =	vsub.f32 $5.000000000e-01, v2  }
0x2f0: {  	vm0 =	vlt.f32 v1, $5.000000000e-01  }
0x2f1: {  	v1 =	vnsel vm0, $0x0, v2  }
0x2f2: {  	s18 =	sadd.s32 $0x40, s18;
	[tilespmem:s16+$0x10] =	vst v1;
	v1 =	vsel vm0, $0x1, v0  }
0x2f3: {  	s14 =	smul.u32 $0x140, s14;
	_ =	sdelay $0x1  }
0x2f4: {  	[tilespmem:s15+$0x10] =	vst v1;
	s22 =	sadd.s32 s3, s14  }
0x2f5: {  	[hbm4b:s22+s6] =	stream.linear.scatter [tilespmem:s28], [sflag:$0x5], $0xA00, $0x38;
	[tilespmem:$0x5000] =	vst v63  }
.Ltmp9:
0x2f6: {  	_ = 	snop;
	(pc) =	sbr.rel .LBB2_12-.Ltmp9, $4  }
0x2f7: {  	s23 =	sadd.s32 s5, s14  }
0x2f8: {  	[hbm4b:s23+s6] =	stream.linear.scatter [tilespmem:s9], [sflag:$0x5], $0xA00, $0x38;
	[tilespmem:$0x5000] =	vst v63  }
0x2f9: {  	s14 =	sadd.s32 s8, s14  }
0x2fa: {  	[hbm4b:s14+s6] =	stream.linear.scatter [tilespmem:s10], [sflag:$0x5], $0xA00, $0x38;
	[tilespmem:$0x5000] =	vst v63  }
.LBB2_14:
0x2fb: {  	_ =	sfence.sel $0x180000  }
0x2fc: {  	[bflag:$0x0] =	sbarrier.arrive $0xFFFF  }
0x2fd: {  	_ =	strace $0x90000047  }
0x2fe: {  	s0 =	stileid.u32;
	[bflag:$0x2] =	sbarrier.arrive $0xFFFF  }
0x2ff: {  	p0 =	sne.s32 s0, $0x0;
	s0 =	rddreg [dreg:$0x5]  }
0x300: {  	s0 =	sadd.s32 @!p0 $0x100000, s0  }
0x301: {  	[sflag:s0] =	ssyncadd.tile.s32 @!p0 $0x1;
	_ =	shalt  }
.Lfunc_end2:
_tile_overlayer_lowered:
.L_overlay_start_2:
0x302: {  	(tag) =	ssettag $0x2  }
0x303: {  	s0 =	rddreg [dreg:$0x0];
	s2 =	stileid.u32  }
0x304: {  	s1 =	rddreg [dreg:$0x1];
	p0 =	sne.s32 s2, $0x0  }
0x305: {  	s3 =	rddreg [dreg:$0x2];
	[bflag:$0x3] =	sbarrier.arrive $0xFFFF;
	s2 =	simm.s32 @!p0 $0x1C07  }
0x306: {  	[timem:s3], [sflag:s2] =	dma.local @!p0 [hbm:s0], s1  }
0x307: {  	s0 =	simm.s32 @!p0 $0x7  }
0x308: {  	_ =	swait.ge @!p0 [sflag:s0], s1  }
0x309: {  	s1 =	ssub.s32 @!p0 $0x0, s1;
	[sflag:s0] =	ssyncset.done @!p0 $0x0  }
0x30a: {  	[sflag:s0] =	ssyncadd.s32 @!p0 s1  }
0x30b: {  	[bflag:$0x3] =	sbarrier.arrive $0xFFFF  }
0x30c: {  	_ =	shalt  }

// kernel: _run.7.cloned.1.call-start
scs
__scs_entry_jumppad:
0x0: {  	(pc) =	sbr.rel $0x88, $3  }
0x1: {  	(tag) =	ssettag $0x0;
	lr =	simm.s32 $0x1  }
0x2: {  	[smem:$0x3F9E] =	sst lr;
	_ =	strace $0xD0000000  }
0x3: {  	_ = 	snop  }
0x4: {  	_ = 	snop  }
0x5: {  	_ = 	snop  }
0x6: {  	_ = 	snop  }
0x7: {  	_ = 	snop  }
__scs_overlays_trampoline_lowered:
0x8: {  	[smem:$0x3FAD] =	sst s0  }
0x9: {  	[smem:$0x3FAE] =	sst s1  }
0xa: {  	[smem:$0x3FAF] =	sst s2  }
0xb: {  	[smem:$0x3FB0] =	sst s3  }
0xc: {  	[smem:$0x3FB1] =	sst s4  }
0xd: {  	[smem:$0x3FB2] =	sst s5  }
0xe: {  	[smem:$0x3FB3] =	sst s6  }
0xf: {  	[smem:$0x3FB4] =	sst s7  }
0x10: {  	[smem:$0x3FB5] =	sst s8  }
0x11: {  	[smem:$0x3FB6] =	sst s9;
	s0 =	simm.s32 @!p0 $0x0  }
0x12: {  	s1 =	sld [smem:$0x3F9C];
	s0 =	simm.s32 @p0 $0x1  }
0x13: {  	[smem:$0x3FB7] =	sst s0;
	s0 =	simm.s32 @!p1 $0x0  }
0x14: {  	s2 =	sld [smem:$0x3F9B];
	s0 =	simm.s32 @p1 $0x1  }
0x15: {  	[smem:$0x3FB8] =	sst s0;
	s0 =	simm.s32 @!p2 $0x0  }
0x16: {  	s3 =	sld [smem:$0x3FDB];
	s0 =	simm.s32 @p2 $0x1  }
0x17: {  	s4 =	simm.s32 $0x1BF5;
	[smem:$0x3FBA] =	sst s0  }
0x18: {  	s0 =	sld [smem:$0x3F9D];
	_ =	swait.ge [sflag:s4], $0x0  }
0x19: {  	s7 =	sld [smem:$0x3F9E]  }
0x1a: {  	s8 =	sadd.s32 $0xFFFFE003, lr  }
0x1b: {  	s9 =	sadd.s32 $0xFFFFFEF7, lr;
	s5 =	simm.s32 $0xFFFFFFFF;
	p2 =	slt.u32 s8, $0xFFFFF086  }
0x1c: {  	p1 =	slt.u32 s9, $0xF7A;
	s5 =	simm.s32 @!p2 $0x0  }
0x1d: {  	s5 =	simm.s32 @p1 $0x1;
	p0 =	seq.s32 s7, s2  }
0x1e: {  	s7 =	smul.u32 @!p0 $0xF7A, s2;
	p2 =	seq.s32 @!p0 s5, $0x0  }
0x1f: {  	s9 =	smul.u32 $0xF7A, s1;
	s8 =	simm.s32 @!p0 $0x1BF5;
	p2 =	por !p2, p0  }
0x20: {  	[sflag:s8] =	ssyncset.s32 @!p0 $0xFFFFF086;
	s6 =	sadd.s32 @!p0 s3, s7;
	s7 =	simm.s32 @!p0 $0x108  }
0x21: {  	s3 =	sadd.s32 s3, s9;
	s6 =	sadd.s32 @!p0 $0x88, s6;
	s7 =	simm.s32 @p2 $0x1082  }
0x22: {  	[simem:s7], [sflag:s8] =	dma.local @!p0 [hbm:s6], $0xF7A  }
0x23: {  	s9 =	sor.u32 $0xD0000000, s2;
	s6 =	simm.s32 $0x108;
	_ =	swait.ge @!p0 [sflag:s8], $0x0  }
0x24: {  	s3 =	sadd.s32 $0x88, s3;
	s6 =	simm.s32 @!p1 $0x1082;
	[sflag:s4] =	ssyncset.s32 $0xFFFFF086  }
0x25: {  	[simem:s6], [sflag:s4] =	dma.local [hbm:s3], $0xF7A  }
0x26: {  	[smem:$0x3F9E] =	sst s1;
	(tag) =	ssettag s2;
	_ =	strace s9  }
0x27: {  	s1 =	sld [smem:$0x3FAE]  }
0x28: {  	s2 =	sld [smem:$0x3FAF]  }
0x29: {  	s4 =	sld [smem:$0x3FB1]  }
0x2a: {  	p0 =	seq.s32 s5, $0x0;
	s5 =	sld [smem:$0x3FB2]  }
0x2b: {  	s6 =	sld [smem:$0x3FB3]  }
0x2c: {  	s7 =	sld [smem:$0x3FB4]  }
0x2d: {  	s3 =	simm.s32 $0x108;
	s8 =	sld [smem:$0x3FB5]  }
0x2e: {  	s3 =	simm.s32 @!p0 $0x1082;
	s9 =	sld [smem:$0x3FB6]  }
0x2f: {  	lr =	sadd.s32 s0, s3;
	s0 =	sld [smem:$0x3FAD]  }
0x30: {  	s3 =	sld [smem:$0x3FB0]  }
0x31: {  	[smem:$0x3FB9] =	sst s10  }
0x32: {  	s10 =	sld [smem:$0x3FB7];
	_ =	sdelay $0x3  }
0x33: {  	p0 =	seq.s32 s10, $0x1;
	s10 =	sld [smem:$0x3FB9];
	_ =	sdelay $0x3  }
0x34: {  	[smem:$0x3FB9] =	sst s10  }
0x35: {  	s10 =	sld [smem:$0x3FB8];
	_ =	sdelay $0x3  }
0x36: {  	p1 =	seq.s32 s10, $0x1;
	s10 =	sld [smem:$0x3FB9];
	_ =	sdelay $0x3  }
0x37: {  	[smem:$0x3FB9] =	sst s10  }
0x38: {  	s10 =	sld [smem:$0x3FBA]  }
0x39: {  	_ = 	snop;
	(pc) =	sbr.ind lr, $3  }
0x3a: {  	_ = 	snop  }
0x3b: {  	_ = 	snop  }
0x3c: {  	p2 =	seq.s32 s10, $0x1;
	s10 =	sld [smem:$0x3FB9]  }
0x3d: {  	_ =	shalt  }
0x3e: {  	_ =	shalt  }
0x3f: {  	_ =	shalt  }
0x40: {  	_ =	shalt  }
0x41: {  	_ =	shalt  }
0x42: {  	_ =	shalt  }
0x43: {  	_ =	shalt  }
0x44: {  	_ =	shalt  }
0x45: {  	_ =	shalt  }
0x46: {  	_ =	shalt  }
0x47: {  	_ =	shalt  }
0x48: {  	_ =	shalt  }
0x49: {  	_ =	shalt  }
0x4a: {  	_ =	shalt  }
0x4b: {  	_ =	shalt  }
0x4c: {  	_ =	shalt  }
0x4d: {  	_ =	shalt  }
0x4e: {  	_ =	shalt  }
0x4f: {  	_ =	shalt  }
0x50: {  	_ =	shalt  }
0x51: {  	_ =	shalt  }
0x52: {  	_ =	shalt  }
0x53: {  	_ =	shalt  }
0x54: {  	_ =	shalt  }
0x55: {  	_ =	shalt  }
0x56: {  	_ =	shalt  }
0x57: {  	_ =	shalt  }
0x58: {  	_ =	shalt  }
0x59: {  	_ =	shalt  }
0x5a: {  	_ =	shalt  }
0x5b: {  	_ =	shalt  }
0x5c: {  	_ =	shalt  }
0x5d: {  	_ =	shalt  }
0x5e: {  	_ =	shalt  }
0x5f: {  	_ =	shalt  }
0x60: {  	_ =	shalt  }
0x61: {  	_ =	shalt  }
0x62: {  	_ =	shalt  }
0x63: {  	_ =	shalt  }
0x64: {  	_ =	shalt  }
0x65: {  	_ =	shalt  }
0x66: {  	_ =	shalt  }
0x67: {  	_ =	shalt  }
0x68: {  	_ =	shalt  }
0x69: {  	_ =	shalt  }
0x6a: {  	_ =	shalt  }
0x6b: {  	_ =	shalt  }
0x6c: {  	_ =	shalt  }
0x6d: {  	_ =	shalt  }
0x6e: {  	_ =	shalt  }
0x6f: {  	_ =	shalt  }
0x70: {  	_ =	shalt  }
0x71: {  	_ =	shalt  }
0x72: {  	_ =	shalt  }
0x73: {  	_ =	shalt  }
0x74: {  	_ =	shalt  }
0x75: {  	_ =	shalt  }
0x76: {  	_ =	shalt  }
0x77: {  	_ =	shalt  }
0x78: {  	_ =	shalt  }
0x79: {  	_ =	shalt  }
0x7a: {  	_ =	shalt  }
0x7b: {  	_ =	shalt  }
0x7c: {  	_ =	shalt  }
0x7d: {  	_ =	shalt  }
0x7e: {  	_ =	shalt  }
0x7f: {  	_ =	shalt  }
0x80: {  	_ =	shalt  }
0x81: {  	_ =	shalt  }
0x82: {  	_ =	shalt  }
0x83: {  	_ =	shalt  }
0x84: {  	_ =	shalt  }
0x85: {  	_ =	shalt  }
0x86: {  	_ =	shalt  }
0x87: {  	_ =	shalt  }
.Lfunc_end0:
.L_simem_size_0:
called_computation.1_lowered:
.L_overlay_start_0:
0x88: {  	s2 =	sld [smem:$0x3FD9]  }
0x89: {  	s3 =	sld [smem:$0x3FFE];
	_ =	sdelay $0x1  }
0x8a: {  	s1 =	srdreg.scid  }
0x8b: {  	s0 =	sand.u32 $0x1, s1  }
0x8c: {  	s15 =	sshll.u32 s0, $0xA;
	s2 =	sadd.s32 s3, s2  }
0x8d: {  	s2 =	sadd.s32 s2, s15  }
0x8e: {  	[smem:$0x3FC5] =	sst s2  }
0x8f: {  	_ = 	snop  }
0x90: {  	s16 =	sld [smem:$0x3FD0];
	_ =	sdelay $0x2  }
0x91: {  	s4 =	simm.s32 $0xB;
	s5 =	simm.s32 $0x10;
	s2 =	sld [smem:$0x3FC7]  }
0x92: {  	[smem:s5], [sflag:s4] =	dma.local [hbm:s16], $0x1  }
0x93: {  	_ =	swait.eq [sflag:s4], $0x1  }
0x94: {  	[sflag:s4] =	ssyncset.done $0x0  }
0x95: {  	[sflag:s4] =	ssyncadd.s32 $0xFFFFFFFF  }
0x96: {  	s17 =	sld [smem:$0x10];
	(tm) =	ssettm $0x1  }
0x97: {  	s18 =	sld [smem:$0x3FFB];
	_ =	sdelay $0x3  }
0x98: {  	_ =	strace s18  }
0x99: {  	s3 =	sld [smem:$0x3FFC];
	_ =	sdelay $0x3  }
0x9a: {  	_ =	strace s3  }
0x9b: {  	s3 =	sld [smem:$0x3FFD];
	_ =	sdelay $0x3  }
0x9c: {  	_ =	strace s3  }
0x9d: {  	_ =	strace $0x8FFFFFFF  }
0x9e: {  	s19 =	sld [smem:$0x3FDB];
	_ =	sdelay $0x1  }
0x9f: {  	s20 =	simm.s32 $_scs_section_size  }
0xa0: {  	s6 =	simm.s32 $_size__tile_overlayer_lowered;
	s7 =	simm.s32 $_tile_overlayer_lowered  }
0xa1: {  	s8 =	simm.s32 $0x1BFF;
	s21 =	sshll.u32 s7, $0x1;
	s5 =	sadd.s32 s20, s19  }
0xa2: {  	s22 =	simm.s32 $0x0;
	s6 =	sshll.u32 s6, $0x1;
	s7 =	sadd.s32 s21, s5  }
0xa3: {  	[timem:s22], [sflag:s8] =	dma.local [hbm:s7], s6  }
0xa4: {  	_ =	swait.ge [sflag:s8], s6  }
0xa5: {  	s6 =	ssub.s32 $0x0, s6;
	[sflag:s8] =	ssyncset.done $0x0  }
0xa6: {  	[sflag:s8] =	ssyncadd.s32 s6;
	_ =	sdelay $0x1  }
0xa7: {  	s23 =	simm.s32 $0x1B8B  }
0xa8: {  	_ =	swait.ge [sflag:s23], $0x1  }
0xa9: {  	[sflag:s23] =	ssyncset.done $0x0  }
0xaa: {  	[sflag:s23] =	ssyncadd.s32 $0xFFFFFFFF  }
0xab: {  	s6 =	sld [smem:$0x0]  }
0xac: {  	s7 =	sand.u32 $0xFFFFFFFE, s1  }
0xad: {  	p0 =	sne.s32 s1, s7  }
0xae: {  	s7 =	sshll.u32 @p0 s7, $0xE  }
0xaf: {  	s7 =	sadd.s32 @p0 $0x11B8D, s7;
	s8 =	sshll.u32 @p0 s6, $0x11  }
0xb0: {  	s7 =	sor.u32 @p0 s8, s7  }
0xb1: {  	[sflag:s7] =	ssyncadd.remote.s32 @p0 $0x1;
	_ =	sdelay $0x1  }
0xb2: {  	s7 =	simm.s32 @p0 $0x1B8D  }
0xb3: {  	_ =	swait.eq @p0 [sflag:s7], $0x1  }
0xb4: {  	[sflag:s7] =	ssyncadd.s32 @p0 $0xFFFFFFFF  }
0xb5: {  	s8 =	sshll.u32 @!p0 s1, $0xE  }
0xb6: {  	s8 =	sor.u32 @!p0 $0x4000, s8;
	s7 =	simm.s32 @!p0 $0x1B8D  }
0xb7: {  	s6 =	sshll.u32 @!p0 s6, $0x11;
	s8 =	sadd.s32 @!p0 $0x11B8D, s8;
	_ =	swait.eq @!p0 [sflag:s7], $0x1  }
0xb8: {  	s6 =	sor.u32 @!p0 s6, s8;
	[sflag:s7] =	ssyncadd.s32 @!p0 $0xFFFFFFFF  }
0xb9: {  	s25 =	simm.s32 $0x1B8E;
	s24 =	sld [smem:$0x3FFE];
	[sflag:s6] =	ssyncadd.remote.s32 @!p0 $0x1  }
0xba: {  	s26 =	simm.s32 $execute0_lowered;
	[smem:$0x3FD2] =	sst s25  }
0xbb: {  	s7 =	sshll.u32 s26, $0x1;
	_ =	strace $0x80000049;
	[dreg:$0x1] =	wrdreg $0xFFFFFFFF  }
0xbc: {  	s28 =	simm.s32 $_size_execute0_lowered;
	s5 =	sadd.s32 s5, s7;
	[dreg:$0x0] =	wrdreg $0x0  }
0xbd: {  	s7 =	sshll.u32 s28, $0x1;
	[dreg:$0x2] =	wrdreg s5  }
0xbe: {  	[dreg:$0x3] =	wrdreg s7  }
0xbf: {  	[dreg:$0x4] =	wrdreg $0xC0  }
0xc0: {  	_ =	task [dreg:s22], $0x5FFFF  }
0xc1: {  	[dreg:$0x1] =	wrdreg $0xFFFFFFFF  }
0xc2: {  	[dreg:$0x0] =	wrdreg $0x60  }
0xc3: {  	[dreg:$0x2] =	wrdreg s24  }
0xc4: {  	[dreg:$0x3] =	wrdreg s17  }
0xc5: {  	[dreg:$0x4] =	wrdreg s2  }
0xc6: {  	[dreg:$0x5] =	wrdreg $0xA  }
0xc7: {  	_ =	task.clear_ibuf [dreg:s22], $0x6FFFF;
	_ =	strace $0x90000049  }
0xc8: {  	s29 =	simm.s32 $0xA;
	_ =	strace $0x8000004B  }
0xc9: {  	_ =	swait.ge [sflag:s29], $0x1  }
0xca: {  	[sflag:s29] =	ssyncadd.s32 $0xFFFFFFFF  }
0xcb: {  	_ =	strace $0x9000004B  }
0xcc: {  	_ =	sfence  }
0xcd: {  	s30 =	sld [smem:$0x0];
	_ =	sdelay $0x2  }
0xce: {  	s31 =	sshll.u32 s1, $0xD;
	s1 =	sshrl.u32 s1, $0x2  }
0xcf: {  	s4 =	sand.u32 $0x4000, s31;
	s1 =	sadd.s32 s1, s30  }
0xd0: {  	s0 =	sor.u32 s4, s0;
	s1 =	sshll.u32 s1, $0x11  }
0xd1: {  	s0 =	sor.u32 s1, s0  }
0xd2: {  	s0 =	sadd.s32 $0x8F2B, s0  }
0xd3: {  	[sflag:s0] =	ssyncadd.remote.s32 $0x1  }
0xd4: {  	_ =	sfence.sel $0xFFFF  }
0xd5: {  	[dreg:$0x0] =	wrdreg $0xFFFFFFFF;
	(pc) =	sbr.abs _section_cstart, $3  }
0xd6: {  	[dreg:$0x1] =	wrdreg $0xFFFFFFFF  }
0xd7: {  	_ =	task.clear_ibuf [dreg:s22], $0x2FFFF;
	_ =	strace $0x9FFFFFFF  }
0xd8: {  	(tm) =	ssettm $0x7FFFFFFF  }
0xd9: {  	_ =	shalt  }
tec
execute0_lowered:
.L_overlay_start_1:
0x0: {  	(tag) =	ssettag $0x1  }
0x1: {  	s0 =	rddreg [dreg:$0x0]  }
0x2: {  	s1 =	rddreg [dreg:$0x1]  }
0x3: {  	s2 =	rddreg [dreg:$0x2];
	s4 =	srdreg.scid  }
0x4: {  	s3 =	simm.s32 $0x0;
	s7 =	sand.u32 $0x1, s4;
	s4 =	sadd.s32 $0x126400, s0  }
0x5: {  	[smem:$0x7FF] =	sst s3;
	s5 =	sadd.s32 $0x62E00, s0;
	s9 =	sadd.s32 $0x1E9A00, s0  }
0x6: {  	s15 =	stileid.u32;
	s12 =	sadd.s32 $0x24B600, s0;
	s0 =	sadd.s32 $0x2AD200, s0  }
0x7: {  	s8 =	sshll.u32 s15, $0x1;
	s25 =	smul.u32 $0x280, s15;
	_ =	strace $0x8000004A  }
0x8: {  	s6 =	sor.u32 s7, s8;
	s10 =	ssub.s32 $0x2, s7;
	s7 =	smul.u32 $0x140, s7  }
0x9: {  	s8 =	ssub.s32 $0x4A2, s8;
	s11 =	smul.u32 $0x140, s6;
	s13 =	sshrl.u32 s10, $0x1  }
0xa: {  	s14 =	smul.u32 $0xA00, s6;
	[dreg:$0x4] =	wrdreg s8;
	s29 =	sadd.s32 s25, s9  }
0xb: {  	s30 =	sadd.s32 s25, s12;
	s31 =	sadd.s32 s25, s2;
	s16 =	sadd.s32 s2, s11  }
0xc: {  	s10 =	ssub.s32 s10, s13;
	s19 =	sadd.s32 s9, s11;
	[dreg:$0x5] =	wrdreg s16  }
0xd: {  	s17 =	sadd.s32 $0x2800, s11;
	s20 =	sadd.s32 s12, s11;
	[dreg:$0x7] =	wrdreg s19  }
0xe: {  	s14 =	sshrl.u32 s14, $0x3;
	s11 =	sadd.s32 s0, s11;
	[dreg:$0x8] =	wrdreg s20  }
0xf: {  	s28 =	smax.u32 s10, $0x1;
	s18 =	sadd.s32 s2, s17;
	[dreg:$0x9] =	wrdreg s11  }
0x10: {  	s14 =	sadd.s32 s2, s14;
	s22 =	sadd.s32 s9, s17;
	[dreg:$0xf] =	wrdreg s28  }
0x11: {  	s23 =	sadd.s32 s12, s17;
	s24 =	sadd.s32 s0, s17;
	[dreg:$0x6] =	wrdreg s18  }
0x12: {  	s0 =	sadd.s32 s25, s0;
	s19 =	sadd.s32 s7, s30;
	[dreg:$0xb] =	wrdreg s22  }
0x13: {  	s25 =	simm.s32 $0x1400;
	s2 =	simm.s32 $0x2;
	[dreg:$0xc] =	wrdreg s23  }
0x14: {  	s9 =	simm.s32 $0x0;
	s21 =	sadd.s32 $0x5000, s14;
	[dreg:$0xd] =	wrdreg s24  }
0x15: {  	s26 =	sadd.s32 $0x7800, s14;
	s18 =	sadd.s32 s7, s29;
	s20 =	sadd.s32 s7, s0  }
0x16: {  	s24 =	simm.s32 $0xA00;
	s0 =	simm.s32 $0x1;
	[dreg:$0xa] =	wrdreg s21  }
0x17: {  	[dreg:$0xe] =	wrdreg s26;
	s21 =	sadd.s32 s7, s31;
	s26 =	simm.s32 $0x1E00  }
.LBB2_1:
0x18: {  	s7 =	rddreg [dreg:$0x5]  }
0x19: {  	[tilespmem:s3], [sflag:$0x3] =	stream.linear.gather [hbm4b:s7+s3], $0xA00, $0x38;
	[tilespmem:$0x5000] =	vst v63  }
0x1a: {  	s17 =	rddreg [dreg:$0x6];
	s8 =	simm.s32 $0x2800;
	s10 =	simm.s32 $0x3  }
0x1b: {  	[tilespmem:s8], [sflag:$0x6] =	stream.linear.gather [hbm4b:s17+s3], $0xA00, $0x38;
	[tilespmem:$0x5000] =	vst v63  }
0x1c: {  	_ =	swait.ge [sflag:s10], $0xA00  }
0x1d: {  	[sflag:s10] =	ssyncset.done $0x0  }
0x1e: {  	[sflag:s10] =	ssyncadd.s32 $0xFFFFF600  }
0x1f: {  	[tilespmem:s24], [sflag:$0x1] =	stream.indirect.gather [hbm4b:s4+s24], $0x1, s3, s24, $0xb8;
	[tilespmem:$0x5000] =	vst v63  }
0x20: {  	_ = 	snop  }
0x21: {  	[tilespmem:s25], [sflag:$0x1] =	stream.indirect.gather [hbm4b:s5+s24], $0x1, s3, s24, $0xb8;
	[tilespmem:$0x5000] =	vst v63  }
0x22: {  	s22 =	simm.s32 $0x6  }
0x23: {  	[tilespmem:s26], [sflag:$0x1] =	stream.indirect.gather [hbm4b:s1+s24], $0x1, s3, s24, $0xb8;
	[tilespmem:$0x5000] =	vst v63  }
0x24: {  	_ =	swait.ge [sflag:s22], $0xA00  }
0x25: {  	[sflag:s22] =	ssyncset.done $0x0  }
0x26: {  	s11 =	simm.s32 $0x3200;
	[sflag:s22] =	ssyncadd.s32 $0xFFFFF600  }
0x27: {  	[tilespmem:s11], [sflag:$0x4] =	stream.indirect.gather [hbm4b:s4+s24], $0x1, s8, s24, $0xb8;
	[tilespmem:$0x5000] =	vst v63  }
0x28: {  	s12 =	simm.s32 $0x3C00  }
0x29: {  	[tilespmem:s12], [sflag:$0x4] =	stream.indirect.gather [hbm4b:s5+s24], $0x1, s8, s24, $0xb8;
	[tilespmem:$0x5000] =	vst v63  }
0x2a: {  	s13 =	simm.s32 $0x4600  }
0x2b: {  	[tilespmem:s13], [sflag:$0x4] =	stream.indirect.gather [hbm4b:s1+s24], $0x1, s8, s24, $0xb8;
	[tilespmem:$0x5000] =	vst v63  }
0x2c: {  	_ =	swait.ge [sflag:s0], $0xA00  }
0x2d: {  	[sflag:s0] =	ssyncset.done $0x0  }
0x2e: {  	[sflag:s0] =	ssyncadd.s32 $0xFFFFF600  }
0x2f: {  	_ =	swait.ge [sflag:s0], $0xA00  }
0x30: {  	[sflag:s0] =	ssyncset.done $0x0  }
0x31: {  	[sflag:s0] =	ssyncadd.s32 $0xFFFFF600  }
0x32: {  	_ =	swait.ge [sflag:s0], $0xA00  }
0x33: {  	[sflag:s0] =	ssyncset.done $0x0  }
0x34: {  	s23 =	rddreg [dreg:$0x7];
	[sflag:s0] =	ssyncadd.s32 $0xFFFFF600  }
0x35: {  	[hbm4b:s23+s3] =	stream.linear.scatter [tilespmem:s24], [sflag:$0x2], $0xA00, $0x38;
	[tilespmem:$0x5000] =	vst v63  }
0x36: {  	s28 =	rddreg [dreg:$0x8]  }
0x37: {  	[hbm4b:s28+s3] =	stream.linear.scatter [tilespmem:s25], [sflag:$0x2], $0xA00, $0x38;
	[tilespmem:$0x5000] =	vst v63  }
0x38: {  	s14 =	rddreg [dreg:$0x9]  }
0x39: {  	[hbm4b:s14+s3] =	stream.linear.scatter [tilespmem:s26], [sflag:$0x2], $0xA00, $0x38;
	[tilespmem:$0x5000] =	vst v63  }
0x3a: {  	s15 =	rddreg [dreg:$0xa]  }
0x3b: {  	[tilespmem:s3], [sflag:$0x3] =	stream.linear.gather [hbm4b:s15+s3], $0xA00, $0x38;
	[tilespmem:$0x5000] =	vst v63  }
0x3c: {  	_ =	swait.ge [sflag:s2], $0xA00  }
0x3d: {  	[sflag:s2] =	ssyncset.done $0x0  }
0x3e: {  	[sflag:s2] =	ssyncadd.s32 $0xFFFFF600  }
0x3f: {  	_ =	swait.ge [sflag:s2], $0xA00  }
0x40: {  	[sflag:s2] =	ssyncset.done $0x0  }
0x41: {  	[sflag:s2] =	ssyncadd.s32 $0xFFFFF600  }
0x42: {  	_ =	swait.ge [sflag:s2], $0xA00  }
0x43: {  	[sflag:s2] =	ssyncset.done $0x0  }
0x44: {  	[sflag:s2] =	ssyncadd.s32 $0xFFFFF600  }
0x45: {  	_ =	swait.ge [sflag:s10], $0xA00  }
0x46: {  	[sflag:s10] =	ssyncset.done $0x0  }
0x47: {  	[sflag:s10] =	ssyncadd.s32 $0xFFFFF600  }
0x48: {  	[tilespmem:s24], [sflag:$0x1] =	stream.indirect.gather [hbm4b:s4+s24], $0x1, s3, s24, $0xb8;
	[tilespmem:$0x5000] =	vst v63  }
0x49: {  	_ = 	snop  }
0x4a: {  	[tilespmem:s25], [sflag:$0x1] =	stream.indirect.gather [hbm4b:s5+s24], $0x1, s3, s24, $0xb8;
	[tilespmem:$0x5000] =	vst v63  }
0x4b: {  	s16 =	simm.s32 $0x4  }
0x4c: {  	[tilespmem:s26], [sflag:$0x1] =	stream.indirect.gather [hbm4b:s1+s24], $0x1, s3, s24, $0xb8;
	[tilespmem:$0x5000] =	vst v63  }
0x4d: {  	_ =	swait.ge [sflag:s16], $0xA00  }
0x4e: {  	[sflag:s16] =	ssyncset.done $0x0  }
0x4f: {  	[sflag:s16] =	ssyncadd.s32 $0xFFFFF600  }
0x50: {  	_ =	swait.ge [sflag:s16], $0xA00  }
0x51: {  	[sflag:s16] =	ssyncset.done $0x0  }
0x52: {  	[sflag:s16] =	ssyncadd.s32 $0xFFFFF600  }
0x53: {  	_ =	swait.ge [sflag:s16], $0xA00  }
0x54: {  	[sflag:s16] =	ssyncset.done $0x0  }
0x55: {  	s17 =	rddreg [dreg:$0xb];
	[sflag:s16] =	ssyncadd.s32 $0xFFFFF600  }
0x56: {  	[hbm4b:s17+s3] =	stream.linear.scatter [tilespmem:s11], [sflag:$0x5], $0xA00, $0x38;
	[tilespmem:$0x5000] =	vst v63  }
0x57: {  	s22 =	rddreg [dreg:$0xc]  }
0x58: {  	[hbm4b:s22+s3] =	stream.linear.scatter [tilespmem:s12], [sflag:$0x5], $0xA00, $0x38;
	[tilespmem:$0x5000] =	vst v63  }
0x59: {  	s23 =	rddreg [dreg:$0xd]  }
0x5a: {  	[hbm4b:s23+s3] =	stream.linear.scatter [tilespmem:s13], [sflag:$0x5], $0xA00, $0x38;
	[tilespmem:$0x5000] =	vst v63  }
0x5b: {  	s28 =	rddreg [dreg:$0xe]  }
0x5c: {  	[tilespmem:s8], [sflag:$0x6] =	stream.linear.gather [hbm4b:s28+s3], $0xA00, $0x38;
	[tilespmem:$0x5000] =	vst v63  }
0x5d: {  	s8 =	sadd.s32 $0x0, s6  }
0x5e: {  	s13 =	sadd.s32 $0x60, s8  }
0x5f: {  	p2 =	sgt.u32 s13, $0x4E1  }
0x60: {  	s11 =	simm.s32 @!p2 $0x5  }
0x61: {  	_ =	swait.ge @!p2 [sflag:s11], $0xA00  }
0x62: {  	[sflag:s11] =	ssyncset.done @!p2 $0x0  }
0x63: {  	[sflag:s11] =	ssyncadd.s32 @!p2 $0xFFFFF600  }
0x64: {  	_ =	swait.ge @!p2 [sflag:s11], $0xA00  }
0x65: {  	[sflag:s11] =	ssyncset.done @!p2 $0x0  }
0x66: {  	p0 =	por p2, p2;
	[sflag:s11] =	ssyncadd.s32 @!p2 $0xFFFFF600  }
0x67: {  	_ =	swait.ge @!p0 [sflag:s11], $0xA00  }
0x68: {  	[sflag:s11] =	ssyncset.done @!p0 $0x0  }
0x69: {  	s12 =	simm.s32 @!p0 $0x6;
	[sflag:s11] =	ssyncadd.s32 @!p0 $0xFFFFF600  }
0x6a: {  	_ =	swait.ge @!p0 [sflag:s12], $0xA00  }
0x6b: {  	s13 =	simm.s32 @!p0 $0x3200;
	[sflag:s12] =	ssyncset.done @!p0 $0x0  }
0x6c: {  	s14 =	simm.s32 @!p0 $0x2800;
	s11 =	simm.s32 @!p0 $0xA00;
	[sflag:s12] =	ssyncadd.s32 @!p0 $0xFFFFF600  }
0x6d: {  	[tilespmem:s13], [sflag:$0x4] =	stream.indirect.gather @!p0 [hbm4b:s4+s11], $0x1, s14, s11, $0xb8;
	[tilespmem:$0x5000] =	vst v63  }
0x6e: {  	s16 =	simm.s32 @!p0 $0x3C00  }
0x6f: {  	[tilespmem:s16], [sflag:$0x4] =	stream.indirect.gather @!p0 [hbm4b:s5+s11], $0x1, s14, s11, $0xb8;
	[tilespmem:$0x5000] =	vst v63  }
0x70: {  	s15 =	simm.s32 @!p0 $0x4600  }
0x71: {  	[tilespmem:s15], [sflag:$0x4] =	stream.indirect.gather @!p0 [hbm4b:s1+s11], $0x1, s14, s11, $0xb8;
	[tilespmem:$0x5000] =	vst v63  }
0x72: {  	_ =	swait.ge [sflag:s0], $0xA00  }
0x73: {  	[sflag:s0] =	ssyncset.done $0x0  }
0x74: {  	[sflag:s0] =	ssyncadd.s32 $0xFFFFF600  }
0x75: {  	_ =	swait.ge [sflag:s0], $0xA00  }
0x76: {  	[sflag:s0] =	ssyncset.done $0x0  }
0x77: {  	[sflag:s0] =	ssyncadd.s32 $0xFFFFF600  }
0x78: {  	s17 =	sadd.s32 $0x0, s19;
	_ =	swait.ge [sflag:s0], $0xA00  }
0x79: {  	s10 =	sadd.s32 $0x80, s8;
	s14 =	sadd.s32 $0x0, s18;
	[sflag:s0] =	ssyncset.done $0x0  }
0x7a: {  	p3 =	sgt.u32 s10, $0x4E1;
	s10 =	sadd.s32 $0x5000, s14;
	[sflag:s0] =	ssyncadd.s32 $0xFFFFF600  }
0x7b: {  	[hbm4b:s10+s3] =	stream.linear.scatter [tilespmem:s24], [sflag:$0x2], $0xA00, $0x38;
	[tilespmem:$0x5000] =	vst v63  }
0x7c: {  	s22 =	sadd.s32 $0x5000, s17;
	s23 =	sadd.s32 $0x0, s20  }
0x7d: {  	[hbm4b:s22+s3] =	stream.linear.scatter [tilespmem:s25], [sflag:$0x2], $0xA00, $0x38;
	[tilespmem:$0x5000] =	vst v63  }
0x7e: {  	s11 =	sadd.s32 $0x5000, s23;
	s28 =	rddreg [dreg:$0x4];
	s10 =	sadd.s32 @!p3 $0x0, s21  }
0x7f: {  	[hbm4b:s11+s3] =	stream.linear.scatter [tilespmem:s26], [sflag:$0x2], $0xA00, $0x38;
	[tilespmem:$0x5000] =	vst v63  }
0x80: {  	p1 =	sle.u32 s28, $0x40;
	s10 =	sadd.s32 @!p3 $0xA000, s10;
	s11 =	simm.s32 @!p3 $0x0  }
0x81: {  	[tilespmem:s11], [sflag:$0x3] =	stream.linear.gather @!p3 [hbm4b:s10+s11], $0xA00, $0x38;
	[tilespmem:$0x5000] =	vst v63  }
0x82: {  	s10 =	simm.s32 @!p1 $0x2  }
0x83: {  	_ =	swait.ge @!p1 [sflag:s10], $0xA00  }
0x84: {  	[sflag:s10] =	ssyncset.done @!p1 $0x0  }
0x85: {  	[sflag:s10] =	ssyncadd.s32 @!p1 $0xFFFFF600  }
0x86: {  	_ =	swait.ge @!p1 [sflag:s10], $0xA00  }
0x87: {  	[sflag:s10] =	ssyncset.done @!p1 $0x0  }
0x88: {  	[sflag:s10] =	ssyncadd.s32 @!p1 $0xFFFFF600  }
0x89: {  	_ =	swait.ge @!p1 [sflag:s10], $0xA00  }
0x8a: {  	[sflag:s10] =	ssyncset.done @!p1 $0x0  }
0x8b: {  	s17 =	sadd.s32 @!p2 $0x0, s20;
	s12 =	simm.s32 @!p1 $0x3;
	[sflag:s10] =	ssyncadd.s32 @!p1 $0xFFFFF600  }
0x8c: {  	s17 =	sadd.s32 @!p2 $0x7800, s17;
	s14 =	simm.s32 $0xF000;
	_ =	swait.ge @!p1 [sflag:s12], $0xA00  }
0x8d: {  	s28 =	simm.s32 @!p1 $0x0;
	s29 =	simm.s32 @!p1 $0xA00;
	[sflag:s12] =	ssyncset.done @!p1 $0x0  }
0x8e: {  	s22 =	sadd.s32 @!p2 $0x0, s6;
	s11 =	simm.s32 $0x5000;
	[sflag:s12] =	ssyncadd.s32 @!p1 $0xFFFFF600  }
0x8f: {  	[tilespmem:s29], [sflag:$0x1] =	stream.indirect.gather @!p1 [hbm4b:s4+s29], $0x1, s28, s29, $0xb8;
	[tilespmem:$0x5000] =	vst v63  }
0x90: {  	s10 =	simm.s32 $0xA000;
	s12 =	sadd.s32 @!p2 $0xA0, s22;
	s22 =	simm.s32 @!p1 $0x1400  }
0x91: {  	[tilespmem:s22], [sflag:$0x1] =	stream.indirect.gather @!p1 [hbm4b:s5+s29], $0x1, s28, s29, $0xb8;
	[tilespmem:$0x5000] =	vst v63  }
0x92: {  	p3 =	sgt.u32 @!p2 s12, $0x4E1;
	s12 =	simm.s32 @!p1 $0x1E00;
	s22 =	simm.s32 @!p0 $0x4  }
0x93: {  	[tilespmem:s12], [sflag:$0x1] =	stream.indirect.gather @!p1 [hbm4b:s1+s29], $0x1, s28, s29, $0xb8;
	[tilespmem:$0x5000] =	vst v63  }
0x94: {  	p1 =	por p3, p2;
	s12 =	sadd.s32 @!p2 $0x0, s18;
	_ =	swait.ge @!p0 [sflag:s22], $0xA00  }
0x95: {  	s28 =	sadd.s32 @!p1 $0x0, s21;
	s30 =	sadd.s32 @!p2 $0x7800, s12;
	[sflag:s22] =	ssyncset.done @!p0 $0x0  }
0x96: {  	s12 =	sadd.s32 @!p2 $0x0, s19;
	s29 =	sadd.s32 @!p1 $0xC800, s28;
	[sflag:s22] =	ssyncadd.s32 @!p0 $0xFFFFF600  }
0x97: {  	s31 =	sadd.s32 @!p0 $0x7800, s12;
	s12 =	simm.s32 $0x40;
	_ =	swait.ge @!p0 [sflag:s22], $0xA00  }
.LBB2_2:
0x98: {  	[sflag:s22] =	ssyncset.done @!p0 $0x0  }
0x99: {  	[sflag:s22] =	ssyncadd.s32 @!p0 $0xFFFFF600  }
0x9a: {  	_ =	swait.ge @!p0 [sflag:s22], $0xA00  }
0x9b: {  	[sflag:s22] =	ssyncset.done @!p0 $0x0  }
0x9c: {  	s23 =	sadd.s32 s12, s6;
	s7 =	simm.s32 @!p0 $0x0;
	[sflag:s22] =	ssyncadd.s32 @!p0 $0xFFFFF600  }
0x9d: {  	[hbm4b:s30+s7] =	stream.linear.scatter @!p0 [tilespmem:s13], [sflag:$0x5], $0xA00, $0x38;
	[tilespmem:$0x5000] =	vst v63  }
0x9e: {  	s8 =	sadd.s32 $0x60, s23  }
0x9f: {  	[hbm4b:s31+s7] =	stream.linear.scatter @!p0 [tilespmem:s16], [sflag:$0x5], $0xA00, $0x38;
	[tilespmem:$0x5000] =	vst v63  }
0xa0: {  	p4 =	sgt.u32 s8, $0x4E1  }
0xa1: {  	[hbm4b:s17+s7] =	stream.linear.scatter @!p0 [tilespmem:s15], [sflag:$0x5], $0xA00, $0x38;
	[tilespmem:$0x5000] =	vst v63  }
0xa2: {  	s8 =	simm.s32 @!p1 $0x0;
	s13 =	simm.s32 @!p1 $0x2800;
	s7 =	simm.s32 @!p4 $0x5  }
0xa3: {  	[tilespmem:s13], [sflag:$0x6] =	stream.linear.gather @!p1 [hbm4b:s29+s8], $0xA00, $0x38;
	[tilespmem:$0x5000] =	vst v63  }
0xa4: {  	_ =	swait.ge @!p4 [sflag:s7], $0xA00  }
0xa5: {  	s23 =	sadd.s32 $0x80, s23;
	[sflag:s7] =	ssyncset.done @!p4 $0x0  }
0xa6: {  	p3 =	sgt.u32 s23, $0x4E1;
	s16 =	sadd.s32 @!p4 s12, s6;
	[sflag:s7] =	ssyncadd.s32 @!p4 $0xFFFFF600  }
0xa7: {  	s15 =	sadd.s32 @!p4 s11, s20;
	s8 =	sadd.s32 @!p4 $0xA0, s16;
	_ =	swait.ge @!p4 [sflag:s7], $0xA00  }
0xa8: {  	s17 =	sadd.s32 @!p4 $0x7800, s15;
	p0 =	sgt.u32 @!p4 s8, $0x4E1;
	[sflag:s7] =	ssyncset.done @!p4 $0x0  }
0xa9: {  	p1 =	por p0, p4;
	p0 =	por p4, p4;
	[sflag:s7] =	ssyncadd.s32 @!p4 $0xFFFFF600  }
0xaa: {  	s13 =	sadd.s32 @!p3 s11, s21;
	s8 =	sadd.s32 @!p4 s11, s18;
	_ =	swait.ge @!p0 [sflag:s7], $0xA00  }
0xab: {  	s22 =	sadd.s32 @!p3 $0xA000, s13;
	s30 =	sadd.s32 @!p4 $0x7800, s8;
	[sflag:s7] =	ssyncset.done @!p0 $0x0  }
0xac: {  	s8 =	sadd.s32 @!p4 s11, s19;
	s15 =	simm.s32 @!p0 $0x6;
	[sflag:s7] =	ssyncadd.s32 @!p0 $0xFFFFF600  }
0xad: {  	s13 =	sadd.s32 @!p1 s11, s21;
	s31 =	sadd.s32 @!p0 $0x7800, s8;
	_ =	swait.ge @!p0 [sflag:s15], $0xA00  }
0xae: {  	s8 =	simm.s32 @!p0 $0x2800;
	s29 =	sadd.s32 @!p1 $0xC800, s13;
	[sflag:s15] =	ssyncset.done @!p0 $0x0  }
0xaf: {  	s13 =	simm.s32 @!p0 $0x3200;
	s7 =	simm.s32 @!p0 $0xA00;
	[sflag:s15] =	ssyncadd.s32 @!p0 $0xFFFFF600  }
0xb0: {  	[tilespmem:s13], [sflag:$0x4] =	stream.indirect.gather @!p0 [hbm4b:s4+s7], $0x1, s8, s7, $0xb8;
	[tilespmem:$0x5000] =	vst v63  }
0xb1: {  	s16 =	simm.s32 @!p0 $0x3C00  }
0xb2: {  	[tilespmem:s16], [sflag:$0x4] =	stream.indirect.gather @!p0 [hbm4b:s5+s7], $0x1, s8, s7, $0xb8;
	[tilespmem:$0x5000] =	vst v63  }
0xb3: {  	s15 =	simm.s32 @!p0 $0x4600  }
0xb4: {  	[tilespmem:s15], [sflag:$0x4] =	stream.indirect.gather @!p0 [hbm4b:s1+s7], $0x1, s8, s7, $0xb8;
	[tilespmem:$0x5000] =	vst v63  }
0xb5: {  	_ =	swait.ge [sflag:s0], $0xA00  }
0xb6: {  	[sflag:s0] =	ssyncset.done $0x0  }
0xb7: {  	[sflag:s0] =	ssyncadd.s32 $0xFFFFF600  }
0xb8: {  	_ =	swait.ge [sflag:s0], $0xA00  }
0xb9: {  	[sflag:s0] =	ssyncset.done $0x0  }
0xba: {  	[sflag:s0] =	ssyncadd.s32 $0xFFFFF600  }
0xbb: {  	_ =	swait.ge [sflag:s0], $0xA00  }
0xbc: {  	s8 =	sadd.s32 s11, s18;
	[sflag:s0] =	ssyncset.done $0x0  }
0xbd: {  	s23 =	sadd.s32 s11, s19;
	s7 =	sadd.s32 $0x5000, s8;
	[sflag:s0] =	ssyncadd.s32 $0xFFFFF600  }
0xbe: {  	[hbm4b:s7+s3] =	stream.linear.scatter [tilespmem:s24], [sflag:$0x2], $0xA00, $0x38;
	[tilespmem:$0x5000] =	vst v63  }
0xbf: {  	s11 =	sadd.s32 s11, s20;
	s8 =	sadd.s32 $0x5000, s23  }
0xc0: {  	[hbm4b:s8+s3] =	stream.linear.scatter [tilespmem:s25], [sflag:$0x2], $0xA00, $0x38;
	[tilespmem:$0x5000] =	vst v63  }
0xc1: {  	s12 =	sadd.s32 $0x40, s12;
	s23 =	rddreg [dreg:$0x4];
	s8 =	sadd.s32 $0x5000, s11  }
0xc2: {  	[hbm4b:s8+s3] =	stream.linear.scatter [tilespmem:s26], [sflag:$0x2], $0xA00, $0x38;
	[tilespmem:$0x5000] =	vst v63  }
0xc3: {  	p4 =	sge.u32 s12, s23;
	s7 =	simm.s32 @!p3 $0x0  }
0xc4: {  	[tilespmem:s7], [sflag:$0x3] =	stream.linear.gather @!p3 [hbm4b:s22+s7], $0xA00, $0x38;
	[tilespmem:$0x5000] =	vst v63  }
0xc5: {  	s7 =	simm.s32 @!p4 $0x2  }
0xc6: {  	_ =	swait.ge @!p4 [sflag:s7], $0xA00  }
0xc7: {  	[sflag:s7] =	ssyncset.done @!p4 $0x0  }
0xc8: {  	[sflag:s7] =	ssyncadd.s32 @!p4 $0xFFFFF600  }
0xc9: {  	_ =	swait.ge @!p4 [sflag:s7], $0xA00  }
0xca: {  	[sflag:s7] =	ssyncset.done @!p4 $0x0  }
0xcb: {  	[sflag:s7] =	ssyncadd.s32 @!p4 $0xFFFFF600  }
0xcc: {  	_ =	swait.ge @!p4 [sflag:s7], $0xA00  }
0xcd: {  	[sflag:s7] =	ssyncset.done @!p4 $0x0  }
0xce: {  	s8 =	simm.s32 @!p4 $0x3;
	[sflag:s7] =	ssyncadd.s32 @!p4 $0xFFFFF600  }
0xcf: {  	_ =	swait.ge @!p4 [sflag:s8], $0xA00  }
0xd0: {  	[sflag:s8] =	ssyncset.done @!p4 $0x0  }
0xd1: {  	s23 =	simm.s32 @!p4 $0xA00;
	s7 =	simm.s32 @!p4 $0x0;
	[sflag:s8] =	ssyncadd.s32 @!p4 $0xFFFFF600  }
0xd2: {  	[tilespmem:s23], [sflag:$0x1] =	stream.indirect.gather @!p4 [hbm4b:s4+s23], $0x1, s7, s23, $0xb8;
	[tilespmem:$0x5000] =	vst v63  }
0xd3: {  	s28 =	smov.u32 s14;
	s14 =	sadd.s32 $0x5000, s14;
	s8 =	simm.s32 @!p4 $0x1400  }
0xd4: {  	[tilespmem:s8], [sflag:$0x1] =	stream.indirect.gather @!p4 [hbm4b:s5+s23], $0x1, s7, s23, $0xb8;
	[tilespmem:$0x5000] =	vst v63  }
0xd5: {  	p2 =	sne.s32 s14, $0x5F000;
	s8 =	simm.s32 @!p4 $0x1E00  }
0xd6: {  	[tilespmem:s8], [sflag:$0x1] =	stream.indirect.gather @!p4 [hbm4b:s1+s23], $0x1, s7, s23, $0xb8;
	[tilespmem:$0x5000] =	vst v63  }
.Ltmp0:
0xd7: {  	s22 =	simm.s32 @!p0 $0x4;
	(pc) =	sbr.rel @p2 .LBB2_2-.Ltmp0, $4  }
0xd8: {  	_ =	swait.ge @!p0 [sflag:s22], $0xA00  }
0xd9: {  	[sflag:s22] =	ssyncset.done @!p0 $0x0  }
0xda: {  	[sflag:s22] =	ssyncadd.s32 @!p0 $0xFFFFF600  }
0xdb: {  	s11 =	smov.u32 s10;
	s10 =	smov.u32 s28;
	_ =	swait.ge @!p0 [sflag:s22], $0xA00  }
0xdc: {  	[sflag:s22] =	ssyncset.done @!p0 $0x0  }
0xdd: {  	[sflag:s22] =	ssyncadd.s32 @!p0 $0xFFFFF600  }
0xde: {  	_ =	swait.ge @!p0 [sflag:s22], $0xA00  }
0xdf: {  	[sflag:s22] =	ssyncset.done @!p0 $0x0  }
0xe0: {  	s7 =	simm.s32 @!p0 $0x0;
	[sflag:s22] =	ssyncadd.s32 @!p0 $0xFFFFF600  }
0xe1: {  	[hbm4b:s30+s7] =	stream.linear.scatter @!p0 [tilespmem:s13], [sflag:$0x5], $0xA00, $0x38;
	[tilespmem:$0x5000] =	vst v63  }
0xe2: {  	s8 =	sadd.s32 s12, s6  }
0xe3: {  	[hbm4b:s31+s7] =	stream.linear.scatter @!p0 [tilespmem:s16], [sflag:$0x5], $0xA00, $0x38;
	[tilespmem:$0x5000] =	vst v63  }
0xe4: {  	s31 =	sadd.s32 $0x60, s8  }
0xe5: {  	p2 =	sgt.u32 s31, $0x4E1  }
0xe6: {  	[hbm4b:s17+s7] =	stream.linear.scatter @!p0 [tilespmem:s15], [sflag:$0x5], $0xA00, $0x38;
	[tilespmem:$0x5000] =	vst v63  }
0xe7: {  	s13 =	simm.s32 @!p1 $0x0;
	s7 =	simm.s32 @!p1 $0x2800;
	s14 =	simm.s32 @!p2 $0x5  }
0xe8: {  	[tilespmem:s7], [sflag:$0x6] =	stream.linear.gather @!p1 [hbm4b:s29+s13], $0xA00, $0x38;
	[tilespmem:$0x5000] =	vst v63  }
0xe9: {  	_ =	swait.ge @!p2 [sflag:s14], $0xA00  }
0xea: {  	[sflag:s14] =	ssyncset.done @!p2 $0x0  }
0xeb: {  	[sflag:s14] =	ssyncadd.s32 @!p2 $0xFFFFF600  }
0xec: {  	_ =	swait.ge @!p2 [sflag:s14], $0xA00  }
0xed: {  	[sflag:s14] =	ssyncset.done @!p2 $0x0  }
0xee: {  	p1 =	por p2, p2;
	[sflag:s14] =	ssyncadd.s32 @!p2 $0xFFFFF600  }
0xef: {  	_ =	swait.ge @!p1 [sflag:s14], $0xA00  }
0xf0: {  	[sflag:s14] =	ssyncset.done @!p1 $0x0  }
0xf1: {  	s7 =	simm.s32 @!p1 $0x6;
	[sflag:s14] =	ssyncadd.s32 @!p1 $0xFFFFF600  }
0xf2: {  	_ =	swait.ge @!p1 [sflag:s7], $0xA00  }
0xf3: {  	s16 =	simm.s32 @!p1 $0x3200;
	[sflag:s7] =	ssyncset.done @!p1 $0x0  }
0xf4: {  	s13 =	simm.s32 @!p1 $0xA00;
	s17 =	simm.s32 @!p1 $0x2800;
	[sflag:s7] =	ssyncadd.s32 @!p1 $0xFFFFF600  }
0xf5: {  	[tilespmem:s16], [sflag:$0x4] =	stream.indirect.gather @!p1 [hbm4b:s4+s13], $0x1, s17, s13, $0xb8;
	[tilespmem:$0x5000] =	vst v63  }
0xf6: {  	s15 =	simm.s32 @!p1 $0x3C00  }
0xf7: {  	[tilespmem:s15], [sflag:$0x4] =	stream.indirect.gather @!p1 [hbm4b:s5+s13], $0x1, s17, s13, $0xb8;
	[tilespmem:$0x5000] =	vst v63  }
0xf8: {  	s14 =	simm.s32 @!p1 $0x4600  }
0xf9: {  	[tilespmem:s14], [sflag:$0x4] =	stream.indirect.gather @!p1 [hbm4b:s1+s13], $0x1, s17, s13, $0xb8;
	[tilespmem:$0x5000] =	vst v63  }
0xfa: {  	_ =	swait.ge [sflag:s0], $0xA00  }
0xfb: {  	[sflag:s0] =	ssyncset.done $0x0  }
0xfc: {  	[sflag:s0] =	ssyncadd.s32 $0xFFFFF600  }
0xfd: {  	_ =	swait.ge [sflag:s0], $0xA00  }
0xfe: {  	[sflag:s0] =	ssyncset.done $0x0  }
0xff: {  	[sflag:s0] =	ssyncadd.s32 $0xFFFFF600  }
0x100: {  	s28 =	sadd.s32 s11, s20;
	_ =	swait.ge [sflag:s0], $0xA00  }
0x101: {  	s22 =	sadd.s32 s11, s19;
	s17 =	sadd.s32 s11, s18;
	[sflag:s0] =	ssyncset.done $0x0  }
0x102: {  	s13 =	sadd.s32 $0x80, s8;
	s7 =	sadd.s32 $0x5000, s17;
	[sflag:s0] =	ssyncadd.s32 $0xFFFFF600  }
0x103: {  	[hbm4b:s7+s3] =	stream.linear.scatter [tilespmem:s24], [sflag:$0x2], $0xA00, $0x38;
	[tilespmem:$0x5000] =	vst v63  }
0x104: {  	s23 =	sadd.s32 $0x5000, s22;
	s8 =	sadd.s32 $0x5000, s28;
	p3 =	sgt.u32 s13, $0x4E1  }
0x105: {  	[hbm4b:s23+s3] =	stream.linear.scatter [tilespmem:s25], [sflag:$0x2], $0xA00, $0x38;
	[tilespmem:$0x5000] =	vst v63  }
0x106: {  	s13 =	sadd.s32 $0x40, s12;
	s29 =	rddreg [dreg:$0x4];
	s7 =	sadd.s32 @!p3 s11, s21  }
0x107: {  	[hbm4b:s8+s3] =	stream.linear.scatter [tilespmem:s26], [sflag:$0x2], $0xA00, $0x38;
	[tilespmem:$0x5000] =	vst v63  }
0x108: {  	p0 =	sge.u32 s13, s29;
	s7 =	sadd.s32 @!p3 $0xA000, s7;
	s8 =	simm.s32 @!p3 $0x0  }
0x109: {  	[tilespmem:s8], [sflag:$0x3] =	stream.linear.gather @!p3 [hbm4b:s7+s8], $0xA00, $0x38;
	[tilespmem:$0x5000] =	vst v63  }
0x10a: {  	s7 =	simm.s32 @!p0 $0x2  }
0x10b: {  	_ =	swait.ge @!p0 [sflag:s7], $0xA00  }
0x10c: {  	[sflag:s7] =	ssyncset.done @!p0 $0x0  }
0x10d: {  	[sflag:s7] =	ssyncadd.s32 @!p0 $0xFFFFF600  }
0x10e: {  	_ =	swait.ge @!p0 [sflag:s7], $0xA00  }
0x10f: {  	[sflag:s7] =	ssyncset.done @!p0 $0x0  }
0x110: {  	[sflag:s7] =	ssyncadd.s32 @!p0 $0xFFFFF600  }
0x111: {  	_ =	swait.ge @!p0 [sflag:s7], $0xA00  }
0x112: {  	[sflag:s7] =	ssyncset.done @!p0 $0x0  }
0x113: {  	s8 =	simm.s32 @!p0 $0x3;
	[sflag:s7] =	ssyncadd.s32 @!p0 $0xFFFFF600  }
0x114: {  	_ =	swait.ge @!p0 [sflag:s8], $0xA00  }
0x115: {  	[sflag:s8] =	ssyncset.done @!p0 $0x0  }
0x116: {  	s17 =	simm.s32 @!p0 $0xA00;
	s7 =	simm.s32 @!p0 $0x0;
	[sflag:s8] =	ssyncadd.s32 @!p0 $0xFFFFF600  }
0x117: {  	[tilespmem:s17], [sflag:$0x1] =	stream.indirect.gather @!p0 [hbm4b:s4+s17], $0x1, s7, s17, $0xb8;
	[tilespmem:$0x5000] =	vst v63  }
0x118: {  	s8 =	simm.s32 @!p0 $0x1400  }
0x119: {  	[tilespmem:s8], [sflag:$0x1] =	stream.indirect.gather @!p0 [hbm4b:s5+s17], $0x1, s7, s17, $0xb8;
	[tilespmem:$0x5000] =	vst v63  }
0x11a: {  	s8 =	simm.s32 @!p0 $0x1E00  }
0x11b: {  	[tilespmem:s8], [sflag:$0x1] =	stream.indirect.gather @!p0 [hbm4b:s1+s17], $0x1, s7, s17, $0xb8;
	[tilespmem:$0x5000] =	vst v63  }
0x11c: {  	s7 =	simm.s32 @!p1 $0x4  }
0x11d: {  	_ =	swait.ge @!p1 [sflag:s7], $0xA00  }
0x11e: {  	[sflag:s7] =	ssyncset.done @!p1 $0x0  }
0x11f: {  	[sflag:s7] =	ssyncadd.s32 @!p1 $0xFFFFF600  }
0x120: {  	_ =	swait.ge @!p1 [sflag:s7], $0xA00  }
0x121: {  	[sflag:s7] =	ssyncset.done @!p1 $0x0  }
0x122: {  	[sflag:s7] =	ssyncadd.s32 @!p1 $0xFFFFF600  }
0x123: {  	_ =	swait.ge @!p1 [sflag:s7], $0xA00  }
0x124: {  	s8 =	sadd.s32 @!p2 s11, s18;
	[sflag:s7] =	ssyncset.done @!p1 $0x0  }
0x125: {  	s8 =	sadd.s32 @!p2 $0x7800, s8;
	[sflag:s7] =	ssyncadd.s32 @!p1 $0xFFFFF600;
	s7 =	simm.s32 @!p1 $0x0  }
0x126: {  	[hbm4b:s8+s7] =	stream.linear.scatter @!p1 [tilespmem:s16], [sflag:$0x5], $0xA00, $0x38;
	[tilespmem:$0x5000] =	vst v63  }
0x127: {  	s8 =	sadd.s32 @!p2 s12, s6  }
0x128: {  	s8 =	sadd.s32 @!p2 $0xA0, s8  }
0x129: {  	s30 =	sadd.s32 s13, s6;
	p0 =	sgt.u32 @!p2 s8, $0x4E1;
	s8 =	sadd.s32 @!p2 s11, s19  }
0x12a: {  	s31 =	sadd.s32 $0x60, s30;
	s8 =	sadd.s32 @!p1 $0x7800, s8  }
0x12b: {  	[hbm4b:s8+s7] =	stream.linear.scatter @!p1 [tilespmem:s15], [sflag:$0x5], $0xA00, $0x38;
	[tilespmem:$0x5000] =	vst v63  }
0x12c: {  	p3 =	por p0, p2;
	p0 =	sgt.u32 s31, $0x4E1;
	s8 =	sadd.s32 @!p2 s11, s20  }
0x12d: {  	s11 =	sadd.s32 @!p3 s11, s21;
	s12 =	simm.s32 @!p0 $0x5;
	s8 =	sadd.s32 @!p2 $0x7800, s8  }
0x12e: {  	[hbm4b:s8+s7] =	stream.linear.scatter @!p1 [tilespmem:s14], [sflag:$0x5], $0xA00, $0x38;
	[tilespmem:$0x5000] =	vst v63  }
0x12f: {  	s11 =	sadd.s32 @!p3 $0xC800, s11;
	s7 =	simm.s32 @!p3 $0x2800;
	s8 =	simm.s32 @!p3 $0x0  }
0x130: {  	[tilespmem:s7], [sflag:$0x6] =	stream.linear.gather @!p3 [hbm4b:s11+s8], $0xA00, $0x38;
	[tilespmem:$0x5000] =	vst v63  }
0x131: {  	_ =	swait.ge @!p0 [sflag:s12], $0xA00  }
0x132: {  	[sflag:s12] =	ssyncset.done @!p0 $0x0  }
0x133: {  	[sflag:s12] =	ssyncadd.s32 @!p0 $0xFFFFF600  }
0x134: {  	_ =	swait.ge @!p0 [sflag:s12], $0xA00  }
0x135: {  	[sflag:s12] =	ssyncset.done @!p0 $0x0  }
0x136: {  	p1 =	por p0, p0;
	[sflag:s12] =	ssyncadd.s32 @!p0 $0xFFFFF600  }
0x137: {  	_ =	swait.ge @!p1 [sflag:s12], $0xA00  }
0x138: {  	[sflag:s12] =	ssyncset.done @!p1 $0x0  }
0x139: {  	s7 =	simm.s32 @!p1 $0x6;
	[sflag:s12] =	ssyncadd.s32 @!p1 $0xFFFFF600  }
0x13a: {  	_ =	swait.ge @!p1 [sflag:s7], $0xA00  }
0x13b: {  	s15 =	simm.s32 @!p1 $0x2800;
	[sflag:s7] =	ssyncset.done @!p1 $0x0  }
0x13c: {  	s11 =	simm.s32 @!p1 $0x3200;
	s8 =	simm.s32 @!p1 $0xA00;
	[sflag:s7] =	ssyncadd.s32 @!p1 $0xFFFFF600  }
0x13d: {  	[tilespmem:s11], [sflag:$0x4] =	stream.indirect.gather @!p1 [hbm4b:s4+s8], $0x1, s15, s8, $0xb8;
	[tilespmem:$0x5000] =	vst v63  }
0x13e: {  	s14 =	simm.s32 @!p1 $0x3C00  }
0x13f: {  	[tilespmem:s14], [sflag:$0x4] =	stream.indirect.gather @!p1 [hbm4b:s5+s8], $0x1, s15, s8, $0xb8;
	[tilespmem:$0x5000] =	vst v63  }
0x140: {  	s12 =	simm.s32 @!p1 $0x4600  }
0x141: {  	[tilespmem:s12], [sflag:$0x4] =	stream.indirect.gather @!p1 [hbm4b:s1+s8], $0x1, s15, s8, $0xb8;
	[tilespmem:$0x5000] =	vst v63  }
0x142: {  	_ =	swait.ge [sflag:s0], $0xA00  }
0x143: {  	[sflag:s0] =	ssyncset.done $0x0  }
0x144: {  	[sflag:s0] =	ssyncadd.s32 $0xFFFFF600  }
0x145: {  	_ =	swait.ge [sflag:s0], $0xA00  }
0x146: {  	[sflag:s0] =	ssyncset.done $0x0  }
0x147: {  	[sflag:s0] =	ssyncadd.s32 $0xFFFFF600  }
0x148: {  	s22 =	sadd.s32 s10, s20;
	_ =	swait.ge [sflag:s0], $0xA00  }
0x149: {  	s17 =	sadd.s32 $0x80, s30;
	s8 =	sadd.s32 s10, s18;
	[sflag:s0] =	ssyncset.done $0x0  }
0x14a: {  	s15 =	sadd.s32 s10, s19;
	s7 =	sadd.s32 $0x5000, s8;
	[sflag:s0] =	ssyncadd.s32 $0xFFFFF600  }
0x14b: {  	[hbm4b:s7+s3] =	stream.linear.scatter [tilespmem:s24], [sflag:$0x2], $0xA00, $0x38;
	[tilespmem:$0x5000] =	vst v63  }
0x14c: {  	s28 =	sadd.s32 $0x5000, s22;
	p3 =	sgt.u32 s17, $0x4E1;
	s8 =	sadd.s32 $0x5000, s15  }
0x14d: {  	[hbm4b:s8+s3] =	stream.linear.scatter [tilespmem:s25], [sflag:$0x2], $0xA00, $0x38;
	[tilespmem:$0x5000] =	vst v63  }
0x14e: {  	s29 =	sadd.s32 $0x40, s13;
	s23 =	rddreg [dreg:$0x4];
	s8 =	sadd.s32 @!p3 s10, s21  }
0x14f: {  	[hbm4b:s28+s3] =	stream.linear.scatter [tilespmem:s26], [sflag:$0x2], $0xA00, $0x38;
	[tilespmem:$0x5000] =	vst v63  }
0x150: {  	p2 =	sge.u32 s29, s23;
	s7 =	simm.s32 @!p3 $0x0;
	s8 =	sadd.s32 @!p3 $0xA000, s8  }
0x151: {  	[tilespmem:s7], [sflag:$0x3] =	stream.linear.gather @!p3 [hbm4b:s8+s7], $0xA00, $0x38;
	[tilespmem:$0x5000] =	vst v63  }
0x152: {  	s7 =	simm.s32 @!p2 $0x2  }
0x153: {  	_ =	swait.ge @!p2 [sflag:s7], $0xA00  }
0x154: {  	[sflag:s7] =	ssyncset.done @!p2 $0x0  }
0x155: {  	[sflag:s7] =	ssyncadd.s32 @!p2 $0xFFFFF600  }
0x156: {  	_ =	swait.ge @!p2 [sflag:s7], $0xA00  }
0x157: {  	[sflag:s7] =	ssyncset.done @!p2 $0x0  }
0x158: {  	[sflag:s7] =	ssyncadd.s32 @!p2 $0xFFFFF600  }
0x159: {  	_ =	swait.ge @!p2 [sflag:s7], $0xA00  }
0x15a: {  	[sflag:s7] =	ssyncset.done @!p2 $0x0  }
0x15b: {  	s8 =	simm.s32 @!p2 $0x3;
	[sflag:s7] =	ssyncadd.s32 @!p2 $0xFFFFF600  }
0x15c: {  	_ =	swait.ge @!p2 [sflag:s8], $0xA00  }
0x15d: {  	[sflag:s8] =	ssyncset.done @!p2 $0x0  }
0x15e: {  	s15 =	simm.s32 @!p2 $0xA00;
	s7 =	simm.s32 @!p2 $0x0;
	[sflag:s8] =	ssyncadd.s32 @!p2 $0xFFFFF600  }
0x15f: {  	[tilespmem:s15], [sflag:$0x1] =	stream.indirect.gather @!p2 [hbm4b:s4+s15], $0x1, s7, s15, $0xb8;
	[tilespmem:$0x5000] =	vst v63  }
0x160: {  	s8 =	simm.s32 @!p2 $0x1400  }
0x161: {  	[tilespmem:s8], [sflag:$0x1] =	stream.indirect.gather @!p2 [hbm4b:s5+s15], $0x1, s7, s15, $0xb8;
	[tilespmem:$0x5000] =	vst v63  }
0x162: {  	s8 =	simm.s32 @!p2 $0x1E00  }
0x163: {  	[tilespmem:s8], [sflag:$0x1] =	stream.indirect.gather @!p2 [hbm4b:s1+s15], $0x1, s7, s15, $0xb8;
	[tilespmem:$0x5000] =	vst v63  }
0x164: {  	s7 =	simm.s32 @!p1 $0x4  }
0x165: {  	_ =	swait.ge @!p1 [sflag:s7], $0xA00  }
0x166: {  	[sflag:s7] =	ssyncset.done @!p1 $0x0  }
0x167: {  	[sflag:s7] =	ssyncadd.s32 @!p1 $0xFFFFF600  }
0x168: {  	_ =	swait.ge @!p1 [sflag:s7], $0xA00  }
0x169: {  	[sflag:s7] =	ssyncset.done @!p1 $0x0  }
0x16a: {  	[sflag:s7] =	ssyncadd.s32 @!p1 $0xFFFFF600  }
0x16b: {  	_ =	swait.ge @!p1 [sflag:s7], $0xA00  }
0x16c: {  	s8 =	sadd.s32 @!p0 s10, s18;
	[sflag:s7] =	ssyncset.done @!p1 $0x0  }
0x16d: {  	s8 =	sadd.s32 @!p0 $0x7800, s8;
	[sflag:s7] =	ssyncadd.s32 @!p1 $0xFFFFF600;
	s7 =	simm.s32 @!p1 $0x0  }
0x16e: {  	[hbm4b:s8+s7] =	stream.linear.scatter @!p1 [tilespmem:s11], [sflag:$0x5], $0xA00, $0x38;
	[tilespmem:$0x5000] =	vst v63  }
0x16f: {  	s8 =	sadd.s32 @!p0 s10, s19  }
0x170: {  	s8 =	sadd.s32 @!p1 $0x7800, s8  }
0x171: {  	[hbm4b:s8+s7] =	stream.linear.scatter @!p1 [tilespmem:s14], [sflag:$0x5], $0xA00, $0x38;
	[tilespmem:$0x5000] =	vst v63  }
0x172: {  	s8 =	sadd.s32 @!p0 s10, s20  }
0x173: {  	s8 =	sadd.s32 @!p0 $0x7800, s8  }
0x174: {  	[hbm4b:s8+s7] =	stream.linear.scatter @!p1 [tilespmem:s12], [sflag:$0x5], $0xA00, $0x38;
	[tilespmem:$0x5000] =	vst v63  }
0x175: {  	s7 =	sadd.s32 @!p0 s13, s6  }
0x176: {  	s7 =	sadd.s32 @!p0 $0xA0, s7  }
0x177: {  	p1 =	sgt.u32 @!p0 s7, $0x4E1  }
0x178: {  	p0 =	por p1, p0  }
0x179: {  	s7 =	sadd.s32 @!p0 s10, s21  }
0x17a: {  	s8 =	simm.s32 @!p0 $0x2800;
	s10 =	simm.s32 @!p0 $0x0;
	s7 =	sadd.s32 @!p0 $0xC800, s7  }
0x17b: {  	[tilespmem:s8], [sflag:$0x6] =	stream.linear.gather @!p0 [hbm4b:s7+s10], $0xA00, $0x38;
	[tilespmem:$0x5000] =	vst v63  }
0x17c: {  	_ =	swait.ge [sflag:s2], $0xA00  }
0x17d: {  	[sflag:s2] =	ssyncset.done $0x0  }
0x17e: {  	[sflag:s2] =	ssyncadd.s32 $0xFFFFF600  }
0x17f: {  	_ =	swait.ge [sflag:s2], $0xA00  }
0x180: {  	[sflag:s2] =	ssyncset.done $0x0  }
0x181: {  	[sflag:s2] =	ssyncadd.s32 $0xFFFFF600  }
0x182: {  	_ =	swait.ge [sflag:s2], $0xA00  }
0x183: {  	[sflag:s2] =	ssyncset.done $0x0  }
0x184: {  	s30 =	simm.s32 $0x5;
	[sflag:s2] =	ssyncadd.s32 $0xFFFFF600  }
0x185: {  	_ =	swait.ge [sflag:s30], $0xA00  }
0x186: {  	[sflag:s30] =	ssyncset.done $0x0  }
0x187: {  	[sflag:s30] =	ssyncadd.s32 $0xFFFFF600  }
0x188: {  	_ =	swait.ge [sflag:s30], $0xA00  }
0x189: {  	[sflag:s30] =	ssyncset.done $0x0  }
0x18a: {  	[sflag:s30] =	ssyncadd.s32 $0xFFFFF600  }
0x18b: {  	_ =	swait.ge [sflag:s30], $0xA00  }
0x18c: {  	s9 =	sadd.s32 $0x1, s9;
	s31 =	rddreg [dreg:$0xf]  }
0x18d: {  	p0 =	sne.s32 s9, s31  }
.Ltmp1:
0x18e: {  	_ = 	snop;
	(pc) =	sbr.rel @p0 .LBB2_1-.Ltmp1, $3  }
0x18f: {  	_ =	sdelay $0x1  }
0x190: {  	[sflag:s30] =	ssyncset.done $0x0  }
0x191: {  	[sflag:s30] =	ssyncadd.s32 $0xFFFFF600  }
0x192: {  	_ =	sfence.sel $0x180000  }
0x193: {  	[bflag:$0x0] =	sbarrier.arrive $0xFFFF  }
0x194: {  	_ =	strace $0x9000004A  }
0x195: {  	s0 =	stileid.u32;
	[bflag:$0x2] =	sbarrier.arrive $0xFFFF  }
0x196: {  	p0 =	sne.s32 s0, $0x0;
	s0 =	rddreg [dreg:$0x3]  }
0x197: {  	s0 =	sadd.s32 @!p0 $0x100000, s0  }
0x198: {  	[sflag:s0] =	ssyncadd.tile.s32 @!p0 $0x1;
	_ =	shalt  }
.Lfunc_end2:
_tile_overlayer_lowered:
.L_overlay_start_2:
0x199: {  	(tag) =	ssettag $0x2  }
0x19a: {  	s0 =	rddreg [dreg:$0x0];
	s2 =	stileid.u32  }
0x19b: {  	s1 =	rddreg [dreg:$0x1];
	p0 =	sne.s32 s2, $0x0  }
0x19c: {  	s3 =	rddreg [dreg:$0x2];
	[bflag:$0x3] =	sbarrier.arrive $0xFFFF;
	s2 =	simm.s32 @!p0 $0x1C07  }
0x19d: {  	[timem:s3], [sflag:s2] =	dma.local @!p0 [hbm:s0], s1  }
0x19e: {  	s0 =	simm.s32 @!p0 $0x7  }
0x19f: {  	_ =	swait.ge @!p0 [sflag:s0], s1  }
0x1a0: {  	s1 =	ssub.s32 @!p0 $0x0, s1;
	[sflag:s0] =	ssyncset.done @!p0 $0x0  }
0x1a1: {  	[sflag:s0] =	ssyncadd.s32 @!p0 s1  }
0x1a2: {  	[bflag:$0x3] =	sbarrier.arrive $0xFFFF  }
0x1a3: {  	_ =	shalt  }

</sc_bundles>
